<compile_context>
chip_gen: v7x
topology: tpu7x:2x2x1
jax: 0.10.2.dev20260603
libtpu: 0.0.44.dev20260713+nightly
codegen_flags: <defaults>
</compile_context>

<pallas_src>
import functools

import numpy as np
import jax
import jax.numpy as jnp
from jax import lax
from jax.experimental import pallas as pl
from jax.experimental.pallas import tpu as pltpu
from jax.experimental.pallas import tpu_sc as plsc

_B, _NV, _NF = 2, 20000, 25000
_NFP = 25600
_NW = 32
_FPW = _NFP // _NW
_FB = 1024
_NB = _NFP // _FB
_PI = float(np.pi)

_FEATS = ([(64 * k, 64) for k in range(9)]
          + [(576 + 16 * a, 16) for a in range(3)]
          + [(624, 16)]
          + [(640 + 64 * a, 64) for a in range(3)]
          + [(832, 16)])
_EMANGLE_OFF = 848
_EMFREQ_OFF = 1040


def _dis(t, lo, hi, num):
    t2 = (t - lo) / (hi - lo) * num - 0.5
    return jnp.clip(jnp.round(t2), 0, num - 1).astype(jnp.int32)


@functools.cache
def _make_sc_gather():
    mesh = plsc.VectorSubcoreMesh(core_axis_name="c", subcore_axis_name="s")

    @functools.partial(
        pl.kernel,
        out_type=jax.ShapeDtypeStruct((_B * 9 * _NFP,), jnp.float32),
        scratch_types=[
            pltpu.VMEM((3 * _NV,), jnp.float32),
            pltpu.VMEM((3 * _FPW,), jnp.int32),
            pltpu.VMEM((9 * _FPW,), jnp.float32),
        ],
        compiler_params=pltpu.CompilerParams(needs_layout_passes=False),
        mesh=mesh,
    )
    def _sc_body(vt_hbm, faces_hbm, fc_hbm, vbuf, ibuf, obuf):
        wid = lax.axis_index("s") * 2 + lax.axis_index("c")
        base = wid * _FPW
        for b in range(_B):
            pltpu.sync_copy(vt_hbm.at[pl.ds(b * 3 * _NV, 3 * _NV)], vbuf)
            for s in range(3):
                pltpu.sync_copy(
                    faces_hbm.at[pl.ds((b * 3 + s) * _NFP + base, _FPW)],
                    ibuf.at[pl.ds(s * _FPW, _FPW)])

            def body(g, carry):
                for s in range(3):
                    vidx = ibuf[pl.ds(s * _FPW + g * 16, 16)]
                    for c in range(3):
                        vals = plsc.load_gather(vbuf, [vidx + c * _NV])
                        obuf[pl.ds((3 * s + c) * _FPW + g * 16, 16)] = vals
                return carry

            lax.fori_loop(0, _FPW // 16, body, 0)
            for p in range(9):
                pltpu.sync_copy(obuf.at[pl.ds(p * _FPW, _FPW)],
                                fc_hbm.at[pl.ds((b * 9 + p) * _NFP + base, _FPW)])

    return _sc_body


def _sc_gather(vt, faces_t):
    fc_flat = _make_sc_gather()(vt.reshape(-1), faces_t.reshape(-1))
    return fc_flat.reshape(_B, 9, _NFP)


def _prep_body(coor_ref, angle_ref, area_ref, normal_ref, emno_ref,
               emang_ref, emfreq_ref, w_ref, bproj_ref, bins_ref,
               tt_ref, bias_ref):
    embs = [coor_ref] * 9 + [angle_ref] * 3 + [area_ref] + [normal_ref] * 3 + [emno_ref]
    for j, (off, c) in enumerate(_FEATS):
        w = w_ref[off:off + c, :]
        e = embs[j][:, :]
        tjt = lax.dot_general(w, e, (((0,), (1,)), ((), ())),
                              preferred_element_type=jnp.float32)
        tt_ref[:, 128 * j:128 * (j + 1)] = tjt.astype(jnp.bfloat16)

    bias = jnp.broadcast_to(bproj_ref[:, :], (8, 128))
    si = lax.broadcasted_iota(jnp.int32, (8, 128), 0)
    li = lax.broadcasted_iota(jnp.int32, (8, 128), 1)
    for a in range(3):
        c0 = bins_ref[0, a]
        c1 = bins_ref[1, a]
        tgt = jnp.where(si == 0, c0, jnp.where(si == 1, c1, -1))
        oh = (li == tgt).astype(jnp.float32)
        wa = w_ref[_EMANGLE_OFF + 64 * a:_EMANGLE_OFF + 64 * a + 64, :]
        embw = lax.dot_general(emang_ref[:, :], wa, (((1,), (0,)), ((), ())),
                               preferred_element_type=jnp.float32)
        bias = bias + lax.dot_general(oh, embw, (((1,), (0,)), ((), ())),
                                      preferred_element_type=jnp.float32)
    sif = lax.broadcasted_iota(jnp.int32, (8, 512), 0)
    lif = lax.broadcasted_iota(jnp.int32, (8, 512), 1)
    f0 = bins_ref[0, 3]
    f1 = bins_ref[1, 3]
    tgtf = jnp.where(sif == 0, f0, jnp.where(sif == 1, f1, -1))
    ohf = (lif == tgtf).astype(jnp.float32)
    embwf = lax.dot_general(emfreq_ref[:, :], w_ref[_EMFREQ_OFF:, :],
                            (((1,), (0,)), ((), ())),
                            preferred_element_type=jnp.float32)
    bias = bias + lax.dot_general(ohf, embwf, (((1,), (0,)), ((), ())),
                                  preferred_element_type=jnp.float32)
    bias_ref[:, :] = bias


def _prep_call(embeds, w, bprojT, em_bins):
    n_in = len(embeds) + 2
    in_specs = [pl.BlockSpec(x.shape, lambda i, _r=x.ndim: (0,) * _r)
                for x in (*embeds, w, bprojT)]
    in_specs.append(pl.BlockSpec(memory_space=pltpu.SMEM))
    return pl.pallas_call(
        _prep_body,
        grid=(1,),
        in_specs=in_specs,
        out_specs=[pl.BlockSpec((128, 2176), lambda i: (0, 0)),
                   pl.BlockSpec((8, 128), lambda i: (0, 0))],
        out_shape=[jax.ShapeDtypeStruct((128, 2176), jnp.bfloat16),
                   jax.ShapeDtypeStruct((8, 128), jnp.float32)],
    )(*embeds, w, bprojT, em_bins)


def _acos(x):
    ax = jnp.abs(x)
    p = jnp.float32(-0.0012624911)
    for coef in (0.0066700901, -0.0170881256, 0.0308918810, -0.0501743046,
                 0.0889789874, -0.2145988016, 1.5707963050):
        p = p * ax + jnp.float32(coef)
    r = jnp.sqrt(jnp.maximum(1.0 - ax, 0.0)) * p
    return jnp.where(x < 0, _PI - r, r)


def _main_body(vecn_ref, fc_ref, tt_ref, bias_ref, out_ref, oh_ref):
    b = pl.program_id(0)
    v = [[fc_ref[0, 3 * s + c:3 * s + c + 1, :] for c in range(3)] for s in range(3)]
    e = [[v[s][c] - v[s - 1][c] for c in range(3)] for s in range(3)]
    nh = []
    for s in range(3):
        n2 = e[s][0] * e[s][0] + e[s][1] * e[s][1] + e[s][2] * e[s][2]
        den = jnp.maximum(jnp.sqrt(n2), 1e-12)
        nh.append([e[s][c] / den for c in range(3)])

    idxs = []
    for s in range(3):
        for c in range(3):
            idxs.append(_dis(v[s][c], -1.0, 1.0, 128))
    for c in range(3):
        nd = -(nh[0][c] * nh[0][c - 1] + nh[1][c] * nh[1][c - 1]
               + nh[2][c] * nh[2][c - 1])
        ang = _acos(jnp.clip(nd, -1.0 + 1e-5, 1.0 - 1e-5))
        idxs.append(_dis(ang, 0.0, _PI, 128))
    crx = e[0][1] * e[1][2] - e[0][2] * e[1][1]
    cry = e[0][2] * e[1][0] - e[0][0] * e[1][2]
    crz = e[0][0] * e[1][1] - e[0][1] * e[1][0]
    crn = jnp.sqrt(crx * crx + cry * cry + crz * crz)
    dn = jnp.maximum(crn, 1e-12)
    nr = [crx / dn, cry / dn, crz / dn]
    idxs.append(_dis(crn * 0.5, 0.0, 4.0, 128))
    for c in range(3):
        idxs.append(_dis(nr[c], -1.0, 1.0, 128))
    nn = jnp.sqrt(nr[0] * nr[0] + nr[1] * nr[1] + nr[2] * nr[2])
    dnn = jnp.maximum(nn, 1e-12)
    vx = vecn_ref[b, 0]
    vy = vecn_ref[b, 1]
    vz = vecn_ref[b, 2]
    nd2 = -((nr[0] / dnn) * vx + (nr[1] / dnn) * vy + (nr[2] / dnn) * vz)
    emno = _acos(jnp.clip(nd2, -1.0 + 1e-5, 1.0 - 1e-5))
    idxs.append(_dis(emno, 0.0, _PI, 128))

    riota = lax.broadcasted_iota(jnp.int32, (128, _FB), 0)
    for j in range(17):
        oh_ref[128 * j:128 * (j + 1), :] = (riota == idxs[j]).astype(jnp.bfloat16)
    acc = lax.dot_general(oh_ref[:, :], tt_ref[:, :], (((0,), (1,)), ((), ())),
                          preferred_element_type=jnp.float32)
    out_ref[0, :, :] = acc + bias_ref[0, :, :]


def _main_call(vecn, fc, tt, bias3):
    return pl.pallas_call(
        _main_body,
        grid=(_B, _NB),
        in_specs=[
            pl.BlockSpec(memory_space=pltpu.SMEM),
            pl.BlockSpec((1, 9, _FB), lambda b, i: (b, 0, i)),
            pl.BlockSpec((128, 2176), lambda b, i: (0, 0)),
            pl.BlockSpec((1, 1, 128), lambda b, i: (b, 0, 0)),
        ],
        out_specs=pl.BlockSpec((1, _FB, 128), lambda b, i: (b, i, 0)),
        out_shape=jax.ShapeDtypeStruct((_B, _NFP, 128), jnp.float32),
        scratch_shapes=[pltpu.VMEM((2176, _FB), jnp.bfloat16)],
        compiler_params=pltpu.CompilerParams(
            dimension_semantics=("parallel", "parallel")),
    )(vecn, fc, tt, bias3)


def kernel(vertices, faces, in_em, coor_embed, angle_embed, area_embed,
           normal_embed, emnoangle_embed, emangle_embed, emfreq_embed,
           W_proj, b_proj):
    tr = jnp.deg2rad(in_em[:, 0])
    pr = jnp.deg2rad(in_em[:, 1])
    vec = jnp.stack([jnp.sin(pr) * jnp.cos(tr), jnp.sin(pr) * jnp.sin(tr),
                     jnp.cos(pr)], axis=1)
    vn = jnp.linalg.norm(vec, axis=-1, keepdims=True)
    vecn = vec / jnp.maximum(vn, 1e-12)
    abins = _dis(vec, -1.0, 1.0, 128)
    fbin = _dis(in_em[:, 2], 0.0, 1.0, 512)
    em_bins = jnp.concatenate([abins, fbin[:, None]], axis=1)
    vecn_pad = jnp.pad(vecn, ((0, 0), (0, 1)))

    tt, bias8 = _prep_call(
        (coor_embed, angle_embed, area_embed, normal_embed, emnoangle_embed,
         emangle_embed, emfreq_embed),
        W_proj, jnp.reshape(b_proj, (1, 128)), em_bins)

    vt = vertices.transpose(0, 2, 1).reshape(_B, 3 * _NV)
    faces_t = jnp.pad(faces, ((0, 0), (0, _NFP - _NF), (0, 0))).transpose(0, 2, 1)
    fc = _sc_gather(vt, faces_t.astype(jnp.int32))

    bias3 = bias8[:_B][:, None, :]
    out = _main_call(vecn_pad.astype(jnp.float32), fc, tt, bias3)
    return out[:, :_NF, :]

# --- scband reference (transcript-rebuilt; emitter-appended) ---
"""Pipeline reference for scband-mesh-autoencoder-11029476016241 (READ-ONLY COPY).

The authoritative reference and input builder live on the scoring server;
editing this copy changes nothing except your own understanding.
"""

import jax, jax.numpy as jnp
import numpy as np

B, NV, NF = 2, 20000, 25000
DIM = 128
PI = float(np.pi)

def l2norm(t, eps=1e-12):
    n = jnp.linalg.norm(t, axis=-1, keepdims=True)
    return t / jnp.maximum(n, eps)

def discretize(t, lo, hi, num):
    t = (t - lo) / (hi - lo) * num - 0.5
    return jnp.clip(jnp.round(t), 0, num - 1).astype(jnp.int32)

def polar_to_cartesian2(theta, phi):
    tr = jnp.deg2rad(theta)
    pr = jnp.deg2rad(phi)
    return jnp.stack([jnp.sin(pr) * jnp.cos(tr), jnp.sin(pr) * jnp.sin(tr), jnp.cos(pr)], axis=1)

def coords_interangle(x, y, eps=1e-5):
    nv = l2norm(x - y)
    shifted = jnp.concatenate([nv[..., -1:], nv[..., :-1]], axis=3)
    nd = jnp.clip(-(nv * shifted).sum(axis=2), -1.0 + eps, 1.0 - eps)
    return jnp.arccos(nd)

def vector_angle(x, y, eps=1e-5):
    nd = jnp.clip(-(l2norm(x) * l2norm(y)).sum(axis=-1), -1.0 + eps, 1.0 - eps)
    return jnp.arccos(nd)

def derived_features(face_coords, in_em):
    face_coords = jax.lax.stop_gradient(face_coords)
    in_em = jax.lax.stop_gradient(in_em)
    shifted = jnp.concatenate([face_coords[:, :, -1:], face_coords[:, :, :-1]], axis=2)
    angles = coords_interangle(face_coords, shifted)
    diff = face_coords - shifted
    edge1 = diff[:, :, 0]
    edge2 = diff[:, :, 1]
    cr = jnp.cross(edge1, edge2)
    normals = l2norm(cr)
    area = jnp.linalg.norm(cr, axis=-1, keepdims=True) * 0.5
    vec = polar_to_cartesian2(in_em[:, 0], in_em[:, 1])
    b, nf = face_coords.shape[0], face_coords.shape[1]
    emangle = jnp.broadcast_to(vec[:, None, :], (b, nf, 3))
    emfreq = jnp.broadcast_to(in_em[:, 2][:, None, None], (b, nf, 1))
    emnoangle = vector_angle(normals, emangle)[..., None]
    return angles, area, normals, emnoangle, emangle, emfreq

def _forward(vertices, faces, in_em, coor_embed, angle_embed, area_embed, normal_embed, emnoangle_embed, emangle_embed, emfreq_embed, W_proj, b_proj):
    b, nf = faces.shape[0], faces.shape[1]
    idx = jnp.broadcast_to(faces.reshape(b, nf * 3, 1), (b, nf * 3, 3))
    face_coords = jnp.take_along_axis(vertices, idx, axis=1).reshape(b, nf, 3, 3)
    angles, area, normals, emnoangle, emangle, emfreq = derived_features(face_coords, in_em)
    d_coords = discretize(jax.lax.stop_gradient(face_coords), -1.0, 1.0, 128)
    f_coords = jnp.take(coor_embed, d_coords, axis=0).reshape(b, nf, -1)
    f_angle = jnp.take(angle_embed, discretize(angles, 0.0, PI, 128), axis=0).reshape(b, nf, -1)
    f_area = jnp.take(area_embed, discretize(area, 0.0, 4.0, 128), axis=0).reshape(b, nf, -1)
    f_normal = jnp.take(normal_embed, discretize(normals, -1.0, 1.0, 128), axis=0).reshape(b, nf, -1)
    f_emnoangle = jnp.take(emnoangle_embed, discretize(emnoangle, 0.0, PI, 128), axis=0).reshape(b, nf, -1)
    f_emangle = jnp.take(emangle_embed, discretize(emangle, -1.0, 1.0, 128), axis=0).reshape(b, nf, -1)
    f_emfreq = jnp.take(emfreq_embed, discretize(emfreq, 0.0, 1.0, 512), axis=0).reshape(b, nf, -1)
    x = jnp.concatenate([f_coords, f_angle, f_area, f_normal, f_emnoangle, f_emangle, f_emfreq], axis=-1)
    return x @ W_proj + b_proj

def setup_inputs(seed: int = 0):
    key = jax.random.key(seed)
    ks = jax.random.split(key, 12)
    return {
        'vertices': jax.random.normal(ks[0], (B, NV, 3), dtype=jnp.float32),
        'faces': jax.random.randint(ks[1], (B, NF, 3), 0, NV, dtype=jnp.int32),
        'in_em': jax.random.uniform(ks[2], (B, 3), dtype=jnp.float32),
        'coor_embed': 0.02 * jax.random.normal(ks[3], (128, 64), dtype=jnp.float32),
        'angle_embed': 0.02 * jax.random.normal(ks[4], (128, 16), dtype=jnp.float32),
        'area_embed': 0.02 * jax.random.normal(ks[5], (128, 16), dtype=jnp.float32),
        'normal_embed': 0.02 * jax.random.normal(ks[6], (128, 64), dtype=jnp.float32),
        'emnoangle_embed': 0.02 * jax.random.normal(ks[7], (128, 16), dtype=jnp.float32),
        'emangle_embed': 0.02 * jax.random.normal(ks[8], (128, 64), dtype=jnp.float32),
        'emfreq_embed': 0.02 * jax.random.normal(ks[9], (512, 16), dtype=jnp.float32),
        'W_proj': 0.02 * jax.random.normal(ks[10], (1056, DIM), dtype=jnp.float32),
        'b_proj': jnp.zeros((DIM,), dtype=jnp.float32),
    }

def reference(vertices, faces, in_em, coor_embed, angle_embed, area_embed, normal_embed, emnoangle_embed, emangle_embed, emfreq_embed, W_proj, b_proj):
    return _forward(vertices, faces, in_em, coor_embed, angle_embed, area_embed, normal_embed, emnoangle_embed, emangle_embed, emfreq_embed, W_proj, b_proj)

if __name__ == "__main__":
    import jax
    _d = setup_inputs()
    print(jax.jit(kernel)(*tuple(_d.values())))

</pallas_src>

<mosaic_0001>
#map = affine_map<(d0, d1) -> (0)>
module attributes {stable_mosaic.version = 14 : i64} {
  func.func @_sc_body(%arg0: i32, %arg1: i32, %arg2: memref<120000xf32, #tpu.memory_space<hbm>>, %arg3: memref<153600xi32, #tpu.memory_space<hbm>>, %arg4: memref<460800xf32, #tpu.memory_space<hbm>>, %arg5: memref<60000xf32, #tpu.memory_space<vmem>>, %arg6: memref<2400xi32, #tpu.memory_space<vmem>>, %arg7: memref<7200xf32, #tpu.memory_space<vmem>>) attributes {dimension_semantics = [#tpu.dimension_semantics<core_parallel>, #tpu.dimension_semantics<subcore_parallel>], iteration_bounds = array<i64: 2, 16>, scalar_prefetch = 0 : i64, scratch_operands = 3 : i64, tpu.core_type = #tpu.core_type<sc_vector_subcore>, window_params = [{transform_indices = #map}, {transform_indices = #map}, {transform_indices = #map}]} {
    %mul3A = arith.constant 2 : i32
    %mul3A_0 = arith.muli %arg1, %mul3A : i32
    %add3A = arith.addi %mul3A_0, %arg0 : i32
    %mul3A_1 = arith.constant 800 : i32
    %mul3A_2 = arith.muli %add3A, %mul3A_1 : i32
    "tpu.region"() ({
      %run_scoped3A = tpu.sem_alloc : memref<!tpu.dma_semaphore, #tpu.memory_space<semaphore_mem>>
      %dma_start3A = arith.constant 0 : i32
      %dma_start3A_62 = tpu.memref_slice %arg2[%dma_start3A] : memref<120000xf32, #tpu.memory_space<hbm>> -> memref<60000xf32, #tpu.memory_space<hbm>>
      %dma_start3A_63 = arith.constant 0 : i32
      %dma_start3A_64 = tpu.memref_slice %arg2[%dma_start3A_63] : memref<120000xf32, #tpu.memory_space<hbm>> -> memref<60000xf32, #tpu.memory_space<hbm>>
      tpu.enqueue_dma source(%dma_start3A_64 : memref<60000xf32, #tpu.memory_space<hbm>>) target(%arg5 : memref<60000xf32, #tpu.memory_space<vmem>>) target_semaphore(%run_scoped3A : memref<!tpu.dma_semaphore, #tpu.memory_space<semaphore_mem>>)
      %dma_wait3A = arith.constant 0 : i32
      %dma_wait3A_65 = tpu.memref_slice %arg2[%dma_wait3A] : memref<120000xf32, #tpu.memory_space<hbm>> -> memref<60000xf32, #tpu.memory_space<hbm>>
      %dma_wait3A_66 = arith.constant 0 : i32
      %dma_wait3A_67 = tpu.memref_slice %arg2[%dma_wait3A_66] : memref<120000xf32, #tpu.memory_space<hbm>> -> memref<60000xf32, #tpu.memory_space<hbm>>
      tpu.wait_dma2 semaphore(%run_scoped3A : memref<!tpu.dma_semaphore, #tpu.memory_space<semaphore_mem>>) src(%dma_wait3A_67 : memref<60000xf32, #tpu.memory_space<hbm>>) dst(%arg5 : memref<60000xf32, #tpu.memory_space<vmem>>)
      tpu.yield
    }) : () -> ()
    %add3A_3 = arith.constant 0 : i32
    %add3A_4 = arith.addi %add3A_3, %mul3A_2 : i32
    "tpu.region"() ({
      %run_scoped3A = tpu.sem_alloc : memref<!tpu.dma_semaphore, #tpu.memory_space<semaphore_mem>>
      %dma_start3A = arith.constant 0 : i32
      %dma_start3A_62 = tpu.memref_slice %arg6[%dma_start3A] : memref<2400xi32, #tpu.memory_space<vmem>> -> memref<800xi32, #tpu.memory_space<vmem>>
      %dma_start3A_63 = tpu.memref_slice %arg3[%add3A_4] : memref<153600xi32, #tpu.memory_space<hbm>> -> memref<800xi32, #tpu.memory_space<hbm>>
      %dma_start3A_64 = arith.constant 0 : i32
      %dma_start3A_65 = tpu.memref_slice %arg6[%dma_start3A_64] : memref<2400xi32, #tpu.memory_space<vmem>> -> memref<800xi32, #tpu.memory_space<vmem>>
      %dma_start3A_66 = tpu.memref_slice %arg3[%add3A_4] : memref<153600xi32, #tpu.memory_space<hbm>> -> memref<800xi32, #tpu.memory_space<hbm>>
      tpu.enqueue_dma source(%dma_start3A_66 : memref<800xi32, #tpu.memory_space<hbm>>) target(%dma_start3A_65 : memref<800xi32, #tpu.memory_space<vmem>>) target_semaphore(%run_scoped3A : memref<!tpu.dma_semaphore, #tpu.memory_space<semaphore_mem>>)
      %dma_wait3A = arith.constant 0 : i32
      %dma_wait3A_67 = tpu.memref_slice %arg6[%dma_wait3A] : memref<2400xi32, #tpu.memory_space<vmem>> -> memref<800xi32, #tpu.memory_space<vmem>>
      %dma_wait3A_68 = tpu.memref_slice %arg3[%add3A_4] : memref<153600xi32, #tpu.memory_space<hbm>> -> memref<800xi32, #tpu.memory_space<hbm>>
      %dma_wait3A_69 = arith.constant 0 : i32
      %dma_wait3A_70 = tpu.memref_slice %arg6[%dma_wait3A_69] : memref<2400xi32, #tpu.memory_space<vmem>> -> memref<800xi32, #tpu.memory_space<vmem>>
      %dma_wait3A_71 = tpu.memref_slice %arg3[%add3A_4] : memref<153600xi32, #tpu.memory_space<hbm>> -> memref<800xi32, #tpu.memory_space<hbm>>
      tpu.wait_dma2 semaphore(%run_scoped3A : memref<!tpu.dma_semaphore, #tpu.memory_space<semaphore_mem>>) src(%dma_wait3A_71 : memref<800xi32, #tpu.memory_space<hbm>>) dst(%dma_wait3A_70 : memref<800xi32, #tpu.memory_space<vmem>>)
      tpu.yield
    }) : () -> ()
    %add3A_5 = arith.constant 25600 : i32
    %add3A_6 = arith.addi %add3A_5, %mul3A_2 : i32
    "tpu.region"() ({
      %run_scoped3A = tpu.sem_alloc : memref<!tpu.dma_semaphore, #tpu.memory_space<semaphore_mem>>
      %dma_start3A = arith.constant 800 : i32
      %dma_start3A_62 = tpu.memref_slice %arg6[%dma_start3A] : memref<2400xi32, #tpu.memory_space<vmem>> -> memref<800xi32, #tpu.memory_space<vmem>>
      %dma_start3A_63 = tpu.memref_slice %arg3[%add3A_6] : memref<153600xi32, #tpu.memory_space<hbm>> -> memref<800xi32, #tpu.memory_space<hbm>>
      %dma_start3A_64 = arith.constant 800 : i32
      %dma_start3A_65 = tpu.memref_slice %arg6[%dma_start3A_64] : memref<2400xi32, #tpu.memory_space<vmem>> -> memref<800xi32, #tpu.memory_space<vmem>>
      %dma_start3A_66 = tpu.memref_slice %arg3[%add3A_6] : memref<153600xi32, #tpu.memory_space<hbm>> -> memref<800xi32, #tpu.memory_space<hbm>>
      tpu.enqueue_dma source(%dma_start3A_66 : memref<800xi32, #tpu.memory_space<hbm>>) target(%dma_start3A_65 : memref<800xi32, #tpu.memory_space<vmem>>) target_semaphore(%run_scoped3A : memref<!tpu.dma_semaphore, #tpu.memory_space<semaphore_mem>>)
      %dma_wait3A = arith.constant 800 : i32
      %dma_wait3A_67 = tpu.memref_slice %arg6[%dma_wait3A] : memref<2400xi32, #tpu.memory_space<vmem>> -> memref<800xi32, #tpu.memory_space<vmem>>
      %dma_wait3A_68 = tpu.memref_slice %arg3[%add3A_6] : memref<153600xi32, #tpu.memory_space<hbm>> -> memref<800xi32, #tpu.memory_space<hbm>>
      %dma_wait3A_69 = arith.constant 800 : i32
      %dma_wait3A_70 = tpu.memref_slice %arg6[%dma_wait3A_69] : memref<2400xi32, #tpu.memory_space<vmem>> -> memref<800xi32, #tpu.memory_space<vmem>>
      %dma_wait3A_71 = tpu.memref_slice %arg3[%add3A_6] : memref<153600xi32, #tpu.memory_space<hbm>> -> memref<800xi32, #tpu.memory_space<hbm>>
      tpu.wait_dma2 semaphore(%run_scoped3A : memref<!tpu.dma_semaphore, #tpu.memory_space<semaphore_mem>>) src(%dma_wait3A_71 : memref<800xi32, #tpu.memory_space<hbm>>) dst(%dma_wait3A_70 : memref<800xi32, #tpu.memory_space<vmem>>)
      tpu.yield
    }) : () -> ()
    %add3A_7 = arith.constant 51200 : i32
    %add3A_8 = arith.addi %add3A_7, %mul3A_2 : i32
    "tpu.region"() ({
      %run_scoped3A = tpu.sem_alloc : memref<!tpu.dma_semaphore, #tpu.memory_space<semaphore_mem>>
      %dma_start3A = arith.constant 1600 : i32
      %dma_start3A_62 = tpu.memref_slice %arg6[%dma_start3A] : memref<2400xi32, #tpu.memory_space<vmem>> -> memref<800xi32, #tpu.memory_space<vmem>>
      %dma_start3A_63 = tpu.memref_slice %arg3[%add3A_8] : memref<153600xi32, #tpu.memory_space<hbm>> -> memref<800xi32, #tpu.memory_space<hbm>>
      %dma_start3A_64 = arith.constant 1600 : i32
      %dma_start3A_65 = tpu.memref_slice %arg6[%dma_start3A_64] : memref<2400xi32, #tpu.memory_space<vmem>> -> memref<800xi32, #tpu.memory_space<vmem>>
      %dma_start3A_66 = tpu.memref_slice %arg3[%add3A_8] : memref<153600xi32, #tpu.memory_space<hbm>> -> memref<800xi32, #tpu.memory_space<hbm>>
      tpu.enqueue_dma source(%dma_start3A_66 : memref<800xi32, #tpu.memory_space<hbm>>) target(%dma_start3A_65 : memref<800xi32, #tpu.memory_space<vmem>>) target_semaphore(%run_scoped3A : memref<!tpu.dma_semaphore, #tpu.memory_space<semaphore_mem>>)
      %dma_wait3A = arith.constant 1600 : i32
      %dma_wait3A_67 = tpu.memref_slice %arg6[%dma_wait3A] : memref<2400xi32, #tpu.memory_space<vmem>> -> memref<800xi32, #tpu.memory_space<vmem>>
      %dma_wait3A_68 = tpu.memref_slice %arg3[%add3A_8] : memref<153600xi32, #tpu.memory_space<hbm>> -> memref<800xi32, #tpu.memory_space<hbm>>
      %dma_wait3A_69 = arith.constant 1600 : i32
      %dma_wait3A_70 = tpu.memref_slice %arg6[%dma_wait3A_69] : memref<2400xi32, #tpu.memory_space<vmem>> -> memref<800xi32, #tpu.memory_space<vmem>>
      %dma_wait3A_71 = tpu.memref_slice %arg3[%add3A_8] : memref<153600xi32, #tpu.memory_space<hbm>> -> memref<800xi32, #tpu.memory_space<hbm>>
      tpu.wait_dma2 semaphore(%run_scoped3A : memref<!tpu.dma_semaphore, #tpu.memory_space<semaphore_mem>>) src(%dma_wait3A_71 : memref<800xi32, #tpu.memory_space<hbm>>) dst(%dma_wait3A_70 : memref<800xi32, #tpu.memory_space<vmem>>)
      tpu.yield
    }) : () -> ()
    %scan3A = arith.constant 0 : i32
    %scan3A_9 = arith.constant 0 : i32
    %scan3A_10 = arith.constant 50 : i32
    %scan3A_11 = arith.addi %scan3A_9, %scan3A_10 : i32
    %scan3A_12 = arith.constant 1 : i32
    scf.for %scan3A_62 = %scan3A_9 to %scan3A_11 step %scan3A_12  : i32 {
      %mul3A_63 = arith.constant 16 : i32
      %mul3A_64 = arith.muli %scan3A_62, %mul3A_63 : i32
      %add3A_65 = arith.constant 0 : i32
      %add3A_66 = arith.addi %add3A_65, %mul3A_64 : i32
      %get3A = arith.index_cast %add3A_66 : i32 to index
      %get3A_67 = tpu.vector_load %arg6[%get3A] {strides = array<i32>} : memref<2400xi32, #tpu.memory_space<vmem>>, vector<16xi32>,
      %add3A_68 = arith.constant 0 : i32
      %add3A_69 = vector.broadcast %add3A_68 : i32 to vector<16xi32>
      %add3A_70 = arith.addi %get3A_67, %add3A_69 : vector<16xi32>
      %gather3A = tpu.vector_load_idx %arg5[%add3A_70] : memref<60000xf32, #tpu.memory_space<vmem>>[vector<16xi32>], vector<16xf32>,
      %mul3A_71 = arith.constant 16 : i32
      %mul3A_72 = arith.muli %scan3A_62, %mul3A_71 : i32
      %add3A_73 = arith.constant 0 : i32
      %add3A_74 = arith.addi %add3A_73, %mul3A_72 : i32
      %swap3A = arith.index_cast %add3A_74 : i32 to index
      %swap3A_75 = tpu.vector_load %arg7[%swap3A] {strides = array<i32>} : memref<7200xf32, #tpu.memory_space<vmem>>, vector<16xf32>,
      tpu.vector_store %arg7[%swap3A], %gather3A {strides = array<i32>} : memref<7200xf32, #tpu.memory_space<vmem>>, vector<16xf32>,
      %add3A_76 = arith.constant 20000 : i32
      %add3A_77 = vector.broadcast %add3A_76 : i32 to vector<16xi32>
      %add3A_78 = arith.addi %get3A_67, %add3A_77 : vector<16xi32>
      %gather3A_79 = tpu.vector_load_idx %arg5[%add3A_78] : memref<60000xf32, #tpu.memory_space<vmem>>[vector<16xi32>], vector<16xf32>,
      %mul3A_80 = arith.constant 16 : i32
      %mul3A_81 = arith.muli %scan3A_62, %mul3A_80 : i32
      %add3A_82 = arith.constant 800 : i32
      %add3A_83 = arith.addi %add3A_82, %mul3A_81 : i32
      %swap3A_84 = arith.index_cast %add3A_83 : i32 to index
      %swap3A_85 = tpu.vector_load %arg7[%swap3A_84] {strides = array<i32>} : memref<7200xf32, #tpu.memory_space<vmem>>, vector<16xf32>,
      tpu.vector_store %arg7[%swap3A_84], %gather3A_79 {strides = array<i32>} : memref<7200xf32, #tpu.memory_space<vmem>>, vector<16xf32>,
      %add3A_86 = arith.constant 40000 : i32
      %add3A_87 = vector.broadcast %add3A_86 : i32 to vector<16xi32>
      %add3A_88 = arith.addi %get3A_67, %add3A_87 : vector<16xi32>
      %gather3A_89 = tpu.vector_load_idx %arg5[%add3A_88] : memref<60000xf32, #tpu.memory_space<vmem>>[vector<16xi32>], vector<16xf32>,
      %mul3A_90 = arith.constant 16 : i32
      %mul3A_91 = arith.muli %scan3A_62, %mul3A_90 : i32
      %add3A_92 = arith.constant 1600 : i32
      %add3A_93 = arith.addi %add3A_92, %mul3A_91 : i32
      %swap3A_94 = arith.index_cast %add3A_93 : i32 to index
      %swap3A_95 = tpu.vector_load %arg7[%swap3A_94] {strides = array<i32>} : memref<7200xf32, #tpu.memory_space<vmem>>, vector<16xf32>,
      tpu.vector_store %arg7[%swap3A_94], %gather3A_89 {strides = array<i32>} : memref<7200xf32, #tpu.memory_space<vmem>>, vector<16xf32>,
      %mul3A_96 = arith.constant 16 : i32
      %mul3A_97 = arith.muli %scan3A_62, %mul3A_96 : i32
      %add3A_98 = arith.constant 800 : i32
      %add3A_99 = arith.addi %add3A_98, %mul3A_97 : i32
      %get3A_100 = arith.index_cast %add3A_99 : i32 to index
      %get3A_101 = tpu.vector_load %arg6[%get3A_100] {strides = array<i32>} : memref<2400xi32, #tpu.memory_space<vmem>>, vector<16xi32>,
      %add3A_102 = arith.constant 0 : i32
      %add3A_103 = vector.broadcast %add3A_102 : i32 to vector<16xi32>
      %add3A_104 = arith.addi %get3A_101, %add3A_103 : vector<16xi32>
      %gather3A_105 = tpu.vector_load_idx %arg5[%add3A_104] : memref<60000xf32, #tpu.memory_space<vmem>>[vector<16xi32>], vector<16xf32>,
      %mul3A_106 = arith.constant 16 : i32
      %mul3A_107 = arith.muli %scan3A_62, %mul3A_106 : i32
      %add3A_108 = arith.constant 2400 : i32
      %add3A_109 = arith.addi %add3A_108, %mul3A_107 : i32
      %swap3A_110 = arith.index_cast %add3A_109 : i32 to index
      %swap3A_111 = tpu.vector_load %arg7[%swap3A_110] {strides = array<i32>} : memref<7200xf32, #tpu.memory_space<vmem>>, vector<16xf32>,
      tpu.vector_store %arg7[%swap3A_110], %gather3A_105 {strides = array<i32>} : memref<7200xf32, #tpu.memory_space<vmem>>, vector<16xf32>,
      %add3A_112 = arith.constant 20000 : i32
      %add3A_113 = vector.broadcast %add3A_112 : i32 to vector<16xi32>
      %add3A_114 = arith.addi %get3A_101, %add3A_113 : vector<16xi32>
      %gather3A_115 = tpu.vector_load_idx %arg5[%add3A_114] : memref<60000xf32, #tpu.memory_space<vmem>>[vector<16xi32>], vector<16xf32>,
      %mul3A_116 = arith.constant 16 : i32
      %mul3A_117 = arith.muli %scan3A_62, %mul3A_116 : i32
      %add3A_118 = arith.constant 3200 : i32
      %add3A_119 = arith.addi %add3A_118, %mul3A_117 : i32
      %swap3A_120 = arith.index_cast %add3A_119 : i32 to index
      %swap3A_121 = tpu.vector_load %arg7[%swap3A_120] {strides = array<i32>} : memref<7200xf32, #tpu.memory_space<vmem>>, vector<16xf32>,
      tpu.vector_store %arg7[%swap3A_120], %gather3A_115 {strides = array<i32>} : memref<7200xf32, #tpu.memory_space<vmem>>, vector<16xf32>,
      %add3A_122 = arith.constant 40000 : i32
      %add3A_123 = vector.broadcast %add3A_122 : i32 to vector<16xi32>
      %add3A_124 = arith.addi %get3A_101, %add3A_123 : vector<16xi32>
      %gather3A_125 = tpu.vector_load_idx %arg5[%add3A_124] : memref<60000xf32, #tpu.memory_space<vmem>>[vector<16xi32>], vector<16xf32>,
      %mul3A_126 = arith.constant 16 : i32
      %mul3A_127 = arith.muli %scan3A_62, %mul3A_126 : i32
      %add3A_128 = arith.constant 4000 : i32
      %add3A_129 = arith.addi %add3A_128, %mul3A_127 : i32
      %swap3A_130 = arith.index_cast %add3A_129 : i32 to index
      %swap3A_131 = tpu.vector_load %arg7[%swap3A_130] {strides = array<i32>} : memref<7200xf32, #tpu.memory_space<vmem>>, vector<16xf32>,
      tpu.vector_store %arg7[%swap3A_130], %gather3A_125 {strides = array<i32>} : memref<7200xf32, #tpu.memory_space<vmem>>, vector<16xf32>,
      %mul3A_132 = arith.constant 16 : i32
      %mul3A_133 = arith.muli %scan3A_62, %mul3A_132 : i32
      %add3A_134 = arith.constant 1600 : i32
      %add3A_135 = arith.addi %add3A_134, %mul3A_133 : i32
      %get3A_136 = arith.index_cast %add3A_135 : i32 to index
      %get3A_137 = tpu.vector_load %arg6[%get3A_136] {strides = array<i32>} : memref<2400xi32, #tpu.memory_space<vmem>>, vector<16xi32>,
      %add3A_138 = arith.constant 0 : i32
      %add3A_139 = vector.broadcast %add3A_138 : i32 to vector<16xi32>
      %add3A_140 = arith.addi %get3A_137, %add3A_139 : vector<16xi32>
      %gather3A_141 = tpu.vector_load_idx %arg5[%add3A_140] : memref<60000xf32, #tpu.memory_space<vmem>>[vector<16xi32>], vector<16xf32>,
      %mul3A_142 = arith.constant 16 : i32
      %mul3A_143 = arith.muli %scan3A_62, %mul3A_142 : i32
      %add3A_144 = arith.constant 4800 : i32
      %add3A_145 = arith.addi %add3A_144, %mul3A_143 : i32
      %swap3A_146 = arith.index_cast %add3A_145 : i32 to index
      %swap3A_147 = tpu.vector_load %arg7[%swap3A_146] {strides = array<i32>} : memref<7200xf32, #tpu.memory_space<vmem>>, vector<16xf32>,
      tpu.vector_store %arg7[%swap3A_146], %gather3A_141 {strides = array<i32>} : memref<7200xf32, #tpu.memory_space<vmem>>, vector<16xf32>,
      %add3A_148 = arith.constant 20000 : i32
      %add3A_149 = vector.broadcast %add3A_148 : i32 to vector<16xi32>
      %add3A_150 = arith.addi %get3A_137, %add3A_149 : vector<16xi32>
      %gather3A_151 = tpu.vector_load_idx %arg5[%add3A_150] : memref<60000xf32, #tpu.memory_space<vmem>>[vector<16xi32>], vector<16xf32>,
      %mul3A_152 = arith.constant 16 : i32
      %mul3A_153 = arith.muli %scan3A_62, %mul3A_152 : i32
      %add3A_154 = arith.constant 5600 : i32
      %add3A_155 = arith.addi %add3A_154, %mul3A_153 : i32
      %swap3A_156 = arith.index_cast %add3A_155 : i32 to index
      %swap3A_157 = tpu.vector_load %arg7[%swap3A_156] {strides = array<i32>} : memref<7200xf32, #tpu.memory_space<vmem>>, vector<16xf32>,
      tpu.vector_store %arg7[%swap3A_156], %gather3A_151 {strides = array<i32>} : memref<7200xf32, #tpu.memory_space<vmem>>, vector<16xf32>,
      %add3A_158 = arith.constant 40000 : i32
      %add3A_159 = vector.broadcast %add3A_158 : i32 to vector<16xi32>
      %add3A_160 = arith.addi %get3A_137, %add3A_159 : vector<16xi32>
      %gather3A_161 = tpu.vector_load_idx %arg5[%add3A_160] : memref<60000xf32, #tpu.memory_space<vmem>>[vector<16xi32>], vector<16xf32>,
      %mul3A_162 = arith.constant 16 : i32
      %mul3A_163 = arith.muli %scan3A_62, %mul3A_162 : i32
      %add3A_164 = arith.constant 6400 : i32
      %add3A_165 = arith.addi %add3A_164, %mul3A_163 : i32
      %swap3A_166 = arith.index_cast %add3A_165 : i32 to index
      %swap3A_167 = tpu.vector_load %arg7[%swap3A_166] {strides = array<i32>} : memref<7200xf32, #tpu.memory_space<vmem>>, vector<16xf32>,
      tpu.vector_store %arg7[%swap3A_166], %gather3A_161 {strides = array<i32>} : memref<7200xf32, #tpu.memory_space<vmem>>, vector<16xf32>,
    }
    %scan3A_13 = arith.constant 50 : i32
    %add3A_14 = arith.constant 0 : i32
    %add3A_15 = arith.addi %add3A_14, %mul3A_2 : i32
    "tpu.region"() ({
      %run_scoped3A = tpu.sem_alloc : memref<!tpu.dma_semaphore, #tpu.memory_space<semaphore_mem>>
      %dma_start3A = arith.constant 0 : i32
      %dma_start3A_62 = tpu.memref_slice %arg7[%dma_start3A] : memref<7200xf32, #tpu.memory_space<vmem>> -> memref<800xf32, #tpu.memory_space<vmem>>
      %dma_start3A_63 = tpu.memref_slice %arg4[%add3A_15] : memref<460800xf32, #tpu.memory_space<hbm>> -> memref<800xf32, #tpu.memory_space<hbm>>
      %dma_start3A_64 = tpu.memref_slice %arg4[%add3A_15] : memref<460800xf32, #tpu.memory_space<hbm>> -> memref<800xf32, #tpu.memory_space<hbm>>
      %dma_start3A_65 = arith.constant 0 : i32
      %dma_start3A_66 = tpu.memref_slice %arg7[%dma_start3A_65] : memref<7200xf32, #tpu.memory_space<vmem>> -> memref<800xf32, #tpu.memory_space<vmem>>
      tpu.enqueue_dma source(%dma_start3A_66 : memref<800xf32, #tpu.memory_space<vmem>>) target(%dma_start3A_64 : memref<800xf32, #tpu.memory_space<hbm>>) target_semaphore(%run_scoped3A : memref<!tpu.dma_semaphore, #tpu.memory_space<semaphore_mem>>)
      %dma_wait3A = arith.constant 0 : i32
      %dma_wait3A_67 = tpu.memref_slice %arg7[%dma_wait3A] : memref<7200xf32, #tpu.memory_space<vmem>> -> memref<800xf32, #tpu.memory_space<vmem>>
      %dma_wait3A_68 = tpu.memref_slice %arg4[%add3A_15] : memref<460800xf32, #tpu.memory_space<hbm>> -> memref<800xf32, #tpu.memory_space<hbm>>
      %dma_wait3A_69 = tpu.memref_slice %arg4[%add3A_15] : memref<460800xf32, #tpu.memory_space<hbm>> -> memref<800xf32, #tpu.memory_space<hbm>>
      %dma_wait3A_70 = arith.constant 0 : i32
      %dma_wait3A_71 = tpu.memref_slice %arg7[%dma_wait3A_70] : memref<7200xf32, #tpu.memory_space<vmem>> -> memref<800xf32, #tpu.memory_space<vmem>>
      tpu.wait_dma2 semaphore(%run_scoped3A : memref<!tpu.dma_semaphore, #tpu.memory_space<semaphore_mem>>) src(%dma_wait3A_71 : memref<800xf32, #tpu.memory_space<vmem>>) dst(%dma_wait3A_69 : memref<800xf32, #tpu.memory_space<hbm>>)
      tpu.yield
    }) : () -> ()
    %add3A_16 = arith.constant 25600 : i32
    %add3A_17 = arith.addi %add3A_16, %mul3A_2 : i32
    "tpu.region"() ({
      %run_scoped3A = tpu.sem_alloc : memref<!tpu.dma_semaphore, #tpu.memory_space<semaphore_mem>>
      %dma_start3A = arith.constant 800 : i32
      %dma_start3A_62 = tpu.memref_slice %arg7[%dma_start3A] : memref<7200xf32, #tpu.memory_space<vmem>> -> memref<800xf32, #tpu.memory_space<vmem>>
      %dma_start3A_63 = tpu.memref_slice %arg4[%add3A_17] : memref<460800xf32, #tpu.memory_space<hbm>> -> memref<800xf32, #tpu.memory_space<hbm>>
      %dma_start3A_64 = tpu.memref_slice %arg4[%add3A_17] : memref<460800xf32, #tpu.memory_space<hbm>> -> memref<800xf32, #tpu.memory_space<hbm>>
      %dma_start3A_65 = arith.constant 800 : i32
      %dma_start3A_66 = tpu.memref_slice %arg7[%dma_start3A_65] : memref<7200xf32, #tpu.memory_space<vmem>> -> memref<800xf32, #tpu.memory_space<vmem>>
      tpu.enqueue_dma source(%dma_start3A_66 : memref<800xf32, #tpu.memory_space<vmem>>) target(%dma_start3A_64 : memref<800xf32, #tpu.memory_space<hbm>>) target_semaphore(%run_scoped3A : memref<!tpu.dma_semaphore, #tpu.memory_space<semaphore_mem>>)
      %dma_wait3A = arith.constant 800 : i32
      %dma_wait3A_67 = tpu.memref_slice %arg7[%dma_wait3A] : memref<7200xf32, #tpu.memory_space<vmem>> -> memref<800xf32, #tpu.memory_space<vmem>>
      %dma_wait3A_68 = tpu.memref_slice %arg4[%add3A_17] : memref<460800xf32, #tpu.memory_space<hbm>> -> memref<800xf32, #tpu.memory_space<hbm>>
      %dma_wait3A_69 = tpu.memref_slice %arg4[%add3A_17] : memref<460800xf32, #tpu.memory_space<hbm>> -> memref<800xf32, #tpu.memory_space<hbm>>
      %dma_wait3A_70 = arith.constant 800 : i32
      %dma_wait3A_71 = tpu.memref_slice %arg7[%dma_wait3A_70] : memref<7200xf32, #tpu.memory_space<vmem>> -> memref<800xf32, #tpu.memory_space<vmem>>
      tpu.wait_dma2 semaphore(%run_scoped3A : memref<!tpu.dma_semaphore, #tpu.memory_space<semaphore_mem>>) src(%dma_wait3A_71 : memref<800xf32, #tpu.memory_space<vmem>>) dst(%dma_wait3A_69 : memref<800xf32, #tpu.memory_space<hbm>>)
      tpu.yield
    }) : () -> ()
    %add3A_18 = arith.constant 51200 : i32
    %add3A_19 = arith.addi %add3A_18, %mul3A_2 : i32
    "tpu.region"() ({
      %run_scoped3A = tpu.sem_alloc : memref<!tpu.dma_semaphore, #tpu.memory_space<semaphore_mem>>
      %dma_start3A = arith.constant 1600 : i32
      %dma_start3A_62 = tpu.memref_slice %arg7[%dma_start3A] : memref<7200xf32, #tpu.memory_space<vmem>> -> memref<800xf32, #tpu.memory_space<vmem>>
      %dma_start3A_63 = tpu.memref_slice %arg4[%add3A_19] : memref<460800xf32, #tpu.memory_space<hbm>> -> memref<800xf32, #tpu.memory_space<hbm>>
      %dma_start3A_64 = tpu.memref_slice %arg4[%add3A_19] : memref<460800xf32, #tpu.memory_space<hbm>> -> memref<800xf32, #tpu.memory_space<hbm>>
      %dma_start3A_65 = arith.constant 1600 : i32
      %dma_start3A_66 = tpu.memref_slice %arg7[%dma_start3A_65] : memref<7200xf32, #tpu.memory_space<vmem>> -> memref<800xf32, #tpu.memory_space<vmem>>
      tpu.enqueue_dma source(%dma_start3A_66 : memref<800xf32, #tpu.memory_space<vmem>>) target(%dma_start3A_64 : memref<800xf32, #tpu.memory_space<hbm>>) target_semaphore(%run_scoped3A : memref<!tpu.dma_semaphore, #tpu.memory_space<semaphore_mem>>)
      %dma_wait3A = arith.constant 1600 : i32
      %dma_wait3A_67 = tpu.memref_slice %arg7[%dma_wait3A] : memref<7200xf32, #tpu.memory_space<vmem>> -> memref<800xf32, #tpu.memory_space<vmem>>
      %dma_wait3A_68 = tpu.memref_slice %arg4[%add3A_19] : memref<460800xf32, #tpu.memory_space<hbm>> -> memref<800xf32, #tpu.memory_space<hbm>>
      %dma_wait3A_69 = tpu.memref_slice %arg4[%add3A_19] : memref<460800xf32, #tpu.memory_space<hbm>> -> memref<800xf32, #tpu.memory_space<hbm>>
      %dma_wait3A_70 = arith.constant 1600 : i32
      %dma_wait3A_71 = tpu.memref_slice %arg7[%dma_wait3A_70] : memref<7200xf32, #tpu.memory_space<vmem>> -> memref<800xf32, #tpu.memory_space<vmem>>
      tpu.wait_dma2 semaphore(%run_scoped3A : memref<!tpu.dma_semaphore, #tpu.memory_space<semaphore_mem>>) src(%dma_wait3A_71 : memref<800xf32, #tpu.memory_space<vmem>>) dst(%dma_wait3A_69 : memref<800xf32, #tpu.memory_space<hbm>>)
      tpu.yield
    }) : () -> ()
    %add3A_20 = arith.constant 76800 : i32
    %add3A_21 = arith.addi %add3A_20, %mul3A_2 : i32
    "tpu.region"() ({
      %run_scoped3A = tpu.sem_alloc : memref<!tpu.dma_semaphore, #tpu.memory_space<semaphore_mem>>
      %dma_start3A = arith.constant 2400 : i32
      %dma_start3A_62 = tpu.memref_slice %arg7[%dma_start3A] : memref<7200xf32, #tpu.memory_space<vmem>> -> memref<800xf32, #tpu.memory_space<vmem>>
      %dma_start3A_63 = tpu.memref_slice %arg4[%add3A_21] : memref<460800xf32, #tpu.memory_space<hbm>> -> memref<800xf32, #tpu.memory_space<hbm>>
      %dma_start3A_64 = tpu.memref_slice %arg4[%add3A_21] : memref<460800xf32, #tpu.memory_space<hbm>> -> memref<800xf32, #tpu.memory_space<hbm>>
      %dma_start3A_65 = arith.constant 2400 : i32
      %dma_start3A_66 = tpu.memref_slice %arg7[%dma_start3A_65] : memref<7200xf32, #tpu.memory_space<vmem>> -> memref<800xf32, #tpu.memory_space<vmem>>
      tpu.enqueue_dma source(%dma_start3A_66 : memref<800xf32, #tpu.memory_space<vmem>>) target(%dma_start3A_64 : memref<800xf32, #tpu.memory_space<hbm>>) target_semaphore(%run_scoped3A : memref<!tpu.dma_semaphore, #tpu.memory_space<semaphore_mem>>)
      %dma_wait3A = arith.constant 2400 : i32
      %dma_wait3A_67 = tpu.memref_slice %arg7[%dma_wait3A] : memref<7200xf32, #tpu.memory_space<vmem>> -> memref<800xf32, #tpu.memory_space<vmem>>
      %dma_wait3A_68 = tpu.memref_slice %arg4[%add3A_21] : memref<460800xf32, #tpu.memory_space<hbm>> -> memref<800xf32, #tpu.memory_space<hbm>>
      %dma_wait3A_69 = tpu.memref_slice %arg4[%add3A_21] : memref<460800xf32, #tpu.memory_space<hbm>> -> memref<800xf32, #tpu.memory_space<hbm>>
      %dma_wait3A_70 = arith.constant 2400 : i32
      %dma_wait3A_71 = tpu.memref_slice %arg7[%dma_wait3A_70] : memref<7200xf32, #tpu.memory_space<vmem>> -> memref<800xf32, #tpu.memory_space<vmem>>
      tpu.wait_dma2 semaphore(%run_scoped3A : memref<!tpu.dma_semaphore, #tpu.memory_space<semaphore_mem>>) src(%dma_wait3A_71 : memref<800xf32, #tpu.memory_space<vmem>>) dst(%dma_wait3A_69 : memref<800xf32, #tpu.memory_space<hbm>>)
      tpu.yield
    }) : () -> ()
    %add3A_22 = arith.constant 102400 : i32
    %add3A_23 = arith.addi %add3A_22, %mul3A_2 : i32
    "tpu.region"() ({
      %run_scoped3A = tpu.sem_alloc : memref<!tpu.dma_semaphore, #tpu.memory_space<semaphore_mem>>
      %dma_start3A = arith.constant 3200 : i32
      %dma_start3A_62 = tpu.memref_slice %arg7[%dma_start3A] : memref<7200xf32, #tpu.memory_space<vmem>> -> memref<800xf32, #tpu.memory_space<vmem>>
      %dma_start3A_63 = tpu.memref_slice %arg4[%add3A_23] : memref<460800xf32, #tpu.memory_space<hbm>> -> memref<800xf32, #tpu.memory_space<hbm>>
      %dma_start3A_64 = tpu.memref_slice %arg4[%add3A_23] : memref<460800xf32, #tpu.memory_space<hbm>> -> memref<800xf32, #tpu.memory_space<hbm>>
      %dma_start3A_65 = arith.constant 3200 : i32
      %dma_start3A_66 = tpu.memref_slice %arg7[%dma_start3A_65] : memref<7200xf32, #tpu.memory_space<vmem>> -> memref<800xf32, #tpu.memory_space<vmem>>
      tpu.enqueue_dma source(%dma_start3A_66 : memref<800xf32, #tpu.memory_space<vmem>>) target(%dma_start3A_64 : memref<800xf32, #tpu.memory_space<hbm>>) target_semaphore(%run_scoped3A : memref<!tpu.dma_semaphore, #tpu.memory_space<semaphore_mem>>)
      %dma_wait3A = arith.constant 3200 : i32
      %dma_wait3A_67 = tpu.memref_slice %arg7[%dma_wait3A] : memref<7200xf32, #tpu.memory_space<vmem>> -> memref<800xf32, #tpu.memory_space<vmem>>
      %dma_wait3A_68 = tpu.memref_slice %arg4[%add3A_23] : memref<460800xf32, #tpu.memory_space<hbm>> -> memref<800xf32, #tpu.memory_space<hbm>>
      %dma_wait3A_69 = tpu.memref_slice %arg4[%add3A_23] : memref<460800xf32, #tpu.memory_space<hbm>> -> memref<800xf32, #tpu.memory_space<hbm>>
      %dma_wait3A_70 = arith.constant 3200 : i32
      %dma_wait3A_71 = tpu.memref_slice %arg7[%dma_wait3A_70] : memref<7200xf32, #tpu.memory_space<vmem>> -> memref<800xf32, #tpu.memory_space<vmem>>
      tpu.wait_dma2 semaphore(%run_scoped3A : memref<!tpu.dma_semaphore, #tpu.memory_space<semaphore_mem>>) src(%dma_wait3A_71 : memref<800xf32, #tpu.memory_space<vmem>>) dst(%dma_wait3A_69 : memref<800xf32, #tpu.memory_space<hbm>>)
      tpu.yield
    }) : () -> ()
    %add3A_24 = arith.constant 128000 : i32
    %add3A_25 = arith.addi %add3A_24, %mul3A_2 : i32
    "tpu.region"() ({
      %run_scoped3A = tpu.sem_alloc : memref<!tpu.dma_semaphore, #tpu.memory_space<semaphore_mem>>
      %dma_start3A = arith.constant 4000 : i32
      %dma_start3A_62 = tpu.memref_slice %arg7[%dma_start3A] : memref<7200xf32, #tpu.memory_space<vmem>> -> memref<800xf32, #tpu.memory_space<vmem>>
      %dma_start3A_63 = tpu.memref_slice %arg4[%add3A_25] : memref<460800xf32, #tpu.memory_space<hbm>> -> memref<800xf32, #tpu.memory_space<hbm>>
      %dma_start3A_64 = tpu.memref_slice %arg4[%add3A_25] : memref<460800xf32, #tpu.memory_space<hbm>> -> memref<800xf32, #tpu.memory_space<hbm>>
      %dma_start3A_65 = arith.constant 4000 : i32
      %dma_start3A_66 = tpu.memref_slice %arg7[%dma_start3A_65] : memref<7200xf32, #tpu.memory_space<vmem>> -> memref<800xf32, #tpu.memory_space<vmem>>
      tpu.enqueue_dma source(%dma_start3A_66 : memref<800xf32, #tpu.memory_space<vmem>>) target(%dma_start3A_64 : memref<800xf32, #tpu.memory_space<hbm>>) target_semaphore(%run_scoped3A : memref<!tpu.dma_semaphore, #tpu.memory_space<semaphore_mem>>)
      %dma_wait3A = arith.constant 4000 : i32
      %dma_wait3A_67 = tpu.memref_slice %arg7[%dma_wait3A] : memref<7200xf32, #tpu.memory_space<vmem>> -> memref<800xf32, #tpu.memory_space<vmem>>
      %dma_wait3A_68 = tpu.memref_slice %arg4[%add3A_25] : memref<460800xf32, #tpu.memory_space<hbm>> -> memref<800xf32, #tpu.memory_space<hbm>>
      %dma_wait3A_69 = tpu.memref_slice %arg4[%add3A_25] : memref<460800xf32, #tpu.memory_space<hbm>> -> memref<800xf32, #tpu.memory_space<hbm>>
      %dma_wait3A_70 = arith.constant 4000 : i32
      %dma_wait3A_71 = tpu.memref_slice %arg7[%dma_wait3A_70] : memref<7200xf32, #tpu.memory_space<vmem>> -> memref<800xf32, #tpu.memory_space<vmem>>
      tpu.wait_dma2 semaphore(%run_scoped3A : memref<!tpu.dma_semaphore, #tpu.memory_space<semaphore_mem>>) src(%dma_wait3A_71 : memref<800xf32, #tpu.memory_space<vmem>>) dst(%dma_wait3A_69 : memref<800xf32, #tpu.memory_space<hbm>>)
      tpu.yield
    }) : () -> ()
    %add3A_26 = arith.constant 153600 : i32
    %add3A_27 = arith.addi %add3A_26, %mul3A_2 : i32
    "tpu.region"() ({
      %run_scoped3A = tpu.sem_alloc : memref<!tpu.dma_semaphore, #tpu.memory_space<semaphore_mem>>
      %dma_start3A = arith.constant 4800 : i32
      %dma_start3A_62 = tpu.memref_slice %arg7[%dma_start3A] : memref<7200xf32, #tpu.memory_space<vmem>> -> memref<800xf32, #tpu.memory_space<vmem>>
      %dma_start3A_63 = tpu.memref_slice %arg4[%add3A_27] : memref<460800xf32, #tpu.memory_space<hbm>> -> memref<800xf32, #tpu.memory_space<hbm>>
      %dma_start3A_64 = tpu.memref_slice %arg4[%add3A_27] : memref<460800xf32, #tpu.memory_space<hbm>> -> memref<800xf32, #tpu.memory_space<hbm>>
      %dma_start3A_65 = arith.constant 4800 : i32
      %dma_start3A_66 = tpu.memref_slice %arg7[%dma_start3A_65] : memref<7200xf32, #tpu.memory_space<vmem>> -> memref<800xf32, #tpu.memory_space<vmem>>
      tpu.enqueue_dma source(%dma_start3A_66 : memref<800xf32, #tpu.memory_space<vmem>>) target(%dma_start3A_64 : memref<800xf32, #tpu.memory_space<hbm>>) target_semaphore(%run_scoped3A : memref<!tpu.dma_semaphore, #tpu.memory_space<semaphore_mem>>)
      %dma_wait3A = arith.constant 4800 : i32
      %dma_wait3A_67 = tpu.memref_slice %arg7[%dma_wait3A] : memref<7200xf32, #tpu.memory_space<vmem>> -> memref<800xf32, #tpu.memory_space<vmem>>
      %dma_wait3A_68 = tpu.memref_slice %arg4[%add3A_27] : memref<460800xf32, #tpu.memory_space<hbm>> -> memref<800xf32, #tpu.memory_space<hbm>>
      %dma_wait3A_69 = tpu.memref_slice %arg4[%add3A_27] : memref<460800xf32, #tpu.memory_space<hbm>> -> memref<800xf32, #tpu.memory_space<hbm>>
      %dma_wait3A_70 = arith.constant 4800 : i32
      %dma_wait3A_71 = tpu.memref_slice %arg7[%dma_wait3A_70] : memref<7200xf32, #tpu.memory_space<vmem>> -> memref<800xf32, #tpu.memory_space<vmem>>
      tpu.wait_dma2 semaphore(%run_scoped3A : memref<!tpu.dma_semaphore, #tpu.memory_space<semaphore_mem>>) src(%dma_wait3A_71 : memref<800xf32, #tpu.memory_space<vmem>>) dst(%dma_wait3A_69 : memref<800xf32, #tpu.memory_space<hbm>>)
      tpu.yield
    }) : () -> ()
    %add3A_28 = arith.constant 179200 : i32
    %add3A_29 = arith.addi %add3A_28, %mul3A_2 : i32
    "tpu.region"() ({
      %run_scoped3A = tpu.sem_alloc : memref<!tpu.dma_semaphore, #tpu.memory_space<semaphore_mem>>
      %dma_start3A = arith.constant 5600 : i32
      %dma_start3A_62 = tpu.memref_slice %arg7[%dma_start3A] : memref<7200xf32, #tpu.memory_space<vmem>> -> memref<800xf32, #tpu.memory_space<vmem>>
      %dma_start3A_63 = tpu.memref_slice %arg4[%add3A_29] : memref<460800xf32, #tpu.memory_space<hbm>> -> memref<800xf32, #tpu.memory_space<hbm>>
      %dma_start3A_64 = tpu.memref_slice %arg4[%add3A_29] : memref<460800xf32, #tpu.memory_space<hbm>> -> memref<800xf32, #tpu.memory_space<hbm>>
      %dma_start3A_65 = arith.constant 5600 : i32
      %dma_start3A_66 = tpu.memref_slice %arg7[%dma_start3A_65] : memref<7200xf32, #tpu.memory_space<vmem>> -> memref<800xf32, #tpu.memory_space<vmem>>
      tpu.enqueue_dma source(%dma_start3A_66 : memref<800xf32, #tpu.memory_space<vmem>>) target(%dma_start3A_64 : memref<800xf32, #tpu.memory_space<hbm>>) target_semaphore(%run_scoped3A : memref<!tpu.dma_semaphore, #tpu.memory_space<semaphore_mem>>)
      %dma_wait3A = arith.constant 5600 : i32
      %dma_wait3A_67 = tpu.memref_slice %arg7[%dma_wait3A] : memref<7200xf32, #tpu.memory_space<vmem>> -> memref<800xf32, #tpu.memory_space<vmem>>
      %dma_wait3A_68 = tpu.memref_slice %arg4[%add3A_29] : memref<460800xf32, #tpu.memory_space<hbm>> -> memref<800xf32, #tpu.memory_space<hbm>>
      %dma_wait3A_69 = tpu.memref_slice %arg4[%add3A_29] : memref<460800xf32, #tpu.memory_space<hbm>> -> memref<800xf32, #tpu.memory_space<hbm>>
      %dma_wait3A_70 = arith.constant 5600 : i32
      %dma_wait3A_71 = tpu.memref_slice %arg7[%dma_wait3A_70] : memref<7200xf32, #tpu.memory_space<vmem>> -> memref<800xf32, #tpu.memory_space<vmem>>
      tpu.wait_dma2 semaphore(%run_scoped3A : memref<!tpu.dma_semaphore, #tpu.memory_space<semaphore_mem>>) src(%dma_wait3A_71 : memref<800xf32, #tpu.memory_space<vmem>>) dst(%dma_wait3A_69 : memref<800xf32, #tpu.memory_space<hbm>>)
      tpu.yield
    }) : () -> ()
    %add3A_30 = arith.constant 204800 : i32
    %add3A_31 = arith.addi %add3A_30, %mul3A_2 : i32
    "tpu.region"() ({
      %run_scoped3A = tpu.sem_alloc : memref<!tpu.dma_semaphore, #tpu.memory_space<semaphore_mem>>
      %dma_start3A = arith.constant 6400 : i32
      %dma_start3A_62 = tpu.memref_slice %arg7[%dma_start3A] : memref<7200xf32, #tpu.memory_space<vmem>> -> memref<800xf32, #tpu.memory_space<vmem>>
      %dma_start3A_63 = tpu.memref_slice %arg4[%add3A_31] : memref<460800xf32, #tpu.memory_space<hbm>> -> memref<800xf32, #tpu.memory_space<hbm>>
      %dma_start3A_64 = tpu.memref_slice %arg4[%add3A_31] : memref<460800xf32, #tpu.memory_space<hbm>> -> memref<800xf32, #tpu.memory_space<hbm>>
      %dma_start3A_65 = arith.constant 6400 : i32
      %dma_start3A_66 = tpu.memref_slice %arg7[%dma_start3A_65] : memref<7200xf32, #tpu.memory_space<vmem>> -> memref<800xf32, #tpu.memory_space<vmem>>
      tpu.enqueue_dma source(%dma_start3A_66 : memref<800xf32, #tpu.memory_space<vmem>>) target(%dma_start3A_64 : memref<800xf32, #tpu.memory_space<hbm>>) target_semaphore(%run_scoped3A : memref<!tpu.dma_semaphore, #tpu.memory_space<semaphore_mem>>)
      %dma_wait3A = arith.constant 6400 : i32
      %dma_wait3A_67 = tpu.memref_slice %arg7[%dma_wait3A] : memref<7200xf32, #tpu.memory_space<vmem>> -> memref<800xf32, #tpu.memory_space<vmem>>
      %dma_wait3A_68 = tpu.memref_slice %arg4[%add3A_31] : memref<460800xf32, #tpu.memory_space<hbm>> -> memref<800xf32, #tpu.memory_space<hbm>>
      %dma_wait3A_69 = tpu.memref_slice %arg4[%add3A_31] : memref<460800xf32, #tpu.memory_space<hbm>> -> memref<800xf32, #tpu.memory_space<hbm>>
      %dma_wait3A_70 = arith.constant 6400 : i32
      %dma_wait3A_71 = tpu.memref_slice %arg7[%dma_wait3A_70] : memref<7200xf32, #tpu.memory_space<vmem>> -> memref<800xf32, #tpu.memory_space<vmem>>
      tpu.wait_dma2 semaphore(%run_scoped3A : memref<!tpu.dma_semaphore, #tpu.memory_space<semaphore_mem>>) src(%dma_wait3A_71 : memref<800xf32, #tpu.memory_space<vmem>>) dst(%dma_wait3A_69 : memref<800xf32, #tpu.memory_space<hbm>>)
      tpu.yield
    }) : () -> ()
    "tpu.region"() ({
      %run_scoped3A = tpu.sem_alloc : memref<!tpu.dma_semaphore, #tpu.memory_space<semaphore_mem>>
      %dma_start3A = arith.constant 60000 : i32
      %dma_start3A_62 = tpu.memref_slice %arg2[%dma_start3A] : memref<120000xf32, #tpu.memory_space<hbm>> -> memref<60000xf32, #tpu.memory_space<hbm>>
      %dma_start3A_63 = arith.constant 60000 : i32
      %dma_start3A_64 = tpu.memref_slice %arg2[%dma_start3A_63] : memref<120000xf32, #tpu.memory_space<hbm>> -> memref<60000xf32, #tpu.memory_space<hbm>>
      tpu.enqueue_dma source(%dma_start3A_64 : memref<60000xf32, #tpu.memory_space<hbm>>) target(%arg5 : memref<60000xf32, #tpu.memory_space<vmem>>) target_semaphore(%run_scoped3A : memref<!tpu.dma_semaphore, #tpu.memory_space<semaphore_mem>>)
      %dma_wait3A = arith.constant 60000 : i32
      %dma_wait3A_65 = tpu.memref_slice %arg2[%dma_wait3A] : memref<120000xf32, #tpu.memory_space<hbm>> -> memref<60000xf32, #tpu.memory_space<hbm>>
      %dma_wait3A_66 = arith.constant 60000 : i32
      %dma_wait3A_67 = tpu.memref_slice %arg2[%dma_wait3A_66] : memref<120000xf32, #tpu.memory_space<hbm>> -> memref<60000xf32, #tpu.memory_space<hbm>>
      tpu.wait_dma2 semaphore(%run_scoped3A : memref<!tpu.dma_semaphore, #tpu.memory_space<semaphore_mem>>) src(%dma_wait3A_67 : memref<60000xf32, #tpu.memory_space<hbm>>) dst(%arg5 : memref<60000xf32, #tpu.memory_space<vmem>>)
      tpu.yield
    }) : () -> ()
    %add3A_32 = arith.constant 76800 : i32
    %add3A_33 = arith.addi %add3A_32, %mul3A_2 : i32
    "tpu.region"() ({
      %run_scoped3A = tpu.sem_alloc : memref<!tpu.dma_semaphore, #tpu.memory_space<semaphore_mem>>
      %dma_start3A = arith.constant 0 : i32
      %dma_start3A_62 = tpu.memref_slice %arg6[%dma_start3A] : memref<2400xi32, #tpu.memory_space<vmem>> -> memref<800xi32, #tpu.memory_space<vmem>>
      %dma_start3A_63 = tpu.memref_slice %arg3[%add3A_33] : memref<153600xi32, #tpu.memory_space<hbm>> -> memref<800xi32, #tpu.memory_space<hbm>>
      %dma_start3A_64 = arith.constant 0 : i32
      %dma_start3A_65 = tpu.memref_slice %arg6[%dma_start3A_64] : memref<2400xi32, #tpu.memory_space<vmem>> -> memref<800xi32, #tpu.memory_space<vmem>>
      %dma_start3A_66 = tpu.memref_slice %arg3[%add3A_33] : memref<153600xi32, #tpu.memory_space<hbm>> -> memref<800xi32, #tpu.memory_space<hbm>>
      tpu.enqueue_dma source(%dma_start3A_66 : memref<800xi32, #tpu.memory_space<hbm>>) target(%dma_start3A_65 : memref<800xi32, #tpu.memory_space<vmem>>) target_semaphore(%run_scoped3A : memref<!tpu.dma_semaphore, #tpu.memory_space<semaphore_mem>>)
      %dma_wait3A = arith.constant 0 : i32
      %dma_wait3A_67 = tpu.memref_slice %arg6[%dma_wait3A] : memref<2400xi32, #tpu.memory_space<vmem>> -> memref<800xi32, #tpu.memory_space<vmem>>
      %dma_wait3A_68 = tpu.memref_slice %arg3[%add3A_33] : memref<153600xi32, #tpu.memory_space<hbm>> -> memref<800xi32, #tpu.memory_space<hbm>>
      %dma_wait3A_69 = arith.constant 0 : i32
      %dma_wait3A_70 = tpu.memref_slice %arg6[%dma_wait3A_69] : memref<2400xi32, #tpu.memory_space<vmem>> -> memref<800xi32, #tpu.memory_space<vmem>>
      %dma_wait3A_71 = tpu.memref_slice %arg3[%add3A_33] : memref<153600xi32, #tpu.memory_space<hbm>> -> memref<800xi32, #tpu.memory_space<hbm>>
      tpu.wait_dma2 semaphore(%run_scoped3A : memref<!tpu.dma_semaphore, #tpu.memory_space<semaphore_mem>>) src(%dma_wait3A_71 : memref<800xi32, #tpu.memory_space<hbm>>) dst(%dma_wait3A_70 : memref<800xi32, #tpu.memory_space<vmem>>)
      tpu.yield
    }) : () -> ()
    %add3A_34 = arith.constant 102400 : i32
    %add3A_35 = arith.addi %add3A_34, %mul3A_2 : i32
    "tpu.region"() ({
      %run_scoped3A = tpu.sem_alloc : memref<!tpu.dma_semaphore, #tpu.memory_space<semaphore_mem>>
      %dma_start3A = arith.constant 800 : i32
      %dma_start3A_62 = tpu.memref_slice %arg6[%dma_start3A] : memref<2400xi32, #tpu.memory_space<vmem>> -> memref<800xi32, #tpu.memory_space<vmem>>
      %dma_start3A_63 = tpu.memref_slice %arg3[%add3A_35] : memref<153600xi32, #tpu.memory_space<hbm>> -> memref<800xi32, #tpu.memory_space<hbm>>
      %dma_start3A_64 = arith.constant 800 : i32
      %dma_start3A_65 = tpu.memref_slice %arg6[%dma_start3A_64] : memref<2400xi32, #tpu.memory_space<vmem>> -> memref<800xi32, #tpu.memory_space<vmem>>
      %dma_start3A_66 = tpu.memref_slice %arg3[%add3A_35] : memref<153600xi32, #tpu.memory_space<hbm>> -> memref<800xi32, #tpu.memory_space<hbm>>
      tpu.enqueue_dma source(%dma_start3A_66 : memref<800xi32, #tpu.memory_space<hbm>>) target(%dma_start3A_65 : memref<800xi32, #tpu.memory_space<vmem>>) target_semaphore(%run_scoped3A : memref<!tpu.dma_semaphore, #tpu.memory_space<semaphore_mem>>)
      %dma_wait3A = arith.constant 800 : i32
      %dma_wait3A_67 = tpu.memref_slice %arg6[%dma_wait3A] : memref<2400xi32, #tpu.memory_space<vmem>> -> memref<800xi32, #tpu.memory_space<vmem>>
      %dma_wait3A_68 = tpu.memref_slice %arg3[%add3A_35] : memref<153600xi32, #tpu.memory_space<hbm>> -> memref<800xi32, #tpu.memory_space<hbm>>
      %dma_wait3A_69 = arith.constant 800 : i32
      %dma_wait3A_70 = tpu.memref_slice %arg6[%dma_wait3A_69] : memref<2400xi32, #tpu.memory_space<vmem>> -> memref<800xi32, #tpu.memory_space<vmem>>
      %dma_wait3A_71 = tpu.memref_slice %arg3[%add3A_35] : memref<153600xi32, #tpu.memory_space<hbm>> -> memref<800xi32, #tpu.memory_space<hbm>>
      tpu.wait_dma2 semaphore(%run_scoped3A : memref<!tpu.dma_semaphore, #tpu.memory_space<semaphore_mem>>) src(%dma_wait3A_71 : memref<800xi32, #tpu.memory_space<hbm>>) dst(%dma_wait3A_70 : memref<800xi32, #tpu.memory_space<vmem>>)
      tpu.yield
    }) : () -> ()
    %add3A_36 = arith.constant 128000 : i32
    %add3A_37 = arith.addi %add3A_36, %mul3A_2 : i32
    "tpu.region"() ({
      %run_scoped3A = tpu.sem_alloc : memref<!tpu.dma_semaphore, #tpu.memory_space<semaphore_mem>>
      %dma_start3A = arith.constant 1600 : i32
      %dma_start3A_62 = tpu.memref_slice %arg6[%dma_start3A] : memref<2400xi32, #tpu.memory_space<vmem>> -> memref<800xi32, #tpu.memory_space<vmem>>
      %dma_start3A_63 = tpu.memref_slice %arg3[%add3A_37] : memref<153600xi32, #tpu.memory_space<hbm>> -> memref<800xi32, #tpu.memory_space<hbm>>
      %dma_start3A_64 = arith.constant 1600 : i32
      %dma_start3A_65 = tpu.memref_slice %arg6[%dma_start3A_64] : memref<2400xi32, #tpu.memory_space<vmem>> -> memref<800xi32, #tpu.memory_space<vmem>>
      %dma_start3A_66 = tpu.memref_slice %arg3[%add3A_37] : memref<153600xi32, #tpu.memory_space<hbm>> -> memref<800xi32, #tpu.memory_space<hbm>>
      tpu.enqueue_dma source(%dma_start3A_66 : memref<800xi32, #tpu.memory_space<hbm>>) target(%dma_start3A_65 : memref<800xi32, #tpu.memory_space<vmem>>) target_semaphore(%run_scoped3A : memref<!tpu.dma_semaphore, #tpu.memory_space<semaphore_mem>>)
      %dma_wait3A = arith.constant 1600 : i32
      %dma_wait3A_67 = tpu.memref_slice %arg6[%dma_wait3A] : memref<2400xi32, #tpu.memory_space<vmem>> -> memref<800xi32, #tpu.memory_space<vmem>>
      %dma_wait3A_68 = tpu.memref_slice %arg3[%add3A_37] : memref<153600xi32, #tpu.memory_space<hbm>> -> memref<800xi32, #tpu.memory_space<hbm>>
      %dma_wait3A_69 = arith.constant 1600 : i32
      %dma_wait3A_70 = tpu.memref_slice %arg6[%dma_wait3A_69] : memref<2400xi32, #tpu.memory_space<vmem>> -> memref<800xi32, #tpu.memory_space<vmem>>
      %dma_wait3A_71 = tpu.memref_slice %arg3[%add3A_37] : memref<153600xi32, #tpu.memory_space<hbm>> -> memref<800xi32, #tpu.memory_space<hbm>>
      tpu.wait_dma2 semaphore(%run_scoped3A : memref<!tpu.dma_semaphore, #tpu.memory_space<semaphore_mem>>) src(%dma_wait3A_71 : memref<800xi32, #tpu.memory_space<hbm>>) dst(%dma_wait3A_70 : memref<800xi32, #tpu.memory_space<vmem>>)
      tpu.yield
    }) : () -> ()
    %scan3A_38 = arith.constant 0 : i32
    %scan3A_39 = arith.constant 0 : i32
    %scan3A_40 = arith.constant 50 : i32
    %scan3A_41 = arith.addi %scan3A_39, %scan3A_40 : i32
    %scan3A_42 = arith.constant 1 : i32
    scf.for %scan3A_62 = %scan3A_39 to %scan3A_41 step %scan3A_42  : i32 {
      %mul3A_63 = arith.constant 16 : i32
      %mul3A_64 = arith.muli %scan3A_62, %mul3A_63 : i32
      %add3A_65 = arith.constant 0 : i32
      %add3A_66 = arith.addi %add3A_65, %mul3A_64 : i32
      %get3A = arith.index_cast %add3A_66 : i32 to index
      %get3A_67 = tpu.vector_load %arg6[%get3A] {strides = array<i32>} : memref<2400xi32, #tpu.memory_space<vmem>>, vector<16xi32>,
      %add3A_68 = arith.constant 0 : i32
      %add3A_69 = vector.broadcast %add3A_68 : i32 to vector<16xi32>
      %add3A_70 = arith.addi %get3A_67, %add3A_69 : vector<16xi32>
      %gather3A = tpu.vector_load_idx %arg5[%add3A_70] : memref<60000xf32, #tpu.memory_space<vmem>>[vector<16xi32>], vector<16xf32>,
      %mul3A_71 = arith.constant 16 : i32
      %mul3A_72 = arith.muli %scan3A_62, %mul3A_71 : i32
      %add3A_73 = arith.constant 0 : i32
      %add3A_74 = arith.addi %add3A_73, %mul3A_72 : i32
      %swap3A = arith.index_cast %add3A_74 : i32 to index
      %swap3A_75 = tpu.vector_load %arg7[%swap3A] {strides = array<i32>} : memref<7200xf32, #tpu.memory_space<vmem>>, vector<16xf32>,
      tpu.vector_store %arg7[%swap3A], %gather3A {strides = array<i32>} : memref<7200xf32, #tpu.memory_space<vmem>>, vector<16xf32>,
      %add3A_76 = arith.constant 20000 : i32
      %add3A_77 = vector.broadcast %add3A_76 : i32 to vector<16xi32>
      %add3A_78 = arith.addi %get3A_67, %add3A_77 : vector<16xi32>
      %gather3A_79 = tpu.vector_load_idx %arg5[%add3A_78] : memref<60000xf32, #tpu.memory_space<vmem>>[vector<16xi32>], vector<16xf32>,
      %mul3A_80 = arith.constant 16 : i32
      %mul3A_81 = arith.muli %scan3A_62, %mul3A_80 : i32
      %add3A_82 = arith.constant 800 : i32
      %add3A_83 = arith.addi %add3A_82, %mul3A_81 : i32
      %swap3A_84 = arith.index_cast %add3A_83 : i32 to index
      %swap3A_85 = tpu.vector_load %arg7[%swap3A_84] {strides = array<i32>} : memref<7200xf32, #tpu.memory_space<vmem>>, vector<16xf32>,
      tpu.vector_store %arg7[%swap3A_84], %gather3A_79 {strides = array<i32>} : memref<7200xf32, #tpu.memory_space<vmem>>, vector<16xf32>,
      %add3A_86 = arith.constant 40000 : i32
      %add3A_87 = vector.broadcast %add3A_86 : i32 to vector<16xi32>
      %add3A_88 = arith.addi %get3A_67, %add3A_87 : vector<16xi32>
      %gather3A_89 = tpu.vector_load_idx %arg5[%add3A_88] : memref<60000xf32, #tpu.memory_space<vmem>>[vector<16xi32>], vector<16xf32>,
      %mul3A_90 = arith.constant 16 : i32
      %mul3A_91 = arith.muli %scan3A_62, %mul3A_90 : i32
      %add3A_92 = arith.constant 1600 : i32
      %add3A_93 = arith.addi %add3A_92, %mul3A_91 : i32
      %swap3A_94 = arith.index_cast %add3A_93 : i32 to index
      %swap3A_95 = tpu.vector_load %arg7[%swap3A_94] {strides = array<i32>} : memref<7200xf32, #tpu.memory_space<vmem>>, vector<16xf32>,
      tpu.vector_store %arg7[%swap3A_94], %gather3A_89 {strides = array<i32>} : memref<7200xf32, #tpu.memory_space<vmem>>, vector<16xf32>,
      %mul3A_96 = arith.constant 16 : i32
      %mul3A_97 = arith.muli %scan3A_62, %mul3A_96 : i32
      %add3A_98 = arith.constant 800 : i32
      %add3A_99 = arith.addi %add3A_98, %mul3A_97 : i32
      %get3A_100 = arith.index_cast %add3A_99 : i32 to index
      %get3A_101 = tpu.vector_load %arg6[%get3A_100] {strides = array<i32>} : memref<2400xi32, #tpu.memory_space<vmem>>, vector<16xi32>,
      %add3A_102 = arith.constant 0 : i32
      %add3A_103 = vector.broadcast %add3A_102 : i32 to vector<16xi32>
      %add3A_104 = arith.addi %get3A_101, %add3A_103 : vector<16xi32>
      %gather3A_105 = tpu.vector_load_idx %arg5[%add3A_104] : memref<60000xf32, #tpu.memory_space<vmem>>[vector<16xi32>], vector<16xf32>,
      %mul3A_106 = arith.constant 16 : i32
      %mul3A_107 = arith.muli %scan3A_62, %mul3A_106 : i32
      %add3A_108 = arith.constant 2400 : i32
      %add3A_109 = arith.addi %add3A_108, %mul3A_107 : i32
      %swap3A_110 = arith.index_cast %add3A_109 : i32 to index
      %swap3A_111 = tpu.vector_load %arg7[%swap3A_110] {strides = array<i32>} : memref<7200xf32, #tpu.memory_space<vmem>>, vector<16xf32>,
      tpu.vector_store %arg7[%swap3A_110], %gather3A_105 {strides = array<i32>} : memref<7200xf32, #tpu.memory_space<vmem>>, vector<16xf32>,
      %add3A_112 = arith.constant 20000 : i32
      %add3A_113 = vector.broadcast %add3A_112 : i32 to vector<16xi32>
      %add3A_114 = arith.addi %get3A_101, %add3A_113 : vector<16xi32>
      %gather3A_115 = tpu.vector_load_idx %arg5[%add3A_114] : memref<60000xf32, #tpu.memory_space<vmem>>[vector<16xi32>], vector<16xf32>,
      %mul3A_116 = arith.constant 16 : i32
      %mul3A_117 = arith.muli %scan3A_62, %mul3A_116 : i32
      %add3A_118 = arith.constant 3200 : i32
      %add3A_119 = arith.addi %add3A_118, %mul3A_117 : i32
      %swap3A_120 = arith.index_cast %add3A_119 : i32 to index
      %swap3A_121 = tpu.vector_load %arg7[%swap3A_120] {strides = array<i32>} : memref<7200xf32, #tpu.memory_space<vmem>>, vector<16xf32>,
      tpu.vector_store %arg7[%swap3A_120], %gather3A_115 {strides = array<i32>} : memref<7200xf32, #tpu.memory_space<vmem>>, vector<16xf32>,
      %add3A_122 = arith.constant 40000 : i32
      %add3A_123 = vector.broadcast %add3A_122 : i32 to vector<16xi32>
      %add3A_124 = arith.addi %get3A_101, %add3A_123 : vector<16xi32>
      %gather3A_125 = tpu.vector_load_idx %arg5[%add3A_124] : memref<60000xf32, #tpu.memory_space<vmem>>[vector<16xi32>], vector<16xf32>,
      %mul3A_126 = arith.constant 16 : i32
      %mul3A_127 = arith.muli %scan3A_62, %mul3A_126 : i32
      %add3A_128 = arith.constant 4000 : i32
      %add3A_129 = arith.addi %add3A_128, %mul3A_127 : i32
      %swap3A_130 = arith.index_cast %add3A_129 : i32 to index
      %swap3A_131 = tpu.vector_load %arg7[%swap3A_130] {strides = array<i32>} : memref<7200xf32, #tpu.memory_space<vmem>>, vector<16xf32>,
      tpu.vector_store %arg7[%swap3A_130], %gather3A_125 {strides = array<i32>} : memref<7200xf32, #tpu.memory_space<vmem>>, vector<16xf32>,
      %mul3A_132 = arith.constant 16 : i32
      %mul3A_133 = arith.muli %scan3A_62, %mul3A_132 : i32
      %add3A_134 = arith.constant 1600 : i32
      %add3A_135 = arith.addi %add3A_134, %mul3A_133 : i32
      %get3A_136 = arith.index_cast %add3A_135 : i32 to index
      %get3A_137 = tpu.vector_load %arg6[%get3A_136] {strides = array<i32>} : memref<2400xi32, #tpu.memory_space<vmem>>, vector<16xi32>,
      %add3A_138 = arith.constant 0 : i32
      %add3A_139 = vector.broadcast %add3A_138 : i32 to vector<16xi32>
      %add3A_140 = arith.addi %get3A_137, %add3A_139 : vector<16xi32>
      %gather3A_141 = tpu.vector_load_idx %arg5[%add3A_140] : memref<60000xf32, #tpu.memory_space<vmem>>[vector<16xi32>], vector<16xf32>,
      %mul3A_142 = arith.constant 16 : i32
      %mul3A_143 = arith.muli %scan3A_62, %mul3A_142 : i32
      %add3A_144 = arith.constant 4800 : i32
      %add3A_145 = arith.addi %add3A_144, %mul3A_143 : i32
      %swap3A_146 = arith.index_cast %add3A_145 : i32 to index
      %swap3A_147 = tpu.vector_load %arg7[%swap3A_146] {strides = array<i32>} : memref<7200xf32, #tpu.memory_space<vmem>>, vector<16xf32>,
      tpu.vector_store %arg7[%swap3A_146], %gather3A_141 {strides = array<i32>} : memref<7200xf32, #tpu.memory_space<vmem>>, vector<16xf32>,
      %add3A_148 = arith.constant 20000 : i32
      %add3A_149 = vector.broadcast %add3A_148 : i32 to vector<16xi32>
      %add3A_150 = arith.addi %get3A_137, %add3A_149 : vector<16xi32>
      %gather3A_151 = tpu.vector_load_idx %arg5[%add3A_150] : memref<60000xf32, #tpu.memory_space<vmem>>[vector<16xi32>], vector<16xf32>,
      %mul3A_152 = arith.constant 16 : i32
      %mul3A_153 = arith.muli %scan3A_62, %mul3A_152 : i32
      %add3A_154 = arith.constant 5600 : i32
      %add3A_155 = arith.addi %add3A_154, %mul3A_153 : i32
      %swap3A_156 = arith.index_cast %add3A_155 : i32 to index
      %swap3A_157 = tpu.vector_load %arg7[%swap3A_156] {strides = array<i32>} : memref<7200xf32, #tpu.memory_space<vmem>>, vector<16xf32>,
      tpu.vector_store %arg7[%swap3A_156], %gather3A_151 {strides = array<i32>} : memref<7200xf32, #tpu.memory_space<vmem>>, vector<16xf32>,
      %add3A_158 = arith.constant 40000 : i32
      %add3A_159 = vector.broadcast %add3A_158 : i32 to vector<16xi32>
      %add3A_160 = arith.addi %get3A_137, %add3A_159 : vector<16xi32>
      %gather3A_161 = tpu.vector_load_idx %arg5[%add3A_160] : memref<60000xf32, #tpu.memory_space<vmem>>[vector<16xi32>], vector<16xf32>,
      %mul3A_162 = arith.constant 16 : i32
      %mul3A_163 = arith.muli %scan3A_62, %mul3A_162 : i32
      %add3A_164 = arith.constant 6400 : i32
      %add3A_165 = arith.addi %add3A_164, %mul3A_163 : i32
      %swap3A_166 = arith.index_cast %add3A_165 : i32 to index
      %swap3A_167 = tpu.vector_load %arg7[%swap3A_166] {strides = array<i32>} : memref<7200xf32, #tpu.memory_space<vmem>>, vector<16xf32>,
      tpu.vector_store %arg7[%swap3A_166], %gather3A_161 {strides = array<i32>} : memref<7200xf32, #tpu.memory_space<vmem>>, vector<16xf32>,
    }
    %scan3A_43 = arith.constant 50 : i32
    %add3A_44 = arith.constant 230400 : i32
    %add3A_45 = arith.addi %add3A_44, %mul3A_2 : i32
    "tpu.region"() ({
      %run_scoped3A = tpu.sem_alloc : memref<!tpu.dma_semaphore, #tpu.memory_space<semaphore_mem>>
      %dma_start3A = arith.constant 0 : i32
      %dma_start3A_62 = tpu.memref_slice %arg7[%dma_start3A] : memref<7200xf32, #tpu.memory_space<vmem>> -> memref<800xf32, #tpu.memory_space<vmem>>
      %dma_start3A_63 = tpu.memref_slice %arg4[%add3A_45] : memref<460800xf32, #tpu.memory_space<hbm>> -> memref<800xf32, #tpu.memory_space<hbm>>
      %dma_start3A_64 = tpu.memref_slice %arg4[%add3A_45] : memref<460800xf32, #tpu.memory_space<hbm>> -> memref<800xf32, #tpu.memory_space<hbm>>
      %dma_start3A_65 = arith.constant 0 : i32
      %dma_start3A_66 = tpu.memref_slice %arg7[%dma_start3A_65] : memref<7200xf32, #tpu.memory_space<vmem>> -> memref<800xf32, #tpu.memory_space<vmem>>
      tpu.enqueue_dma source(%dma_start3A_66 : memref<800xf32, #tpu.memory_space<vmem>>) target(%dma_start3A_64 : memref<800xf32, #tpu.memory_space<hbm>>) target_semaphore(%run_scoped3A : memref<!tpu.dma_semaphore, #tpu.memory_space<semaphore_mem>>)
      %dma_wait3A = arith.constant 0 : i32
      %dma_wait3A_67 = tpu.memref_slice %arg7[%dma_wait3A] : memref<7200xf32, #tpu.memory_space<vmem>> -> memref<800xf32, #tpu.memory_space<vmem>>
      %dma_wait3A_68 = tpu.memref_slice %arg4[%add3A_45] : memref<460800xf32, #tpu.memory_space<hbm>> -> memref<800xf32, #tpu.memory_space<hbm>>
      %dma_wait3A_69 = tpu.memref_slice %arg4[%add3A_45] : memref<460800xf32, #tpu.memory_space<hbm>> -> memref<800xf32, #tpu.memory_space<hbm>>
      %dma_wait3A_70 = arith.constant 0 : i32
      %dma_wait3A_71 = tpu.memref_slice %arg7[%dma_wait3A_70] : memref<7200xf32, #tpu.memory_space<vmem>> -> memref<800xf32, #tpu.memory_space<vmem>>
      tpu.wait_dma2 semaphore(%run_scoped3A : memref<!tpu.dma_semaphore, #tpu.memory_space<semaphore_mem>>) src(%dma_wait3A_71 : memref<800xf32, #tpu.memory_space<vmem>>) dst(%dma_wait3A_69 : memref<800xf32, #tpu.memory_space<hbm>>)
      tpu.yield
    }) : () -> ()
    %add3A_46 = arith.constant 256000 : i32
    %add3A_47 = arith.addi %add3A_46, %mul3A_2 : i32
    "tpu.region"() ({
      %run_scoped3A = tpu.sem_alloc : memref<!tpu.dma_semaphore, #tpu.memory_space<semaphore_mem>>
      %dma_start3A = arith.constant 800 : i32
      %dma_start3A_62 = tpu.memref_slice %arg7[%dma_start3A] : memref<7200xf32, #tpu.memory_space<vmem>> -> memref<800xf32, #tpu.memory_space<vmem>>
      %dma_start3A_63 = tpu.memref_slice %arg4[%add3A_47] : memref<460800xf32, #tpu.memory_space<hbm>> -> memref<800xf32, #tpu.memory_space<hbm>>
      %dma_start3A_64 = tpu.memref_slice %arg4[%add3A_47] : memref<460800xf32, #tpu.memory_space<hbm>> -> memref<800xf32, #tpu.memory_space<hbm>>
      %dma_start3A_65 = arith.constant 800 : i32
      %dma_start3A_66 = tpu.memref_slice %arg7[%dma_start3A_65] : memref<7200xf32, #tpu.memory_space<vmem>> -> memref<800xf32, #tpu.memory_space<vmem>>
      tpu.enqueue_dma source(%dma_start3A_66 : memref<800xf32, #tpu.memory_space<vmem>>) target(%dma_start3A_64 : memref<800xf32, #tpu.memory_space<hbm>>) target_semaphore(%run_scoped3A : memref<!tpu.dma_semaphore, #tpu.memory_space<semaphore_mem>>)
      %dma_wait3A = arith.constant 800 : i32
      %dma_wait3A_67 = tpu.memref_slice %arg7[%dma_wait3A] : memref<7200xf32, #tpu.memory_space<vmem>> -> memref<800xf32, #tpu.memory_space<vmem>>
      %dma_wait3A_68 = tpu.memref_slice %arg4[%add3A_47] : memref<460800xf32, #tpu.memory_space<hbm>> -> memref<800xf32, #tpu.memory_space<hbm>>
      %dma_wait3A_69 = tpu.memref_slice %arg4[%add3A_47] : memref<460800xf32, #tpu.memory_space<hbm>> -> memref<800xf32, #tpu.memory_space<hbm>>
      %dma_wait3A_70 = arith.constant 800 : i32
      %dma_wait3A_71 = tpu.memref_slice %arg7[%dma_wait3A_70] : memref<7200xf32, #tpu.memory_space<vmem>> -> memref<800xf32, #tpu.memory_space<vmem>>
      tpu.wait_dma2 semaphore(%run_scoped3A : memref<!tpu.dma_semaphore, #tpu.memory_space<semaphore_mem>>) src(%dma_wait3A_71 : memref<800xf32, #tpu.memory_space<vmem>>) dst(%dma_wait3A_69 : memref<800xf32, #tpu.memory_space<hbm>>)
      tpu.yield
    }) : () -> ()
    %add3A_48 = arith.constant 281600 : i32
    %add3A_49 = arith.addi %add3A_48, %mul3A_2 : i32
    "tpu.region"() ({
      %run_scoped3A = tpu.sem_alloc : memref<!tpu.dma_semaphore, #tpu.memory_space<semaphore_mem>>
      %dma_start3A = arith.constant 1600 : i32
      %dma_start3A_62 = tpu.memref_slice %arg7[%dma_start3A] : memref<7200xf32, #tpu.memory_space<vmem>> -> memref<800xf32, #tpu.memory_space<vmem>>
      %dma_start3A_63 = tpu.memref_slice %arg4[%add3A_49] : memref<460800xf32, #tpu.memory_space<hbm>> -> memref<800xf32, #tpu.memory_space<hbm>>
      %dma_start3A_64 = tpu.memref_slice %arg4[%add3A_49] : memref<460800xf32, #tpu.memory_space<hbm>> -> memref<800xf32, #tpu.memory_space<hbm>>
      %dma_start3A_65 = arith.constant 1600 : i32
      %dma_start3A_66 = tpu.memref_slice %arg7[%dma_start3A_65] : memref<7200xf32, #tpu.memory_space<vmem>> -> memref<800xf32, #tpu.memory_space<vmem>>
      tpu.enqueue_dma source(%dma_start3A_66 : memref<800xf32, #tpu.memory_space<vmem>>) target(%dma_start3A_64 : memref<800xf32, #tpu.memory_space<hbm>>) target_semaphore(%run_scoped3A : memref<!tpu.dma_semaphore, #tpu.memory_space<semaphore_mem>>)
      %dma_wait3A = arith.constant 1600 : i32
      %dma_wait3A_67 = tpu.memref_slice %arg7[%dma_wait3A] : memref<7200xf32, #tpu.memory_space<vmem>> -> memref<800xf32, #tpu.memory_space<vmem>>
      %dma_wait3A_68 = tpu.memref_slice %arg4[%add3A_49] : memref<460800xf32, #tpu.memory_space<hbm>> -> memref<800xf32, #tpu.memory_space<hbm>>
      %dma_wait3A_69 = tpu.memref_slice %arg4[%add3A_49] : memref<460800xf32, #tpu.memory_space<hbm>> -> memref<800xf32, #tpu.memory_space<hbm>>
      %dma_wait3A_70 = arith.constant 1600 : i32
      %dma_wait3A_71 = tpu.memref_slice %arg7[%dma_wait3A_70] : memref<7200xf32, #tpu.memory_space<vmem>> -> memref<800xf32, #tpu.memory_space<vmem>>
      tpu.wait_dma2 semaphore(%run_scoped3A : memref<!tpu.dma_semaphore, #tpu.memory_space<semaphore_mem>>) src(%dma_wait3A_71 : memref<800xf32, #tpu.memory_space<vmem>>) dst(%dma_wait3A_69 : memref<800xf32, #tpu.memory_space<hbm>>)
      tpu.yield
    }) : () -> ()
    %add3A_50 = arith.constant 307200 : i32
    %add3A_51 = arith.addi %add3A_50, %mul3A_2 : i32
    "tpu.region"() ({
      %run_scoped3A = tpu.sem_alloc : memref<!tpu.dma_semaphore, #tpu.memory_space<semaphore_mem>>
      %dma_start3A = arith.constant 2400 : i32
      %dma_start3A_62 = tpu.memref_slice %arg7[%dma_start3A] : memref<7200xf32, #tpu.memory_space<vmem>> -> memref<800xf32, #tpu.memory_space<vmem>>
      %dma_start3A_63 = tpu.memref_slice %arg4[%add3A_51] : memref<460800xf32, #tpu.memory_space<hbm>> -> memref<800xf32, #tpu.memory_space<hbm>>
      %dma_start3A_64 = tpu.memref_slice %arg4[%add3A_51] : memref<460800xf32, #tpu.memory_space<hbm>> -> memref<800xf32, #tpu.memory_space<hbm>>
      %dma_start3A_65 = arith.constant 2400 : i32
      %dma_start3A_66 = tpu.memref_slice %arg7[%dma_start3A_65] : memref<7200xf32, #tpu.memory_space<vmem>> -> memref<800xf32, #tpu.memory_space<vmem>>
      tpu.enqueue_dma source(%dma_start3A_66 : memref<800xf32, #tpu.memory_space<vmem>>) target(%dma_start3A_64 : memref<800xf32, #tpu.memory_space<hbm>>) target_semaphore(%run_scoped3A : memref<!tpu.dma_semaphore, #tpu.memory_space<semaphore_mem>>)
      %dma_wait3A = arith.constant 2400 : i32
      %dma_wait3A_67 = tpu.memref_slice %arg7[%dma_wait3A] : memref<7200xf32, #tpu.memory_space<vmem>> -> memref<800xf32, #tpu.memory_space<vmem>>
      %dma_wait3A_68 = tpu.memref_slice %arg4[%add3A_51] : memref<460800xf32, #tpu.memory_space<hbm>> -> memref<800xf32, #tpu.memory_space<hbm>>
      %dma_wait3A_69 = tpu.memref_slice %arg4[%add3A_51] : memref<460800xf32, #tpu.memory_space<hbm>> -> memref<800xf32, #tpu.memory_space<hbm>>
      %dma_wait3A_70 = arith.constant 2400 : i32
      %dma_wait3A_71 = tpu.memref_slice %arg7[%dma_wait3A_70] : memref<7200xf32, #tpu.memory_space<vmem>> -> memref<800xf32, #tpu.memory_space<vmem>>
      tpu.wait_dma2 semaphore(%run_scoped3A : memref<!tpu.dma_semaphore, #tpu.memory_space<semaphore_mem>>) src(%dma_wait3A_71 : memref<800xf32, #tpu.memory_space<vmem>>) dst(%dma_wait3A_69 : memref<800xf32, #tpu.memory_space<hbm>>)
      tpu.yield
    }) : () -> ()
    %add3A_52 = arith.constant 332800 : i32
    %add3A_53 = arith.addi %add3A_52, %mul3A_2 : i32
    "tpu.region"() ({
      %run_scoped3A = tpu.sem_alloc : memref<!tpu.dma_semaphore, #tpu.memory_space<semaphore_mem>>
      %dma_start3A = arith.constant 3200 : i32
      %dma_start3A_62 = tpu.memref_slice %arg7[%dma_start3A] : memref<7200xf32, #tpu.memory_space<vmem>> -> memref<800xf32, #tpu.memory_space<vmem>>
      %dma_start3A_63 = tpu.memref_slice %arg4[%add3A_53] : memref<460800xf32, #tpu.memory_space<hbm>> -> memref<800xf32, #tpu.memory_space<hbm>>
      %dma_start3A_64 = tpu.memref_slice %arg4[%add3A_53] : memref<460800xf32, #tpu.memory_space<hbm>> -> memref<800xf32, #tpu.memory_space<hbm>>
      %dma_start3A_65 = arith.constant 3200 : i32
      %dma_start3A_66 = tpu.memref_slice %arg7[%dma_start3A_65] : memref<7200xf32, #tpu.memory_space<vmem>> -> memref<800xf32, #tpu.memory_space<vmem>>
      tpu.enqueue_dma source(%dma_start3A_66 : memref<800xf32, #tpu.memory_space<vmem>>) target(%dma_start3A_64 : memref<800xf32, #tpu.memory_space<hbm>>) target_semaphore(%run_scoped3A : memref<!tpu.dma_semaphore, #tpu.memory_space<semaphore_mem>>)
      %dma_wait3A = arith.constant 3200 : i32
      %dma_wait3A_67 = tpu.memref_slice %arg7[%dma_wait3A] : memref<7200xf32, #tpu.memory_space<vmem>> -> memref<800xf32, #tpu.memory_space<vmem>>
      %dma_wait3A_68 = tpu.memref_slice %arg4[%add3A_53] : memref<460800xf32, #tpu.memory_space<hbm>> -> memref<800xf32, #tpu.memory_space<hbm>>
      %dma_wait3A_69 = tpu.memref_slice %arg4[%add3A_53] : memref<460800xf32, #tpu.memory_space<hbm>> -> memref<800xf32, #tpu.memory_space<hbm>>
      %dma_wait3A_70 = arith.constant 3200 : i32
      %dma_wait3A_71 = tpu.memref_slice %arg7[%dma_wait3A_70] : memref<7200xf32, #tpu.memory_space<vmem>> -> memref<800xf32, #tpu.memory_space<vmem>>
      tpu.wait_dma2 semaphore(%run_scoped3A : memref<!tpu.dma_semaphore, #tpu.memory_space<semaphore_mem>>) src(%dma_wait3A_71 : memref<800xf32, #tpu.memory_space<vmem>>) dst(%dma_wait3A_69 : memref<800xf32, #tpu.memory_space<hbm>>)
      tpu.yield
    }) : () -> ()
    %add3A_54 = arith.constant 358400 : i32
    %add3A_55 = arith.addi %add3A_54, %mul3A_2 : i32
    "tpu.region"() ({
      %run_scoped3A = tpu.sem_alloc : memref<!tpu.dma_semaphore, #tpu.memory_space<semaphore_mem>>
      %dma_start3A = arith.constant 4000 : i32
      %dma_start3A_62 = tpu.memref_slice %arg7[%dma_start3A] : memref<7200xf32, #tpu.memory_space<vmem>> -> memref<800xf32, #tpu.memory_space<vmem>>
      %dma_start3A_63 = tpu.memref_slice %arg4[%add3A_55] : memref<460800xf32, #tpu.memory_space<hbm>> -> memref<800xf32, #tpu.memory_space<hbm>>
      %dma_start3A_64 = tpu.memref_slice %arg4[%add3A_55] : memref<460800xf32, #tpu.memory_space<hbm>> -> memref<800xf32, #tpu.memory_space<hbm>>
      %dma_start3A_65 = arith.constant 4000 : i32
      %dma_start3A_66 = tpu.memref_slice %arg7[%dma_start3A_65] : memref<7200xf32, #tpu.memory_space<vmem>> -> memref<800xf32, #tpu.memory_space<vmem>>
      tpu.enqueue_dma source(%dma_start3A_66 : memref<800xf32, #tpu.memory_space<vmem>>) target(%dma_start3A_64 : memref<800xf32, #tpu.memory_space<hbm>>) target_semaphore(%run_scoped3A : memref<!tpu.dma_semaphore, #tpu.memory_space<semaphore_mem>>)
      %dma_wait3A = arith.constant 4000 : i32
      %dma_wait3A_67 = tpu.memref_slice %arg7[%dma_wait3A] : memref<7200xf32, #tpu.memory_space<vmem>> -> memref<800xf32, #tpu.memory_space<vmem>>
      %dma_wait3A_68 = tpu.memref_slice %arg4[%add3A_55] : memref<460800xf32, #tpu.memory_space<hbm>> -> memref<800xf32, #tpu.memory_space<hbm>>
      %dma_wait3A_69 = tpu.memref_slice %arg4[%add3A_55] : memref<460800xf32, #tpu.memory_space<hbm>> -> memref<800xf32, #tpu.memory_space<hbm>>
      %dma_wait3A_70 = arith.constant 4000 : i32
      %dma_wait3A_71 = tpu.memref_slice %arg7[%dma_wait3A_70] : memref<7200xf32, #tpu.memory_space<vmem>> -> memref<800xf32, #tpu.memory_space<vmem>>
      tpu.wait_dma2 semaphore(%run_scoped3A : memref<!tpu.dma_semaphore, #tpu.memory_space<semaphore_mem>>) src(%dma_wait3A_71 : memref<800xf32, #tpu.memory_space<vmem>>) dst(%dma_wait3A_69 : memref<800xf32, #tpu.memory_space<hbm>>)
      tpu.yield
    }) : () -> ()
    %add3A_56 = arith.constant 384000 : i32
    %add3A_57 = arith.addi %add3A_56, %mul3A_2 : i32
    "tpu.region"() ({
      %run_scoped3A = tpu.sem_alloc : memref<!tpu.dma_semaphore, #tpu.memory_space<semaphore_mem>>
      %dma_start3A = arith.constant 4800 : i32
      %dma_start3A_62 = tpu.memref_slice %arg7[%dma_start3A] : memref<7200xf32, #tpu.memory_space<vmem>> -> memref<800xf32, #tpu.memory_space<vmem>>
      %dma_start3A_63 = tpu.memref_slice %arg4[%add3A_57] : memref<460800xf32, #tpu.memory_space<hbm>> -> memref<800xf32, #tpu.memory_space<hbm>>
      %dma_start3A_64 = tpu.memref_slice %arg4[%add3A_57] : memref<460800xf32, #tpu.memory_space<hbm>> -> memref<800xf32, #tpu.memory_space<hbm>>
      %dma_start3A_65 = arith.constant 4800 : i32
      %dma_start3A_66 = tpu.memref_slice %arg7[%dma_start3A_65] : memref<7200xf32, #tpu.memory_space<vmem>> -> memref<800xf32, #tpu.memory_space<vmem>>
      tpu.enqueue_dma source(%dma_start3A_66 : memref<800xf32, #tpu.memory_space<vmem>>) target(%dma_start3A_64 : memref<800xf32, #tpu.memory_space<hbm>>) target_semaphore(%run_scoped3A : memref<!tpu.dma_semaphore, #tpu.memory_space<semaphore_mem>>)
      %dma_wait3A = arith.constant 4800 : i32
      %dma_wait3A_67 = tpu.memref_slice %arg7[%dma_wait3A] : memref<7200xf32, #tpu.memory_space<vmem>> -> memref<800xf32, #tpu.memory_space<vmem>>
      %dma_wait3A_68 = tpu.memref_slice %arg4[%add3A_57] : memref<460800xf32, #tpu.memory_space<hbm>> -> memref<800xf32, #tpu.memory_space<hbm>>
      %dma_wait3A_69 = tpu.memref_slice %arg4[%add3A_57] : memref<460800xf32, #tpu.memory_space<hbm>> -> memref<800xf32, #tpu.memory_space<hbm>>
      %dma_wait3A_70 = arith.constant 4800 : i32
      %dma_wait3A_71 = tpu.memref_slice %arg7[%dma_wait3A_70] : memref<7200xf32, #tpu.memory_space<vmem>> -> memref<800xf32, #tpu.memory_space<vmem>>
      tpu.wait_dma2 semaphore(%run_scoped3A : memref<!tpu.dma_semaphore, #tpu.memory_space<semaphore_mem>>) src(%dma_wait3A_71 : memref<800xf32, #tpu.memory_space<vmem>>) dst(%dma_wait3A_69 : memref<800xf32, #tpu.memory_space<hbm>>)
      tpu.yield
    }) : () -> ()
    %add3A_58 = arith.constant 409600 : i32
    %add3A_59 = arith.addi %add3A_58, %mul3A_2 : i32
    "tpu.region"() ({
      %run_scoped3A = tpu.sem_alloc : memref<!tpu.dma_semaphore, #tpu.memory_space<semaphore_mem>>
      %dma_start3A = arith.constant 5600 : i32
      %dma_start3A_62 = tpu.memref_slice %arg7[%dma_start3A] : memref<7200xf32, #tpu.memory_space<vmem>> -> memref<800xf32, #tpu.memory_space<vmem>>
      %dma_start3A_63 = tpu.memref_slice %arg4[%add3A_59] : memref<460800xf32, #tpu.memory_space<hbm>> -> memref<800xf32, #tpu.memory_space<hbm>>
      %dma_start3A_64 = tpu.memref_slice %arg4[%add3A_59] : memref<460800xf32, #tpu.memory_space<hbm>> -> memref<800xf32, #tpu.memory_space<hbm>>
      %dma_start3A_65 = arith.constant 5600 : i32
      %dma_start3A_66 = tpu.memref_slice %arg7[%dma_start3A_65] : memref<7200xf32, #tpu.memory_space<vmem>> -> memref<800xf32, #tpu.memory_space<vmem>>
      tpu.enqueue_dma source(%dma_start3A_66 : memref<800xf32, #tpu.memory_space<vmem>>) target(%dma_start3A_64 : memref<800xf32, #tpu.memory_space<hbm>>) target_semaphore(%run_scoped3A : memref<!tpu.dma_semaphore, #tpu.memory_space<semaphore_mem>>)
      %dma_wait3A = arith.constant 5600 : i32
      %dma_wait3A_67 = tpu.memref_slice %arg7[%dma_wait3A] : memref<7200xf32, #tpu.memory_space<vmem>> -> memref<800xf32, #tpu.memory_space<vmem>>
      %dma_wait3A_68 = tpu.memref_slice %arg4[%add3A_59] : memref<460800xf32, #tpu.memory_space<hbm>> -> memref<800xf32, #tpu.memory_space<hbm>>
      %dma_wait3A_69 = tpu.memref_slice %arg4[%add3A_59] : memref<460800xf32, #tpu.memory_space<hbm>> -> memref<800xf32, #tpu.memory_space<hbm>>
      %dma_wait3A_70 = arith.constant 5600 : i32
      %dma_wait3A_71 = tpu.memref_slice %arg7[%dma_wait3A_70] : memref<7200xf32, #tpu.memory_space<vmem>> -> memref<800xf32, #tpu.memory_space<vmem>>
      tpu.wait_dma2 semaphore(%run_scoped3A : memref<!tpu.dma_semaphore, #tpu.memory_space<semaphore_mem>>) src(%dma_wait3A_71 : memref<800xf32, #tpu.memory_space<vmem>>) dst(%dma_wait3A_69 : memref<800xf32, #tpu.memory_space<hbm>>)
      tpu.yield
    }) : () -> ()
    %add3A_60 = arith.constant 435200 : i32
    %add3A_61 = arith.addi %add3A_60, %mul3A_2 : i32
    "tpu.region"() ({
      %run_scoped3A = tpu.sem_alloc : memref<!tpu.dma_semaphore, #tpu.memory_space<semaphore_mem>>
      %dma_start3A = arith.constant 6400 : i32
      %dma_start3A_62 = tpu.memref_slice %arg7[%dma_start3A] : memref<7200xf32, #tpu.memory_space<vmem>> -> memref<800xf32, #tpu.memory_space<vmem>>
      %dma_start3A_63 = tpu.memref_slice %arg4[%add3A_61] : memref<460800xf32, #tpu.memory_space<hbm>> -> memref<800xf32, #tpu.memory_space<hbm>>
      %dma_start3A_64 = tpu.memref_slice %arg4[%add3A_61] : memref<460800xf32, #tpu.memory_space<hbm>> -> memref<800xf32, #tpu.memory_space<hbm>>
      %dma_start3A_65 = arith.constant 6400 : i32
      %dma_start3A_66 = tpu.memref_slice %arg7[%dma_start3A_65] : memref<7200xf32, #tpu.memory_space<vmem>> -> memref<800xf32, #tpu.memory_space<vmem>>
      tpu.enqueue_dma source(%dma_start3A_66 : memref<800xf32, #tpu.memory_space<vmem>>) target(%dma_start3A_64 : memref<800xf32, #tpu.memory_space<hbm>>) target_semaphore(%run_scoped3A : memref<!tpu.dma_semaphore, #tpu.memory_space<semaphore_mem>>)
      %dma_wait3A = arith.constant 6400 : i32
      %dma_wait3A_67 = tpu.memref_slice %arg7[%dma_wait3A] : memref<7200xf32, #tpu.memory_space<vmem>> -> memref<800xf32, #tpu.memory_space<vmem>>
      %dma_wait3A_68 = tpu.memref_slice %arg4[%add3A_61] : memref<460800xf32, #tpu.memory_space<hbm>> -> memref<800xf32, #tpu.memory_space<hbm>>
      %dma_wait3A_69 = tpu.memref_slice %arg4[%add3A_61] : memref<460800xf32, #tpu.memory_space<hbm>> -> memref<800xf32, #tpu.memory_space<hbm>>
      %dma_wait3A_70 = arith.constant 6400 : i32
      %dma_wait3A_71 = tpu.memref_slice %arg7[%dma_wait3A_70] : memref<7200xf32, #tpu.memory_space<vmem>> -> memref<800xf32, #tpu.memory_space<vmem>>
      tpu.wait_dma2 semaphore(%run_scoped3A : memref<!tpu.dma_semaphore, #tpu.memory_space<semaphore_mem>>) src(%dma_wait3A_71 : memref<800xf32, #tpu.memory_space<vmem>>) dst(%dma_wait3A_69 : memref<800xf32, #tpu.memory_space<hbm>>)
      tpu.yield
    }) : () -> ()
    return
  }
}

module attributes {stable_mosaic.version = 14 : i64} {
  func.func @_prep_body(%arg0: i32, %arg1: memref<128x64xf32, #tpu.memory_space<vmem>>, %arg2: memref<128x16xf32, #tpu.memory_space<vmem>>, %arg3: memref<128x16xf32, #tpu.memory_space<vmem>>, %arg4: memref<128x64xf32, #tpu.memory_space<vmem>>, %arg5: memref<128x16xf32, #tpu.memory_space<vmem>>, %arg6: memref<128x64xf32, #tpu.memory_space<vmem>>, %arg7: memref<512x16xf32, #tpu.memory_space<vmem>>, %arg8: memref<1056x128xf32, #tpu.memory_space<vmem>>, %arg9: memref<1x128xf32, #tpu.memory_space<vmem>>, %arg10: memref<2x4xi32, #tpu.memory_space<smem>>, %arg11: memref<128x2176xbf16, #tpu.memory_space<vmem>>, %arg12: memref<8x128xf32, #tpu.memory_space<vmem>>) attributes {dimension_semantics = [#tpu.dimension_semantics<arbitrary>], iteration_bounds = array<i64: 1>, scalar_prefetch = 0 : i64, scratch_operands = 0 : i64, tpu.core_type = #tpu.core_type<tc>, window_params = [{pipeline_mode = #tpu.pipeline_mode<synchronous>, transform_indices = @transform_0, window_bounds = array<i64: 128, 64>}, {pipeline_mode = #tpu.pipeline_mode<synchronous>, transform_indices = @transform_1, window_bounds = array<i64: 128, 16>}, {pipeline_mode = #tpu.pipeline_mode<synchronous>, transform_indices = @transform_2, window_bounds = array<i64: 128, 16>}, {pipeline_mode = #tpu.pipeline_mode<synchronous>, transform_indices = @transform_3, window_bounds = array<i64: 128, 64>}, {pipeline_mode = #tpu.pipeline_mode<synchronous>, transform_indices = @transform_4, window_bounds = array<i64: 128, 16>}, {pipeline_mode = #tpu.pipeline_mode<synchronous>, transform_indices = @transform_5, window_bounds = array<i64: 128, 64>}, {pipeline_mode = #tpu.pipeline_mode<synchronous>, transform_indices = @transform_6, window_bounds = array<i64: 512, 16>}, {pipeline_mode = #tpu.pipeline_mode<synchronous>, transform_indices = @transform_7, window_bounds = array<i64: 1056, 128>}, {pipeline_mode = #tpu.pipeline_mode<synchronous>, transform_indices = @transform_8, window_bounds = array<i64: 1, 128>}, {transform_indices = @transform_9, window_bounds = array<i64: 2, 4>}, {pipeline_mode = #tpu.pipeline_mode<synchronous>, transform_indices = @transform_10, window_bounds = array<i64: 128, 2176>}, {pipeline_mode = #tpu.pipeline_mode<synchronous>, transform_indices = @transform_11, window_bounds = array<i64: 8, 128>}]} {
    %get3A = arith.constant 0 : index
    %get3A_0 = arith.constant 0 : index
    %get3A_1 = vector.load %arg8[%get3A, %get3A_0] : memref<1056x128xf32, #tpu.memory_space<vmem>>, vector<64x128xf32>
    %get3A_2 = arith.constant 0 : index
    %get3A_3 = arith.constant 0 : index
    %get3A_4 = vector.load %arg1[%get3A_2, %get3A_3] : memref<128x64xf32, #tpu.memory_space<vmem>>, vector<128x64xf32>
    %dot_general3A = arith.constant dense<0.000000e+00> : vector<128x128xf32>
    %dot_general3A_5 = tpu.matmul %get3A_1, %get3A_4, %dot_general3A {dimension_numbers = #tpu.dot_dimension_numbers<[0], [1], [1], [0], [0, 1, 1, 0], [], []>, transpose_lhs_hint = false} : vector<64x128xf32>, vector<128x64xf32>, vector<128x128xf32> -> vector<128x128xf32>
    %convert_element_type3A = arith.truncf %dot_general3A_5 : vector<128x128xf32> to vector<128x128xbf16>
    %swap3A = arith.constant 0 : index
    %swap3A_6 = arith.constant 0 : index
    %swap3A_7 = vector.load %arg11[%swap3A, %swap3A_6] : memref<128x2176xbf16, #tpu.memory_space<vmem>>, vector<128x128xbf16>
    tpu.vector_store %arg11[%swap3A, %swap3A_6], %convert_element_type3A {strides = array<i32>} : memref<128x2176xbf16, #tpu.memory_space<vmem>>, vector<128x128xbf16>,
    %get3A_8 = arith.constant 64 : index
    %get3A_9 = arith.constant 0 : index
    %get3A_10 = vector.load %arg8[%get3A_8, %get3A_9] : memref<1056x128xf32, #tpu.memory_space<vmem>>, vector<64x128xf32>
    %get3A_11 = arith.constant 0 : index
    %get3A_12 = arith.constant 0 : index
    %get3A_13 = vector.load %arg1[%get3A_11, %get3A_12] : memref<128x64xf32, #tpu.memory_space<vmem>>, vector<128x64xf32>
    %dot_general3A_14 = arith.constant dense<0.000000e+00> : vector<128x128xf32>
    %dot_general3A_15 = tpu.matmul %get3A_10, %get3A_13, %dot_general3A_14 {dimension_numbers = #tpu.dot_dimension_numbers<[0], [1], [1], [0], [0, 1, 1, 0], [], []>, transpose_lhs_hint = false} : vector<64x128xf32>, vector<128x64xf32>, vector<128x128xf32> -> vector<128x128xf32>
    %convert_element_type3A_16 = arith.truncf %dot_general3A_15 : vector<128x128xf32> to vector<128x128xbf16>
    %swap3A_17 = arith.constant 0 : index
    %swap3A_18 = arith.constant 128 : index
    %swap3A_19 = vector.load %arg11[%swap3A_17, %swap3A_18] : memref<128x2176xbf16, #tpu.memory_space<vmem>>, vector<128x128xbf16>
    tpu.vector_store %arg11[%swap3A_17, %swap3A_18], %convert_element_type3A_16 {strides = array<i32>} : memref<128x2176xbf16, #tpu.memory_space<vmem>>, vector<128x128xbf16>,
    %get3A_20 = arith.constant 128 : index
    %get3A_21 = arith.constant 0 : index
    %get3A_22 = vector.load %arg8[%get3A_20, %get3A_21] : memref<1056x128xf32, #tpu.memory_space<vmem>>, vector<64x128xf32>
    %get3A_23 = arith.constant 0 : index
    %get3A_24 = arith.constant 0 : index
    %get3A_25 = vector.load %arg1[%get3A_23, %get3A_24] : memref<128x64xf32, #tpu.memory_space<vmem>>, vector<128x64xf32>
    %dot_general3A_26 = arith.constant dense<0.000000e+00> : vector<128x128xf32>
    %dot_general3A_27 = tpu.matmul %get3A_22, %get3A_25, %dot_general3A_26 {dimension_numbers = #tpu.dot_dimension_numbers<[0], [1], [1], [0], [0, 1, 1, 0], [], []>, transpose_lhs_hint = false} : vector<64x128xf32>, vector<128x64xf32>, vector<128x128xf32> -> vector<128x128xf32>
    %convert_element_type3A_28 = arith.truncf %dot_general3A_27 : vector<128x128xf32> to vector<128x128xbf16>
    %swap3A_29 = arith.constant 0 : index
    %swap3A_30 = arith.constant 256 : index
    %swap3A_31 = vector.load %arg11[%swap3A_29, %swap3A_30] : memref<128x2176xbf16, #tpu.memory_space<vmem>>, vector<128x128xbf16>
    tpu.vector_store %arg11[%swap3A_29, %swap3A_30], %convert_element_type3A_28 {strides = array<i32>} : memref<128x2176xbf16, #tpu.memory_space<vmem>>, vector<128x128xbf16>,
    %get3A_32 = arith.constant 192 : index
    %get3A_33 = arith.constant 0 : index
    %get3A_34 = vector.load %arg8[%get3A_32, %get3A_33] : memref<1056x128xf32, #tpu.memory_space<vmem>>, vector<64x128xf32>
    %get3A_35 = arith.constant 0 : index
    %get3A_36 = arith.constant 0 : index
    %get3A_37 = vector.load %arg1[%get3A_35, %get3A_36] : memref<128x64xf32, #tpu.memory_space<vmem>>, vector<128x64xf32>
    %dot_general3A_38 = arith.constant dense<0.000000e+00> : vector<128x128xf32>
    %dot_general3A_39 = tpu.matmul %get3A_34, %get3A_37, %dot_general3A_38 {dimension_numbers = #tpu.dot_dimension_numbers<[0], [1], [1], [0], [0, 1, 1, 0], [], []>, transpose_lhs_hint = false} : vector<64x128xf32>, vector<128x64xf32>, vector<128x128xf32> -> vector<128x128xf32>
    %convert_element_type3A_40 = arith.truncf %dot_general3A_39 : vector<128x128xf32> to vector<128x128xbf16>
    %swap3A_41 = arith.constant 0 : index
    %swap3A_42 = arith.constant 384 : index
    %swap3A_43 = vector.load %arg11[%swap3A_41, %swap3A_42] : memref<128x2176xbf16, #tpu.memory_space<vmem>>, vector<128x128xbf16>
    tpu.vector_store %arg11[%swap3A_41, %swap3A_42], %convert_element_type3A_40 {strides = array<i32>} : memref<128x2176xbf16, #tpu.memory_space<vmem>>, vector<128x128xbf16>,
    %get3A_44 = arith.constant 256 : index
    %get3A_45 = arith.constant 0 : index
    %get3A_46 = vector.load %arg8[%get3A_44, %get3A_45] : memref<1056x128xf32, #tpu.memory_space<vmem>>, vector<64x128xf32>
    %get3A_47 = arith.constant 0 : index
    %get3A_48 = arith.constant 0 : index
    %get3A_49 = vector.load %arg1[%get3A_47, %get3A_48] : memref<128x64xf32, #tpu.memory_space<vmem>>, vector<128x64xf32>
    %dot_general3A_50 = arith.constant dense<0.000000e+00> : vector<128x128xf32>
    %dot_general3A_51 = tpu.matmul %get3A_46, %get3A_49, %dot_general3A_50 {dimension_numbers = #tpu.dot_dimension_numbers<[0], [1], [1], [0], [0, 1, 1, 0], [], []>, transpose_lhs_hint = false} : vector<64x128xf32>, vector<128x64xf32>, vector<128x128xf32> -> vector<128x128xf32>
    %convert_element_type3A_52 = arith.truncf %dot_general3A_51 : vector<128x128xf32> to vector<128x128xbf16>
    %swap3A_53 = arith.constant 0 : index
    %swap3A_54 = arith.constant 512 : index
    %swap3A_55 = vector.load %arg11[%swap3A_53, %swap3A_54] : memref<128x2176xbf16, #tpu.memory_space<vmem>>, vector<128x128xbf16>
    tpu.vector_store %arg11[%swap3A_53, %swap3A_54], %convert_element_type3A_52 {strides = array<i32>} : memref<128x2176xbf16, #tpu.memory_space<vmem>>, vector<128x128xbf16>,
    %get3A_56 = arith.constant 320 : index
    %get3A_57 = arith.constant 0 : index
    %get3A_58 = vector.load %arg8[%get3A_56, %get3A_57] : memref<1056x128xf32, #tpu.memory_space<vmem>>, vector<64x128xf32>
    %get3A_59 = arith.constant 0 : index
    %get3A_60 = arith.constant 0 : index
    %get3A_61 = vector.load %arg1[%get3A_59, %get3A_60] : memref<128x64xf32, #tpu.memory_space<vmem>>, vector<128x64xf32>
    %dot_general3A_62 = arith.constant dense<0.000000e+00> : vector<128x128xf32>
    %dot_general3A_63 = tpu.matmul %get3A_58, %get3A_61, %dot_general3A_62 {dimension_numbers = #tpu.dot_dimension_numbers<[0], [1], [1], [0], [0, 1, 1, 0], [], []>, transpose_lhs_hint = false} : vector<64x128xf32>, vector<128x64xf32>, vector<128x128xf32> -> vector<128x128xf32>
    %convert_element_type3A_64 = arith.truncf %dot_general3A_63 : vector<128x128xf32> to vector<128x128xbf16>
    %swap3A_65 = arith.constant 0 : index
    %swap3A_66 = arith.constant 640 : index
    %swap3A_67 = vector.load %arg11[%swap3A_65, %swap3A_66] : memref<128x2176xbf16, #tpu.memory_space<vmem>>, vector<128x128xbf16>
    tpu.vector_store %arg11[%swap3A_65, %swap3A_66], %convert_element_type3A_64 {strides = array<i32>} : memref<128x2176xbf16, #tpu.memory_space<vmem>>, vector<128x128xbf16>,
    %get3A_68 = arith.constant 384 : index
    %get3A_69 = arith.constant 0 : index
    %get3A_70 = vector.load %arg8[%get3A_68, %get3A_69] : memref<1056x128xf32, #tpu.memory_space<vmem>>, vector<64x128xf32>
    %get3A_71 = arith.constant 0 : index
    %get3A_72 = arith.constant 0 : index
    %get3A_73 = vector.load %arg1[%get3A_71, %get3A_72] : memref<128x64xf32, #tpu.memory_space<vmem>>, vector<128x64xf32>
    %dot_general3A_74 = arith.constant dense<0.000000e+00> : vector<128x128xf32>
    %dot_general3A_75 = tpu.matmul %get3A_70, %get3A_73, %dot_general3A_74 {dimension_numbers = #tpu.dot_dimension_numbers<[0], [1], [1], [0], [0, 1, 1, 0], [], []>, transpose_lhs_hint = false} : vector<64x128xf32>, vector<128x64xf32>, vector<128x128xf32> -> vector<128x128xf32>
    %convert_element_type3A_76 = arith.truncf %dot_general3A_75 : vector<128x128xf32> to vector<128x128xbf16>
    %swap3A_77 = arith.constant 0 : index
    %swap3A_78 = arith.constant 768 : index
    %swap3A_79 = vector.load %arg11[%swap3A_77, %swap3A_78] : memref<128x2176xbf16, #tpu.memory_space<vmem>>, vector<128x128xbf16>
    tpu.vector_store %arg11[%swap3A_77, %swap3A_78], %convert_element_type3A_76 {strides = array<i32>} : memref<128x2176xbf16, #tpu.memory_space<vmem>>, vector<128x128xbf16>,
    %get3A_80 = arith.constant 448 : index
    %get3A_81 = arith.constant 0 : index
    %get3A_82 = vector.load %arg8[%get3A_80, %get3A_81] : memref<1056x128xf32, #tpu.memory_space<vmem>>, vector<64x128xf32>
    %get3A_83 = arith.constant 0 : index
    %get3A_84 = arith.constant 0 : index
    %get3A_85 = vector.load %arg1[%get3A_83, %get3A_84] : memref<128x64xf32, #tpu.memory_space<vmem>>, vector<128x64xf32>
    %dot_general3A_86 = arith.constant dense<0.000000e+00> : vector<128x128xf32>
    %dot_general3A_87 = tpu.matmul %get3A_82, %get3A_85, %dot_general3A_86 {dimension_numbers = #tpu.dot_dimension_numbers<[0], [1], [1], [0], [0, 1, 1, 0], [], []>, transpose_lhs_hint = false} : vector<64x128xf32>, vector<128x64xf32>, vector<128x128xf32> -> vector<128x128xf32>
    %convert_element_type3A_88 = arith.truncf %dot_general3A_87 : vector<128x128xf32> to vector<128x128xbf16>
    %swap3A_89 = arith.constant 0 : index
    %swap3A_90 = arith.constant 896 : index
    %swap3A_91 = vector.load %arg11[%swap3A_89, %swap3A_90] : memref<128x2176xbf16, #tpu.memory_space<vmem>>, vector<128x128xbf16>
    tpu.vector_store %arg11[%swap3A_89, %swap3A_90], %convert_element_type3A_88 {strides = array<i32>} : memref<128x2176xbf16, #tpu.memory_space<vmem>>, vector<128x128xbf16>,
    %get3A_92 = arith.constant 512 : index
    %get3A_93 = arith.constant 0 : index
    %get3A_94 = vector.load %arg8[%get3A_92, %get3A_93] : memref<1056x128xf32, #tpu.memory_space<vmem>>, vector<64x128xf32>
    %get3A_95 = arith.constant 0 : index
    %get3A_96 = arith.constant 0 : index
    %get3A_97 = vector.load %arg1[%get3A_95, %get3A_96] : memref<128x64xf32, #tpu.memory_space<vmem>>, vector<128x64xf32>
    %dot_general3A_98 = arith.constant dense<0.000000e+00> : vector<128x128xf32>
    %dot_general3A_99 = tpu.matmul %get3A_94, %get3A_97, %dot_general3A_98 {dimension_numbers = #tpu.dot_dimension_numbers<[0], [1], [1], [0], [0, 1, 1, 0], [], []>, transpose_lhs_hint = false} : vector<64x128xf32>, vector<128x64xf32>, vector<128x128xf32> -> vector<128x128xf32>
    %convert_element_type3A_100 = arith.truncf %dot_general3A_99 : vector<128x128xf32> to vector<128x128xbf16>
    %swap3A_101 = arith.constant 0 : index
    %swap3A_102 = arith.constant 1024 : index
    %swap3A_103 = vector.load %arg11[%swap3A_101, %swap3A_102] : memref<128x2176xbf16, #tpu.memory_space<vmem>>, vector<128x128xbf16>
    tpu.vector_store %arg11[%swap3A_101, %swap3A_102], %convert_element_type3A_100 {strides = array<i32>} : memref<128x2176xbf16, #tpu.memory_space<vmem>>, vector<128x128xbf16>,
    %get3A_104 = arith.constant 576 : index
    %get3A_105 = arith.constant 0 : index
    %get3A_106 = vector.load %arg8[%get3A_104, %get3A_105] : memref<1056x128xf32, #tpu.memory_space<vmem>>, vector<16x128xf32>
    %get3A_107 = arith.constant 0 : index
    %get3A_108 = arith.constant 0 : index
    %get3A_109 = vector.load %arg2[%get3A_107, %get3A_108] : memref<128x16xf32, #tpu.memory_space<vmem>>, vector<128x16xf32>
    %dot_general3A_110 = arith.constant dense<0.000000e+00> : vector<128x128xf32>
    %dot_general3A_111 = tpu.matmul %get3A_106, %get3A_109, %dot_general3A_110 {dimension_numbers = #tpu.dot_dimension_numbers<[0], [1], [1], [0], [0, 1, 1, 0], [], []>, transpose_lhs_hint = false} : vector<16x128xf32>, vector<128x16xf32>, vector<128x128xf32> -> vector<128x128xf32>
    %convert_element_type3A_112 = arith.truncf %dot_general3A_111 : vector<128x128xf32> to vector<128x128xbf16>
    %swap3A_113 = arith.constant 0 : index
    %swap3A_114 = arith.constant 1152 : index
    %swap3A_115 = vector.load %arg11[%swap3A_113, %swap3A_114] : memref<128x2176xbf16, #tpu.memory_space<vmem>>, vector<128x128xbf16>
    tpu.vector_store %arg11[%swap3A_113, %swap3A_114], %convert_element_type3A_112 {strides = array<i32>} : memref<128x2176xbf16, #tpu.memory_space<vmem>>, vector<128x128xbf16>,
    %get3A_116 = arith.constant 592 : index
    %get3A_117 = arith.constant 0 : index
    %get3A_118 = vector.load %arg8[%get3A_116, %get3A_117] : memref<1056x128xf32, #tpu.memory_space<vmem>>, vector<16x128xf32>
    %get3A_119 = arith.constant 0 : index
    %get3A_120 = arith.constant 0 : index
    %get3A_121 = vector.load %arg2[%get3A_119, %get3A_120] : memref<128x16xf32, #tpu.memory_space<vmem>>, vector<128x16xf32>
    %dot_general3A_122 = arith.constant dense<0.000000e+00> : vector<128x128xf32>
    %dot_general3A_123 = tpu.matmul %get3A_118, %get3A_121, %dot_general3A_122 {dimension_numbers = #tpu.dot_dimension_numbers<[0], [1], [1], [0], [0, 1, 1, 0], [], []>, transpose_lhs_hint = false} : vector<16x128xf32>, vector<128x16xf32>, vector<128x128xf32> -> vector<128x128xf32>
    %convert_element_type3A_124 = arith.truncf %dot_general3A_123 : vector<128x128xf32> to vector<128x128xbf16>
    %swap3A_125 = arith.constant 0 : index
    %swap3A_126 = arith.constant 1280 : index
    %swap3A_127 = vector.load %arg11[%swap3A_125, %swap3A_126] : memref<128x2176xbf16, #tpu.memory_space<vmem>>, vector<128x128xbf16>
    tpu.vector_store %arg11[%swap3A_125, %swap3A_126], %convert_element_type3A_124 {strides = array<i32>} : memref<128x2176xbf16, #tpu.memory_space<vmem>>, vector<128x128xbf16>,
    %get3A_128 = arith.constant 608 : index
    %get3A_129 = arith.constant 0 : index
    %get3A_130 = vector.load %arg8[%get3A_128, %get3A_129] : memref<1056x128xf32, #tpu.memory_space<vmem>>, vector<16x128xf32>
    %get3A_131 = arith.constant 0 : index
    %get3A_132 = arith.constant 0 : index
    %get3A_133 = vector.load %arg2[%get3A_131, %get3A_132] : memref<128x16xf32, #tpu.memory_space<vmem>>, vector<128x16xf32>
    %dot_general3A_134 = arith.constant dense<0.000000e+00> : vector<128x128xf32>
    %dot_general3A_135 = tpu.matmul %get3A_130, %get3A_133, %dot_general3A_134 {dimension_numbers = #tpu.dot_dimension_numbers<[0], [1], [1], [0], [0, 1, 1, 0], [], []>, transpose_lhs_hint = false} : vector<16x128xf32>, vector<128x16xf32>, vector<128x128xf32> -> vector<128x128xf32>
    %convert_element_type3A_136 = arith.truncf %dot_general3A_135 : vector<128x128xf32> to vector<128x128xbf16>
    %swap3A_137 = arith.constant 0 : index
    %swap3A_138 = arith.constant 1408 : index
    %swap3A_139 = vector.load %arg11[%swap3A_137, %swap3A_138] : memref<128x2176xbf16, #tpu.memory_space<vmem>>, vector<128x128xbf16>
    tpu.vector_store %arg11[%swap3A_137, %swap3A_138], %convert_element_type3A_136 {strides = array<i32>} : memref<128x2176xbf16, #tpu.memory_space<vmem>>, vector<128x128xbf16>,
    %get3A_140 = arith.constant 624 : index
    %get3A_141 = arith.constant 0 : index
    %get3A_142 = vector.load %arg8[%get3A_140, %get3A_141] : memref<1056x128xf32, #tpu.memory_space<vmem>>, vector<16x128xf32>
    %get3A_143 = arith.constant 0 : index
    %get3A_144 = arith.constant 0 : index
    %get3A_145 = vector.load %arg3[%get3A_143, %get3A_144] : memref<128x16xf32, #tpu.memory_space<vmem>>, vector<128x16xf32>
    %dot_general3A_146 = arith.constant dense<0.000000e+00> : vector<128x128xf32>
    %dot_general3A_147 = tpu.matmul %get3A_142, %get3A_145, %dot_general3A_146 {dimension_numbers = #tpu.dot_dimension_numbers<[0], [1], [1], [0], [0, 1, 1, 0], [], []>, transpose_lhs_hint = false} : vector<16x128xf32>, vector<128x16xf32>, vector<128x128xf32> -> vector<128x128xf32>
    %convert_element_type3A_148 = arith.truncf %dot_general3A_147 : vector<128x128xf32> to vector<128x128xbf16>
    %swap3A_149 = arith.constant 0 : index
    %swap3A_150 = arith.constant 1536 : index
    %swap3A_151 = vector.load %arg11[%swap3A_149, %swap3A_150] : memref<128x2176xbf16, #tpu.memory_space<vmem>>, vector<128x128xbf16>
    tpu.vector_store %arg11[%swap3A_149, %swap3A_150], %convert_element_type3A_148 {strides = array<i32>} : memref<128x2176xbf16, #tpu.memory_space<vmem>>, vector<128x128xbf16>,
    %get3A_152 = arith.constant 640 : index
    %get3A_153 = arith.constant 0 : index
    %get3A_154 = vector.load %arg8[%get3A_152, %get3A_153] : memref<1056x128xf32, #tpu.memory_space<vmem>>, vector<64x128xf32>
    %get3A_155 = arith.constant 0 : index
    %get3A_156 = arith.constant 0 : index
    %get3A_157 = vector.load %arg4[%get3A_155, %get3A_156] : memref<128x64xf32, #tpu.memory_space<vmem>>, vector<128x64xf32>
    %dot_general3A_158 = arith.constant dense<0.000000e+00> : vector<128x128xf32>
    %dot_general3A_159 = tpu.matmul %get3A_154, %get3A_157, %dot_general3A_158 {dimension_numbers = #tpu.dot_dimension_numbers<[0], [1], [1], [0], [0, 1, 1, 0], [], []>, transpose_lhs_hint = false} : vector<64x128xf32>, vector<128x64xf32>, vector<128x128xf32> -> vector<128x128xf32>
    %convert_element_type3A_160 = arith.truncf %dot_general3A_159 : vector<128x128xf32> to vector<128x128xbf16>
    %swap3A_161 = arith.constant 0 : index
    %swap3A_162 = arith.constant 1664 : index
    %swap3A_163 = vector.load %arg11[%swap3A_161, %swap3A_162] : memref<128x2176xbf16, #tpu.memory_space<vmem>>, vector<128x128xbf16>
    tpu.vector_store %arg11[%swap3A_161, %swap3A_162], %convert_element_type3A_160 {strides = array<i32>} : memref<128x2176xbf16, #tpu.memory_space<vmem>>, vector<128x128xbf16>,
    %get3A_164 = arith.constant 704 : index
    %get3A_165 = arith.constant 0 : index
    %get3A_166 = vector.load %arg8[%get3A_164, %get3A_165] : memref<1056x128xf32, #tpu.memory_space<vmem>>, vector<64x128xf32>
    %get3A_167 = arith.constant 0 : index
    %get3A_168 = arith.constant 0 : index
    %get3A_169 = vector.load %arg4[%get3A_167, %get3A_168] : memref<128x64xf32, #tpu.memory_space<vmem>>, vector<128x64xf32>
    %dot_general3A_170 = arith.constant dense<0.000000e+00> : vector<128x128xf32>
    %dot_general3A_171 = tpu.matmul %get3A_166, %get3A_169, %dot_general3A_170 {dimension_numbers = #tpu.dot_dimension_numbers<[0], [1], [1], [0], [0, 1, 1, 0], [], []>, transpose_lhs_hint = false} : vector<64x128xf32>, vector<128x64xf32>, vector<128x128xf32> -> vector<128x128xf32>
    %convert_element_type3A_172 = arith.truncf %dot_general3A_171 : vector<128x128xf32> to vector<128x128xbf16>
    %swap3A_173 = arith.constant 0 : index
    %swap3A_174 = arith.constant 1792 : index
    %swap3A_175 = vector.load %arg11[%swap3A_173, %swap3A_174] : memref<128x2176xbf16, #tpu.memory_space<vmem>>, vector<128x128xbf16>
    tpu.vector_store %arg11[%swap3A_173, %swap3A_174], %convert_element_type3A_172 {strides = array<i32>} : memref<128x2176xbf16, #tpu.memory_space<vmem>>, vector<128x128xbf16>,
    %get3A_176 = arith.constant 768 : index
    %get3A_177 = arith.constant 0 : index
    %get3A_178 = vector.load %arg8[%get3A_176, %get3A_177] : memref<1056x128xf32, #tpu.memory_space<vmem>>, vector<64x128xf32>
    %get3A_179 = arith.constant 0 : index
    %get3A_180 = arith.constant 0 : index
    %get3A_181 = vector.load %arg4[%get3A_179, %get3A_180] : memref<128x64xf32, #tpu.memory_space<vmem>>, vector<128x64xf32>
    %dot_general3A_182 = arith.constant dense<0.000000e+00> : vector<128x128xf32>
    %dot_general3A_183 = tpu.matmul %get3A_178, %get3A_181, %dot_general3A_182 {dimension_numbers = #tpu.dot_dimension_numbers<[0], [1], [1], [0], [0, 1, 1, 0], [], []>, transpose_lhs_hint = false} : vector<64x128xf32>, vector<128x64xf32>, vector<128x128xf32> -> vector<128x128xf32>
    %convert_element_type3A_184 = arith.truncf %dot_general3A_183 : vector<128x128xf32> to vector<128x128xbf16>
    %swap3A_185 = arith.constant 0 : index
    %swap3A_186 = arith.constant 1920 : index
    %swap3A_187 = vector.load %arg11[%swap3A_185, %swap3A_186] : memref<128x2176xbf16, #tpu.memory_space<vmem>>, vector<128x128xbf16>
    tpu.vector_store %arg11[%swap3A_185, %swap3A_186], %convert_element_type3A_184 {strides = array<i32>} : memref<128x2176xbf16, #tpu.memory_space<vmem>>, vector<128x128xbf16>,
    %get3A_188 = arith.constant 832 : index
    %get3A_189 = arith.constant 0 : index
    %get3A_190 = vector.load %arg8[%get3A_188, %get3A_189] : memref<1056x128xf32, #tpu.memory_space<vmem>>, vector<16x128xf32>
    %get3A_191 = arith.constant 0 : index
    %get3A_192 = arith.constant 0 : index
    %get3A_193 = vector.load %arg5[%get3A_191, %get3A_192] : memref<128x16xf32, #tpu.memory_space<vmem>>, vector<128x16xf32>
    %dot_general3A_194 = arith.constant dense<0.000000e+00> : vector<128x128xf32>
    %dot_general3A_195 = tpu.matmul %get3A_190, %get3A_193, %dot_general3A_194 {dimension_numbers = #tpu.dot_dimension_numbers<[0], [1], [1], [0], [0, 1, 1, 0], [], []>, transpose_lhs_hint = false} : vector<16x128xf32>, vector<128x16xf32>, vector<128x128xf32> -> vector<128x128xf32>
    %convert_element_type3A_196 = arith.truncf %dot_general3A_195 : vector<128x128xf32> to vector<128x128xbf16>
    %swap3A_197 = arith.constant 0 : index
    %swap3A_198 = arith.constant 2048 : index
    %swap3A_199 = vector.load %arg11[%swap3A_197, %swap3A_198] : memref<128x2176xbf16, #tpu.memory_space<vmem>>, vector<128x128xbf16>
    tpu.vector_store %arg11[%swap3A_197, %swap3A_198], %convert_element_type3A_196 {strides = array<i32>} : memref<128x2176xbf16, #tpu.memory_space<vmem>>, vector<128x128xbf16>,
    %get3A_200 = arith.constant 0 : index
    %get3A_201 = arith.constant 0 : index
    %get3A_202 = vector.load %arg9[%get3A_200, %get3A_201] : memref<1x128xf32, #tpu.memory_space<vmem>>, vector<1x128xf32>
    %broadcast_in_dim3A = vector.shape_cast %get3A_202 : vector<1x128xf32> to vector<1x128xf32>
    %broadcast_in_dim3A_203 = vector.broadcast %broadcast_in_dim3A : vector<1x128xf32> to vector<8x128xf32>
    %iota3A = tpu.iota {dimensions = array<i32: 0>} : vector<8x128xi32>
    %iota3A_204 = tpu.iota {dimensions = array<i32: 1>} : vector<8x128xi32>
    %get3A_205 = arith.constant 0 : index
    %get3A_206 = arith.constant 0 : index
    %get3A_207 = memref.load %arg10[%get3A_205, %get3A_206] : memref<2x4xi32, #tpu.memory_space<smem>>
    %get3A_208 = arith.constant 1 : index
    %get3A_209 = arith.constant 0 : index
    %get3A_210 = memref.load %arg10[%get3A_208, %get3A_209] : memref<2x4xi32, #tpu.memory_space<smem>>
    %eq3A = arith.constant 0 : i32
    %eq3A_211 = vector.broadcast %eq3A : i32 to vector<8x128xi32>
    %eq3A_212 = arith.cmpi eq, %iota3A, %eq3A_211 : vector<8x128xi32>
    %eq3A_213 = arith.constant 1 : i32
    %eq3A_214 = vector.broadcast %eq3A_213 : i32 to vector<8x128xi32>
    %eq3A_215 = arith.cmpi eq, %iota3A, %eq3A_214 : vector<8x128xi32>
    %jit3A = arith.constant -1 : i32
    %broadcast_in_dim3A_216 = vector.broadcast %get3A_210 : i32 to vector<8x128xi32>
    %broadcast_in_dim3A_217 = vector.broadcast %jit3A : i32 to vector<8x128xi32>
    %select_n3A = arith.select %eq3A_215, %broadcast_in_dim3A_216, %broadcast_in_dim3A_217 : vector<8x128xi1>, vector<8x128xi32>
    %broadcast_in_dim3A_218 = vector.broadcast %get3A_207 : i32 to vector<8x128xi32>
    %select_n3A_219 = arith.select %eq3A_212, %broadcast_in_dim3A_218, %select_n3A : vector<8x128xi1>, vector<8x128xi32>
    %eq3A_220 = arith.cmpi eq, %iota3A_204, %select_n3A_219 : vector<8x128xi32>
    %convert_element_type3A_221 = arith.extui %eq3A_220 : vector<8x128xi1> to vector<8x128xi32>
    %convert_element_type3A_222 = arith.sitofp %convert_element_type3A_221 : vector<8x128xi32> to vector<8x128xf32>
    %get3A_223 = arith.constant 848 : index
    %get3A_224 = arith.constant 0 : index
    %get3A_225 = vector.load %arg8[%get3A_223, %get3A_224] : memref<1056x128xf32, #tpu.memory_space<vmem>>, vector<64x128xf32>
    %get3A_226 = arith.constant 0 : index
    %get3A_227 = arith.constant 0 : index
    %get3A_228 = vector.load %arg6[%get3A_226, %get3A_227] : memref<128x64xf32, #tpu.memory_space<vmem>>, vector<128x64xf32>
    %dot_general3A_229 = arith.constant dense<0.000000e+00> : vector<128x128xf32>
    %dot_general3A_230 = tpu.matmul %get3A_228, %get3A_225, %dot_general3A_229 {dimension_numbers = #tpu.dot_dimension_numbers<[1], [0], [0], [1], [0, 0, 1, 1], [], []>, transpose_lhs_hint = false} : vector<128x64xf32>, vector<64x128xf32>, vector<128x128xf32> -> vector<128x128xf32>
    %dot_general3A_231 = arith.constant dense<0.000000e+00> : vector<8x128xf32>
    %dot_general3A_232 = tpu.matmul %convert_element_type3A_222, %dot_general3A_230, %dot_general3A_231 {dimension_numbers = #tpu.dot_dimension_numbers<[1], [0], [0], [1], [0, 0, 1, 1], [], []>, transpose_lhs_hint = false} : vector<8x128xf32>, vector<128x128xf32>, vector<8x128xf32> -> vector<8x128xf32>
    %add3A = arith.addf %broadcast_in_dim3A_203, %dot_general3A_232 : vector<8x128xf32>
    %get3A_233 = arith.constant 0 : index
    %get3A_234 = arith.constant 1 : index
    %get3A_235 = memref.load %arg10[%get3A_233, %get3A_234] : memref<2x4xi32, #tpu.memory_space<smem>>
    %get3A_236 = arith.constant 1 : index
    %get3A_237 = arith.constant 1 : index
    %get3A_238 = memref.load %arg10[%get3A_236, %get3A_237] : memref<2x4xi32, #tpu.memory_space<smem>>
    %eq3A_239 = arith.constant 0 : i32
    %eq3A_240 = vector.broadcast %eq3A_239 : i32 to vector<8x128xi32>
    %eq3A_241 = arith.cmpi eq, %iota3A, %eq3A_240 : vector<8x128xi32>
    %eq3A_242 = arith.constant 1 : i32
    %eq3A_243 = vector.broadcast %eq3A_242 : i32 to vector<8x128xi32>
    %eq3A_244 = arith.cmpi eq, %iota3A, %eq3A_243 : vector<8x128xi32>
    %jit3A_245 = arith.constant -1 : i32
    %broadcast_in_dim3A_246 = vector.broadcast %get3A_238 : i32 to vector<8x128xi32>
    %broadcast_in_dim3A_247 = vector.broadcast %jit3A_245 : i32 to vector<8x128xi32>
    %select_n3A_248 = arith.select %eq3A_244, %broadcast_in_dim3A_246, %broadcast_in_dim3A_247 : vector<8x128xi1>, vector<8x128xi32>
    %broadcast_in_dim3A_249 = vector.broadcast %get3A_235 : i32 to vector<8x128xi32>
    %select_n3A_250 = arith.select %eq3A_241, %broadcast_in_dim3A_249, %select_n3A_248 : vector<8x128xi1>, vector<8x128xi32>
    %eq3A_251 = arith.cmpi eq, %iota3A_204, %select_n3A_250 : vector<8x128xi32>
    %convert_element_type3A_252 = arith.extui %eq3A_251 : vector<8x128xi1> to vector<8x128xi32>
    %convert_element_type3A_253 = arith.sitofp %convert_element_type3A_252 : vector<8x128xi32> to vector<8x128xf32>
    %get3A_254 = arith.constant 912 : index
    %get3A_255 = arith.constant 0 : index
    %get3A_256 = vector.load %arg8[%get3A_254, %get3A_255] : memref<1056x128xf32, #tpu.memory_space<vmem>>, vector<64x128xf32>
    %get3A_257 = arith.constant 0 : index
    %get3A_258 = arith.constant 0 : index
    %get3A_259 = vector.load %arg6[%get3A_257, %get3A_258] : memref<128x64xf32, #tpu.memory_space<vmem>>, vector<128x64xf32>
    %dot_general3A_260 = arith.constant dense<0.000000e+00> : vector<128x128xf32>
    %dot_general3A_261 = tpu.matmul %get3A_259, %get3A_256, %dot_general3A_260 {dimension_numbers = #tpu.dot_dimension_numbers<[1], [0], [0], [1], [0, 0, 1, 1], [], []>, transpose_lhs_hint = false} : vector<128x64xf32>, vector<64x128xf32>, vector<128x128xf32> -> vector<128x128xf32>
    %dot_general3A_262 = arith.constant dense<0.000000e+00> : vector<8x128xf32>
    %dot_general3A_263 = tpu.matmul %convert_element_type3A_253, %dot_general3A_261, %dot_general3A_262 {dimension_numbers = #tpu.dot_dimension_numbers<[1], [0], [0], [1], [0, 0, 1, 1], [], []>, transpose_lhs_hint = false} : vector<8x128xf32>, vector<128x128xf32>, vector<8x128xf32> -> vector<8x128xf32>
    %add3A_264 = arith.addf %add3A, %dot_general3A_263 : vector<8x128xf32>
    %get3A_265 = arith.constant 0 : index
    %get3A_266 = arith.constant 2 : index
    %get3A_267 = memref.load %arg10[%get3A_265, %get3A_266] : memref<2x4xi32, #tpu.memory_space<smem>>
    %get3A_268 = arith.constant 1 : index
    %get3A_269 = arith.constant 2 : index
    %get3A_270 = memref.load %arg10[%get3A_268, %get3A_269] : memref<2x4xi32, #tpu.memory_space<smem>>
    %eq3A_271 = arith.constant 0 : i32
    %eq3A_272 = vector.broadcast %eq3A_271 : i32 to vector<8x128xi32>
    %eq3A_273 = arith.cmpi eq, %iota3A, %eq3A_272 : vector<8x128xi32>
    %eq3A_274 = arith.constant 1 : i32
    %eq3A_275 = vector.broadcast %eq3A_274 : i32 to vector<8x128xi32>
    %eq3A_276 = arith.cmpi eq, %iota3A, %eq3A_275 : vector<8x128xi32>
    %jit3A_277 = arith.constant -1 : i32
    %broadcast_in_dim3A_278 = vector.broadcast %get3A_270 : i32 to vector<8x128xi32>
    %broadcast_in_dim3A_279 = vector.broadcast %jit3A_277 : i32 to vector<8x128xi32>
    %select_n3A_280 = arith.select %eq3A_276, %broadcast_in_dim3A_278, %broadcast_in_dim3A_279 : vector<8x128xi1>, vector<8x128xi32>
    %broadcast_in_dim3A_281 = vector.broadcast %get3A_267 : i32 to vector<8x128xi32>
    %select_n3A_282 = arith.select %eq3A_273, %broadcast_in_dim3A_281, %select_n3A_280 : vector<8x128xi1>, vector<8x128xi32>
    %eq3A_283 = arith.cmpi eq, %iota3A_204, %select_n3A_282 : vector<8x128xi32>
    %convert_element_type3A_284 = arith.extui %eq3A_283 : vector<8x128xi1> to vector<8x128xi32>
    %convert_element_type3A_285 = arith.sitofp %convert_element_type3A_284 : vector<8x128xi32> to vector<8x128xf32>
    %get3A_286 = arith.constant 976 : index
    %get3A_287 = arith.constant 0 : index
    %get3A_288 = vector.load %arg8[%get3A_286, %get3A_287] : memref<1056x128xf32, #tpu.memory_space<vmem>>, vector<64x128xf32>
    %get3A_289 = arith.constant 0 : index
    %get3A_290 = arith.constant 0 : index
    %get3A_291 = vector.load %arg6[%get3A_289, %get3A_290] : memref<128x64xf32, #tpu.memory_space<vmem>>, vector<128x64xf32>
    %dot_general3A_292 = arith.constant dense<0.000000e+00> : vector<128x128xf32>
    %dot_general3A_293 = tpu.matmul %get3A_291, %get3A_288, %dot_general3A_292 {dimension_numbers = #tpu.dot_dimension_numbers<[1], [0], [0], [1], [0, 0, 1, 1], [], []>, transpose_lhs_hint = false} : vector<128x64xf32>, vector<64x128xf32>, vector<128x128xf32> -> vector<128x128xf32>
    %dot_general3A_294 = arith.constant dense<0.000000e+00> : vector<8x128xf32>
    %dot_general3A_295 = tpu.matmul %convert_element_type3A_285, %dot_general3A_293, %dot_general3A_294 {dimension_numbers = #tpu.dot_dimension_numbers<[1], [0], [0], [1], [0, 0, 1, 1], [], []>, transpose_lhs_hint = false} : vector<8x128xf32>, vector<128x128xf32>, vector<8x128xf32> -> vector<8x128xf32>
    %add3A_296 = arith.addf %add3A_264, %dot_general3A_295 : vector<8x128xf32>
    %iota3A_297 = tpu.iota {dimensions = array<i32: 0>} : vector<8x512xi32>
    %iota3A_298 = tpu.iota {dimensions = array<i32: 1>} : vector<8x512xi32>
    %get3A_299 = arith.constant 0 : index
    %get3A_300 = arith.constant 3 : index
    %get3A_301 = memref.load %arg10[%get3A_299, %get3A_300] : memref<2x4xi32, #tpu.memory_space<smem>>
    %get3A_302 = arith.constant 1 : index
    %get3A_303 = arith.constant 3 : index
    %get3A_304 = memref.load %arg10[%get3A_302, %get3A_303] : memref<2x4xi32, #tpu.memory_space<smem>>
    %eq3A_305 = arith.constant 0 : i32
    %eq3A_306 = vector.broadcast %eq3A_305 : i32 to vector<8x512xi32>
    %eq3A_307 = arith.cmpi eq, %iota3A_297, %eq3A_306 : vector<8x512xi32>
    %eq3A_308 = arith.constant 1 : i32
    %eq3A_309 = vector.broadcast %eq3A_308 : i32 to vector<8x512xi32>
    %eq3A_310 = arith.cmpi eq, %iota3A_297, %eq3A_309 : vector<8x512xi32>
    %jit3A_311 = arith.constant -1 : i32
    %broadcast_in_dim3A_312 = vector.broadcast %get3A_304 : i32 to vector<8x512xi32>
    %broadcast_in_dim3A_313 = vector.broadcast %jit3A_311 : i32 to vector<8x512xi32>
    %select_n3A_314 = arith.select %eq3A_310, %broadcast_in_dim3A_312, %broadcast_in_dim3A_313 : vector<8x512xi1>, vector<8x512xi32>
    %broadcast_in_dim3A_315 = vector.broadcast %get3A_301 : i32 to vector<8x512xi32>
    %select_n3A_316 = arith.select %eq3A_307, %broadcast_in_dim3A_315, %select_n3A_314 : vector<8x512xi1>, vector<8x512xi32>
    %eq3A_317 = arith.cmpi eq, %iota3A_298, %select_n3A_316 : vector<8x512xi32>
    %convert_element_type3A_318 = arith.extui %eq3A_317 : vector<8x512xi1> to vector<8x512xi32>
    %convert_element_type3A_319 = arith.sitofp %convert_element_type3A_318 : vector<8x512xi32> to vector<8x512xf32>
    %get3A_320 = arith.constant 0 : index
    %get3A_321 = arith.constant 0 : index
    %get3A_322 = vector.load %arg7[%get3A_320, %get3A_321] : memref<512x16xf32, #tpu.memory_space<vmem>>, vector<512x16xf32>
    %get3A_323 = arith.constant 1040 : index
    %get3A_324 = arith.constant 0 : index
    %get3A_325 = vector.load %arg8[%get3A_323, %get3A_324] : memref<1056x128xf32, #tpu.memory_space<vmem>>, vector<16x128xf32>
    %dot_general3A_326 = arith.constant dense<0.000000e+00> : vector<512x128xf32>
    %dot_general3A_327 = tpu.matmul %get3A_322, %get3A_325, %dot_general3A_326 {dimension_numbers = #tpu.dot_dimension_numbers<[1], [0], [0], [1], [0, 0, 1, 1], [], []>, transpose_lhs_hint = false} : vector<512x16xf32>, vector<16x128xf32>, vector<512x128xf32> -> vector<512x128xf32>
    %dot_general3A_328 = arith.constant dense<0.000000e+00> : vector<8x128xf32>
    %dot_general3A_329 = tpu.matmul %convert_element_type3A_319, %dot_general3A_327, %dot_general3A_328 {dimension_numbers = #tpu.dot_dimension_numbers<[1], [0], [0], [1], [0, 0, 1, 1], [], []>, transpose_lhs_hint = false} : vector<8x512xf32>, vector<512x128xf32>, vector<8x128xf32> -> vector<8x128xf32>
    %add3A_330 = arith.addf %add3A_296, %dot_general3A_329 : vector<8x128xf32>
    %swap3A_331 = arith.constant 0 : index
    %swap3A_332 = arith.constant 0 : index
    %swap3A_333 = vector.load %arg12[%swap3A_331, %swap3A_332] : memref<8x128xf32, #tpu.memory_space<vmem>>, vector<8x128xf32>
    tpu.vector_store %arg12[%swap3A_331, %swap3A_332], %add3A_330 {strides = array<i32>} : memref<8x128xf32, #tpu.memory_space<vmem>>, vector<8x128xf32>,
    return
  }
  func.func @transform_0(%arg0: i32) -> (i32, i32) {
    %c0_i32 = arith.constant 0 : i32
    %c0_i32_0 = arith.constant 0 : i32
    %c0_i32_1 = arith.constant 0 : i32
    return %c0_i32, %c0_i32_0 : i32, i32
  }
  func.func @transform_1(%arg0: i32) -> (i32, i32) {
    %c0_i32 = arith.constant 0 : i32
    %c0_i32_0 = arith.constant 0 : i32
    %c0_i32_1 = arith.constant 0 : i32
    return %c0_i32, %c0_i32_0 : i32, i32
  }
  func.func @transform_2(%arg0: i32) -> (i32, i32) {
    %c0_i32 = arith.constant 0 : i32
    %c0_i32_0 = arith.constant 0 : i32
    %c0_i32_1 = arith.constant 0 : i32
    return %c0_i32, %c0_i32_0 : i32, i32
  }
  func.func @transform_3(%arg0: i32) -> (i32, i32) {
    %c0_i32 = arith.constant 0 : i32
    %c0_i32_0 = arith.constant 0 : i32
    %c0_i32_1 = arith.constant 0 : i32
    return %c0_i32, %c0_i32_0 : i32, i32
  }
  func.func @transform_4(%arg0: i32) -> (i32, i32) {
    %c0_i32 = arith.constant 0 : i32
    %c0_i32_0 = arith.constant 0 : i32
    %c0_i32_1 = arith.constant 0 : i32
    return %c0_i32, %c0_i32_0 : i32, i32
  }
  func.func @transform_5(%arg0: i32) -> (i32, i32) {
    %c0_i32 = arith.constant 0 : i32
    %c0_i32_0 = arith.constant 0 : i32
    %c0_i32_1 = arith.constant 0 : i32
    return %c0_i32, %c0_i32_0 : i32, i32
  }
  func.func @transform_6(%arg0: i32) -> (i32, i32) {
    %c0_i32 = arith.constant 0 : i32
    %c0_i32_0 = arith.constant 0 : i32
    %c0_i32_1 = arith.constant 0 : i32
    return %c0_i32, %c0_i32_0 : i32, i32
  }
  func.func @transform_7(%arg0: i32) -> (i32, i32) {
    %c0_i32 = arith.constant 0 : i32
    %c0_i32_0 = arith.constant 0 : i32
    %c0_i32_1 = arith.constant 0 : i32
    return %c0_i32, %c0_i32_0 : i32, i32
  }
  func.func @transform_8(%arg0: i32) -> (i32, i32) {
    %c0_i32 = arith.constant 0 : i32
    %c0_i32_0 = arith.constant 0 : i32
    %c0_i32_1 = arith.constant 0 : i32
    return %c0_i32, %c0_i32_0 : i32, i32
  }
  func.func @transform_9(%arg0: i32) -> (i32, i32) {
    %c0_i32 = arith.constant 0 : i32
    %c0_i32_0 = arith.constant 0 : i32
    %c0_i32_1 = arith.constant 0 : i32
    return %c0_i32, %c0_i32_0 : i32, i32
  }
  func.func @transform_10(%arg0: i32) -> (i32, i32) {
    %c0_i32 = arith.constant 0 : i32
    %c0_i32_0 = arith.constant 0 : i32
    %c0_i32_1 = arith.constant 0 : i32
    return %c0_i32, %c0_i32_0 : i32, i32
  }
  func.func @transform_11(%arg0: i32) -> (i32, i32) {
    %c0_i32 = arith.constant 0 : i32
    %c0_i32_0 = arith.constant 0 : i32
    %c0_i32_1 = arith.constant 0 : i32
    return %c0_i32, %c0_i32_0 : i32, i32
  }
}

module attributes {stable_mosaic.version = 14 : i64} {
  func.func @_main_body(%arg0: i32, %arg1: i32, %arg2: memref<2x4xf32, #tpu.memory_space<smem>>, %arg3: memref<1x9x1024xf32, #tpu.memory_space<vmem>>, %arg4: memref<128x2176xbf16, #tpu.memory_space<vmem>>, %arg5: memref<1x1x128xf32, #tpu.memory_space<vmem>>, %arg6: memref<1x1024x128xf32, #tpu.memory_space<vmem>>, %arg7: memref<2176x1024xbf16, #tpu.memory_space<vmem>>) attributes {dimension_semantics = [#tpu.dimension_semantics<parallel>, #tpu.dimension_semantics<parallel>], iteration_bounds = array<i64: 2, 25>, scalar_prefetch = 0 : i64, scratch_operands = 1 : i64, tpu.core_type = #tpu.core_type<tc>, window_params = [{transform_indices = @transform_0, window_bounds = array<i64: 2, 4>}, {transform_indices = @transform_1, window_bounds = array<i64: 1, 9, 1024>}, {pipeline_mode = #tpu.pipeline_mode<synchronous>, transform_indices = @transform_2, window_bounds = array<i64: 128, 2176>}, {transform_indices = @transform_3, window_bounds = array<i64: 1, 1, 128>}, {transform_indices = @transform_4, window_bounds = array<i64: 1, 1024, 128>}]} {
    %get3A = arith.constant 0 : index
    %get3A_0 = arith.constant 0 : index
    %get3A_1 = arith.constant 0 : index
    %get3A_2 = vector.load %arg3[%get3A, %get3A_0, %get3A_1] : memref<1x9x1024xf32, #tpu.memory_space<vmem>>, vector<1x1x1024xf32>
    %get3A_3 = vector.shape_cast %get3A_2 : vector<1x1x1024xf32> to vector<1x1024xf32>
    %get3A_4 = arith.constant 0 : index
    %get3A_5 = arith.constant 1 : index
    %get3A_6 = arith.constant 0 : index
    %get3A_7 = vector.load %arg3[%get3A_4, %get3A_5, %get3A_6] : memref<1x9x1024xf32, #tpu.memory_space<vmem>>, vector<1x1x1024xf32>
    %get3A_8 = vector.shape_cast %get3A_7 : vector<1x1x1024xf32> to vector<1x1024xf32>
    %get3A_9 = arith.constant 0 : index
    %get3A_10 = arith.constant 2 : index
    %get3A_11 = arith.constant 0 : index
    %get3A_12 = vector.load %arg3[%get3A_9, %get3A_10, %get3A_11] : memref<1x9x1024xf32, #tpu.memory_space<vmem>>, vector<1x1x1024xf32>
    %get3A_13 = vector.shape_cast %get3A_12 : vector<1x1x1024xf32> to vector<1x1024xf32>
    %get3A_14 = arith.constant 0 : index
    %get3A_15 = arith.constant 3 : index
    %get3A_16 = arith.constant 0 : index
    %get3A_17 = vector.load %arg3[%get3A_14, %get3A_15, %get3A_16] : memref<1x9x1024xf32, #tpu.memory_space<vmem>>, vector<1x1x1024xf32>
    %get3A_18 = vector.shape_cast %get3A_17 : vector<1x1x1024xf32> to vector<1x1024xf32>
    %get3A_19 = arith.constant 0 : index
    %get3A_20 = arith.constant 4 : index
    %get3A_21 = arith.constant 0 : index
    %get3A_22 = vector.load %arg3[%get3A_19, %get3A_20, %get3A_21] : memref<1x9x1024xf32, #tpu.memory_space<vmem>>, vector<1x1x1024xf32>
    %get3A_23 = vector.shape_cast %get3A_22 : vector<1x1x1024xf32> to vector<1x1024xf32>
    %get3A_24 = arith.constant 0 : index
    %get3A_25 = arith.constant 5 : index
    %get3A_26 = arith.constant 0 : index
    %get3A_27 = vector.load %arg3[%get3A_24, %get3A_25, %get3A_26] : memref<1x9x1024xf32, #tpu.memory_space<vmem>>, vector<1x1x1024xf32>
    %get3A_28 = vector.shape_cast %get3A_27 : vector<1x1x1024xf32> to vector<1x1024xf32>
    %get3A_29 = arith.constant 0 : index
    %get3A_30 = arith.constant 6 : index
    %get3A_31 = arith.constant 0 : index
    %get3A_32 = vector.load %arg3[%get3A_29, %get3A_30, %get3A_31] : memref<1x9x1024xf32, #tpu.memory_space<vmem>>, vector<1x1x1024xf32>
    %get3A_33 = vector.shape_cast %get3A_32 : vector<1x1x1024xf32> to vector<1x1024xf32>
    %get3A_34 = arith.constant 0 : index
    %get3A_35 = arith.constant 7 : index
    %get3A_36 = arith.constant 0 : index
    %get3A_37 = vector.load %arg3[%get3A_34, %get3A_35, %get3A_36] : memref<1x9x1024xf32, #tpu.memory_space<vmem>>, vector<1x1x1024xf32>
    %get3A_38 = vector.shape_cast %get3A_37 : vector<1x1x1024xf32> to vector<1x1024xf32>
    %get3A_39 = arith.constant 0 : index
    %get3A_40 = arith.constant 8 : index
    %get3A_41 = arith.constant 0 : index
    %get3A_42 = vector.load %arg3[%get3A_39, %get3A_40, %get3A_41] : memref<1x9x1024xf32, #tpu.memory_space<vmem>>, vector<1x1x1024xf32>
    %get3A_43 = vector.shape_cast %get3A_42 : vector<1x1x1024xf32> to vector<1x1024xf32>
    %sub3A = arith.subf %get3A_3, %get3A_33 : vector<1x1024xf32>
    %sub3A_44 = arith.subf %get3A_8, %get3A_38 : vector<1x1024xf32>
    %sub3A_45 = arith.subf %get3A_13, %get3A_43 : vector<1x1024xf32>
    %sub3A_46 = arith.subf %get3A_18, %get3A_3 : vector<1x1024xf32>
    %sub3A_47 = arith.subf %get3A_23, %get3A_8 : vector<1x1024xf32>
    %sub3A_48 = arith.subf %get3A_28, %get3A_13 : vector<1x1024xf32>
    %sub3A_49 = arith.subf %get3A_33, %get3A_18 : vector<1x1024xf32>
    %sub3A_50 = arith.subf %get3A_38, %get3A_23 : vector<1x1024xf32>
    %sub3A_51 = arith.subf %get3A_43, %get3A_28 : vector<1x1024xf32>
    %mul3A = arith.mulf %sub3A, %sub3A : vector<1x1024xf32>
    %mul3A_52 = arith.mulf %sub3A_44, %sub3A_44 : vector<1x1024xf32>
    %add3A = arith.addf %mul3A, %mul3A_52 : vector<1x1024xf32>
    %mul3A_53 = arith.mulf %sub3A_45, %sub3A_45 : vector<1x1024xf32>
    %add3A_54 = arith.addf %add3A, %mul3A_53 : vector<1x1024xf32>
    %sqrt3A = math.sqrt %add3A_54 : vector<1x1024xf32>
    %max3A = arith.constant 9.99999996E-13 : f32
    %max3A_55 = vector.broadcast %max3A : f32 to vector<1x1024xf32>
    %max3A_56 = arith.maximumf %sqrt3A, %max3A_55 : vector<1x1024xf32>
    %div3A = arith.divf %sub3A, %max3A_56 : vector<1x1024xf32>
    %div3A_57 = arith.divf %sub3A_44, %max3A_56 : vector<1x1024xf32>
    %div3A_58 = arith.divf %sub3A_45, %max3A_56 : vector<1x1024xf32>
    %mul3A_59 = arith.mulf %sub3A_46, %sub3A_46 : vector<1x1024xf32>
    %mul3A_60 = arith.mulf %sub3A_47, %sub3A_47 : vector<1x1024xf32>
    %add3A_61 = arith.addf %mul3A_59, %mul3A_60 : vector<1x1024xf32>
    %mul3A_62 = arith.mulf %sub3A_48, %sub3A_48 : vector<1x1024xf32>
    %add3A_63 = arith.addf %add3A_61, %mul3A_62 : vector<1x1024xf32>
    %sqrt3A_64 = math.sqrt %add3A_63 : vector<1x1024xf32>
    %max3A_65 = arith.constant 9.99999996E-13 : f32
    %max3A_66 = vector.broadcast %max3A_65 : f32 to vector<1x1024xf32>
    %max3A_67 = arith.maximumf %sqrt3A_64, %max3A_66 : vector<1x1024xf32>
    %div3A_68 = arith.divf %sub3A_46, %max3A_67 : vector<1x1024xf32>
    %div3A_69 = arith.divf %sub3A_47, %max3A_67 : vector<1x1024xf32>
    %div3A_70 = arith.divf %sub3A_48, %max3A_67 : vector<1x1024xf32>
    %mul3A_71 = arith.mulf %sub3A_49, %sub3A_49 : vector<1x1024xf32>
    %mul3A_72 = arith.mulf %sub3A_50, %sub3A_50 : vector<1x1024xf32>
    %add3A_73 = arith.addf %mul3A_71, %mul3A_72 : vector<1x1024xf32>
    %mul3A_74 = arith.mulf %sub3A_51, %sub3A_51 : vector<1x1024xf32>
    %add3A_75 = arith.addf %add3A_73, %mul3A_74 : vector<1x1024xf32>
    %sqrt3A_76 = math.sqrt %add3A_75 : vector<1x1024xf32>
    %max3A_77 = arith.constant 9.99999996E-13 : f32
    %max3A_78 = vector.broadcast %max3A_77 : f32 to vector<1x1024xf32>
    %max3A_79 = arith.maximumf %sqrt3A_76, %max3A_78 : vector<1x1024xf32>
    %div3A_80 = arith.divf %sub3A_49, %max3A_79 : vector<1x1024xf32>
    %div3A_81 = arith.divf %sub3A_50, %max3A_79 : vector<1x1024xf32>
    %div3A_82 = arith.divf %sub3A_51, %max3A_79 : vector<1x1024xf32>
    %sub3A_83 = arith.constant -1.000000e+00 : f32
    %sub3A_84 = vector.broadcast %sub3A_83 : f32 to vector<1x1024xf32>
    %sub3A_85 = arith.subf %get3A_3, %sub3A_84 : vector<1x1024xf32>
    %div3A_86 = arith.constant 2.000000e+00 : f32
    %div3A_87 = vector.broadcast %div3A_86 : f32 to vector<1x1024xf32>
    %div3A_88 = arith.divf %sub3A_85, %div3A_87 : vector<1x1024xf32>
    %mul3A_89 = arith.constant 1.280000e+02 : f32
    %mul3A_90 = vector.broadcast %mul3A_89 : f32 to vector<1x1024xf32>
    %mul3A_91 = arith.mulf %div3A_88, %mul3A_90 : vector<1x1024xf32>
    %sub3A_92 = arith.constant 5.000000e-01 : f32
    %sub3A_93 = vector.broadcast %sub3A_92 : f32 to vector<1x1024xf32>
    %sub3A_94 = arith.subf %mul3A_91, %sub3A_93 : vector<1x1024xf32>
    %round3A = math.roundeven %sub3A_94 : vector<1x1024xf32>
    %jit3A = arith.constant 0 : i32
    %jit3A_95 = arith.constant 127 : i32
    %convert_element_type3A = arith.sitofp %jit3A : i32 to f32
    %max3A_96 = vector.broadcast %convert_element_type3A : f32 to vector<1x1024xf32>
    %max3A_97 = arith.maximumf %max3A_96, %round3A : vector<1x1024xf32>
    %convert_element_type3A_98 = arith.sitofp %jit3A_95 : i32 to f32
    %min3A = vector.broadcast %convert_element_type3A_98 : f32 to vector<1x1024xf32>
    %min3A_99 = arith.minimumf %min3A, %max3A_97 : vector<1x1024xf32>
    %convert_element_type3A_100 = arith.fptosi %min3A_99 : vector<1x1024xf32> to vector<1x1024xi32>
    %sub3A_101 = arith.constant -1.000000e+00 : f32
    %sub3A_102 = vector.broadcast %sub3A_101 : f32 to vector<1x1024xf32>
    %sub3A_103 = arith.subf %get3A_8, %sub3A_102 : vector<1x1024xf32>
    %div3A_104 = arith.constant 2.000000e+00 : f32
    %div3A_105 = vector.broadcast %div3A_104 : f32 to vector<1x1024xf32>
    %div3A_106 = arith.divf %sub3A_103, %div3A_105 : vector<1x1024xf32>
    %mul3A_107 = arith.constant 1.280000e+02 : f32
    %mul3A_108 = vector.broadcast %mul3A_107 : f32 to vector<1x1024xf32>
    %mul3A_109 = arith.mulf %div3A_106, %mul3A_108 : vector<1x1024xf32>
    %sub3A_110 = arith.constant 5.000000e-01 : f32
    %sub3A_111 = vector.broadcast %sub3A_110 : f32 to vector<1x1024xf32>
    %sub3A_112 = arith.subf %mul3A_109, %sub3A_111 : vector<1x1024xf32>
    %round3A_113 = math.roundeven %sub3A_112 : vector<1x1024xf32>
    %jit3A_114 = arith.constant 0 : i32
    %jit3A_115 = arith.constant 127 : i32
    %convert_element_type3A_116 = arith.sitofp %jit3A_114 : i32 to f32
    %max3A_117 = vector.broadcast %convert_element_type3A_116 : f32 to vector<1x1024xf32>
    %max3A_118 = arith.maximumf %max3A_117, %round3A_113 : vector<1x1024xf32>
    %convert_element_type3A_119 = arith.sitofp %jit3A_115 : i32 to f32
    %min3A_120 = vector.broadcast %convert_element_type3A_119 : f32 to vector<1x1024xf32>
    %min3A_121 = arith.minimumf %min3A_120, %max3A_118 : vector<1x1024xf32>
    %convert_element_type3A_122 = arith.fptosi %min3A_121 : vector<1x1024xf32> to vector<1x1024xi32>
    %sub3A_123 = arith.constant -1.000000e+00 : f32
    %sub3A_124 = vector.broadcast %sub3A_123 : f32 to vector<1x1024xf32>
    %sub3A_125 = arith.subf %get3A_13, %sub3A_124 : vector<1x1024xf32>
    %div3A_126 = arith.constant 2.000000e+00 : f32
    %div3A_127 = vector.broadcast %div3A_126 : f32 to vector<1x1024xf32>
    %div3A_128 = arith.divf %sub3A_125, %div3A_127 : vector<1x1024xf32>
    %mul3A_129 = arith.constant 1.280000e+02 : f32
    %mul3A_130 = vector.broadcast %mul3A_129 : f32 to vector<1x1024xf32>
    %mul3A_131 = arith.mulf %div3A_128, %mul3A_130 : vector<1x1024xf32>
    %sub3A_132 = arith.constant 5.000000e-01 : f32
    %sub3A_133 = vector.broadcast %sub3A_132 : f32 to vector<1x1024xf32>
    %sub3A_134 = arith.subf %mul3A_131, %sub3A_133 : vector<1x1024xf32>
    %round3A_135 = math.roundeven %sub3A_134 : vector<1x1024xf32>
    %jit3A_136 = arith.constant 0 : i32
    %jit3A_137 = arith.constant 127 : i32
    %convert_element_type3A_138 = arith.sitofp %jit3A_136 : i32 to f32
    %max3A_139 = vector.broadcast %convert_element_type3A_138 : f32 to vector<1x1024xf32>
    %max3A_140 = arith.maximumf %max3A_139, %round3A_135 : vector<1x1024xf32>
    %convert_element_type3A_141 = arith.sitofp %jit3A_137 : i32 to f32
    %min3A_142 = vector.broadcast %convert_element_type3A_141 : f32 to vector<1x1024xf32>
    %min3A_143 = arith.minimumf %min3A_142, %max3A_140 : vector<1x1024xf32>
    %convert_element_type3A_144 = arith.fptosi %min3A_143 : vector<1x1024xf32> to vector<1x1024xi32>
    %sub3A_145 = arith.constant -1.000000e+00 : f32
    %sub3A_146 = vector.broadcast %sub3A_145 : f32 to vector<1x1024xf32>
    %sub3A_147 = arith.subf %get3A_18, %sub3A_146 : vector<1x1024xf32>
    %div3A_148 = arith.constant 2.000000e+00 : f32
    %div3A_149 = vector.broadcast %div3A_148 : f32 to vector<1x1024xf32>
    %div3A_150 = arith.divf %sub3A_147, %div3A_149 : vector<1x1024xf32>
    %mul3A_151 = arith.constant 1.280000e+02 : f32
    %mul3A_152 = vector.broadcast %mul3A_151 : f32 to vector<1x1024xf32>
    %mul3A_153 = arith.mulf %div3A_150, %mul3A_152 : vector<1x1024xf32>
    %sub3A_154 = arith.constant 5.000000e-01 : f32
    %sub3A_155 = vector.broadcast %sub3A_154 : f32 to vector<1x1024xf32>
    %sub3A_156 = arith.subf %mul3A_153, %sub3A_155 : vector<1x1024xf32>
    %round3A_157 = math.roundeven %sub3A_156 : vector<1x1024xf32>
    %jit3A_158 = arith.constant 0 : i32
    %jit3A_159 = arith.constant 127 : i32
    %convert_element_type3A_160 = arith.sitofp %jit3A_158 : i32 to f32
    %max3A_161 = vector.broadcast %convert_element_type3A_160 : f32 to vector<1x1024xf32>
    %max3A_162 = arith.maximumf %max3A_161, %round3A_157 : vector<1x1024xf32>
    %convert_element_type3A_163 = arith.sitofp %jit3A_159 : i32 to f32
    %min3A_164 = vector.broadcast %convert_element_type3A_163 : f32 to vector<1x1024xf32>
    %min3A_165 = arith.minimumf %min3A_164, %max3A_162 : vector<1x1024xf32>
    %convert_element_type3A_166 = arith.fptosi %min3A_165 : vector<1x1024xf32> to vector<1x1024xi32>
    %sub3A_167 = arith.constant -1.000000e+00 : f32
    %sub3A_168 = vector.broadcast %sub3A_167 : f32 to vector<1x1024xf32>
    %sub3A_169 = arith.subf %get3A_23, %sub3A_168 : vector<1x1024xf32>
    %div3A_170 = arith.constant 2.000000e+00 : f32
    %div3A_171 = vector.broadcast %div3A_170 : f32 to vector<1x1024xf32>
    %div3A_172 = arith.divf %sub3A_169, %div3A_171 : vector<1x1024xf32>
    %mul3A_173 = arith.constant 1.280000e+02 : f32
    %mul3A_174 = vector.broadcast %mul3A_173 : f32 to vector<1x1024xf32>
    %mul3A_175 = arith.mulf %div3A_172, %mul3A_174 : vector<1x1024xf32>
    %sub3A_176 = arith.constant 5.000000e-01 : f32
    %sub3A_177 = vector.broadcast %sub3A_176 : f32 to vector<1x1024xf32>
    %sub3A_178 = arith.subf %mul3A_175, %sub3A_177 : vector<1x1024xf32>
    %round3A_179 = math.roundeven %sub3A_178 : vector<1x1024xf32>
    %jit3A_180 = arith.constant 0 : i32
    %jit3A_181 = arith.constant 127 : i32
    %convert_element_type3A_182 = arith.sitofp %jit3A_180 : i32 to f32
    %max3A_183 = vector.broadcast %convert_element_type3A_182 : f32 to vector<1x1024xf32>
    %max3A_184 = arith.maximumf %max3A_183, %round3A_179 : vector<1x1024xf32>
    %convert_element_type3A_185 = arith.sitofp %jit3A_181 : i32 to f32
    %min3A_186 = vector.broadcast %convert_element_type3A_185 : f32 to vector<1x1024xf32>
    %min3A_187 = arith.minimumf %min3A_186, %max3A_184 : vector<1x1024xf32>
    %convert_element_type3A_188 = arith.fptosi %min3A_187 : vector<1x1024xf32> to vector<1x1024xi32>
    %sub3A_189 = arith.constant -1.000000e+00 : f32
    %sub3A_190 = vector.broadcast %sub3A_189 : f32 to vector<1x1024xf32>
    %sub3A_191 = arith.subf %get3A_28, %sub3A_190 : vector<1x1024xf32>
    %div3A_192 = arith.constant 2.000000e+00 : f32
    %div3A_193 = vector.broadcast %div3A_192 : f32 to vector<1x1024xf32>
    %div3A_194 = arith.divf %sub3A_191, %div3A_193 : vector<1x1024xf32>
    %mul3A_195 = arith.constant 1.280000e+02 : f32
    %mul3A_196 = vector.broadcast %mul3A_195 : f32 to vector<1x1024xf32>
    %mul3A_197 = arith.mulf %div3A_194, %mul3A_196 : vector<1x1024xf32>
    %sub3A_198 = arith.constant 5.000000e-01 : f32
    %sub3A_199 = vector.broadcast %sub3A_198 : f32 to vector<1x1024xf32>
    %sub3A_200 = arith.subf %mul3A_197, %sub3A_199 : vector<1x1024xf32>
    %round3A_201 = math.roundeven %sub3A_200 : vector<1x1024xf32>
    %jit3A_202 = arith.constant 0 : i32
    %jit3A_203 = arith.constant 127 : i32
    %convert_element_type3A_204 = arith.sitofp %jit3A_202 : i32 to f32
    %max3A_205 = vector.broadcast %convert_element_type3A_204 : f32 to vector<1x1024xf32>
    %max3A_206 = arith.maximumf %max3A_205, %round3A_201 : vector<1x1024xf32>
    %convert_element_type3A_207 = arith.sitofp %jit3A_203 : i32 to f32
    %min3A_208 = vector.broadcast %convert_element_type3A_207 : f32 to vector<1x1024xf32>
    %min3A_209 = arith.minimumf %min3A_208, %max3A_206 : vector<1x1024xf32>
    %convert_element_type3A_210 = arith.fptosi %min3A_209 : vector<1x1024xf32> to vector<1x1024xi32>
    %sub3A_211 = arith.constant -1.000000e+00 : f32
    %sub3A_212 = vector.broadcast %sub3A_211 : f32 to vector<1x1024xf32>
    %sub3A_213 = arith.subf %get3A_33, %sub3A_212 : vector<1x1024xf32>
    %div3A_214 = arith.constant 2.000000e+00 : f32
    %div3A_215 = vector.broadcast %div3A_214 : f32 to vector<1x1024xf32>
    %div3A_216 = arith.divf %sub3A_213, %div3A_215 : vector<1x1024xf32>
    %mul3A_217 = arith.constant 1.280000e+02 : f32
    %mul3A_218 = vector.broadcast %mul3A_217 : f32 to vector<1x1024xf32>
    %mul3A_219 = arith.mulf %div3A_216, %mul3A_218 : vector<1x1024xf32>
    %sub3A_220 = arith.constant 5.000000e-01 : f32
    %sub3A_221 = vector.broadcast %sub3A_220 : f32 to vector<1x1024xf32>
    %sub3A_222 = arith.subf %mul3A_219, %sub3A_221 : vector<1x1024xf32>
    %round3A_223 = math.roundeven %sub3A_222 : vector<1x1024xf32>
    %jit3A_224 = arith.constant 0 : i32
    %jit3A_225 = arith.constant 127 : i32
    %convert_element_type3A_226 = arith.sitofp %jit3A_224 : i32 to f32
    %max3A_227 = vector.broadcast %convert_element_type3A_226 : f32 to vector<1x1024xf32>
    %max3A_228 = arith.maximumf %max3A_227, %round3A_223 : vector<1x1024xf32>
    %convert_element_type3A_229 = arith.sitofp %jit3A_225 : i32 to f32
    %min3A_230 = vector.broadcast %convert_element_type3A_229 : f32 to vector<1x1024xf32>
    %min3A_231 = arith.minimumf %min3A_230, %max3A_228 : vector<1x1024xf32>
    %convert_element_type3A_232 = arith.fptosi %min3A_231 : vector<1x1024xf32> to vector<1x1024xi32>
    %sub3A_233 = arith.constant -1.000000e+00 : f32
    %sub3A_234 = vector.broadcast %sub3A_233 : f32 to vector<1x1024xf32>
    %sub3A_235 = arith.subf %get3A_38, %sub3A_234 : vector<1x1024xf32>
    %div3A_236 = arith.constant 2.000000e+00 : f32
    %div3A_237 = vector.broadcast %div3A_236 : f32 to vector<1x1024xf32>
    %div3A_238 = arith.divf %sub3A_235, %div3A_237 : vector<1x1024xf32>
    %mul3A_239 = arith.constant 1.280000e+02 : f32
    %mul3A_240 = vector.broadcast %mul3A_239 : f32 to vector<1x1024xf32>
    %mul3A_241 = arith.mulf %div3A_238, %mul3A_240 : vector<1x1024xf32>
    %sub3A_242 = arith.constant 5.000000e-01 : f32
    %sub3A_243 = vector.broadcast %sub3A_242 : f32 to vector<1x1024xf32>
    %sub3A_244 = arith.subf %mul3A_241, %sub3A_243 : vector<1x1024xf32>
    %round3A_245 = math.roundeven %sub3A_244 : vector<1x1024xf32>
    %jit3A_246 = arith.constant 0 : i32
    %jit3A_247 = arith.constant 127 : i32
    %convert_element_type3A_248 = arith.sitofp %jit3A_246 : i32 to f32
    %max3A_249 = vector.broadcast %convert_element_type3A_248 : f32 to vector<1x1024xf32>
    %max3A_250 = arith.maximumf %max3A_249, %round3A_245 : vector<1x1024xf32>
    %convert_element_type3A_251 = arith.sitofp %jit3A_247 : i32 to f32
    %min3A_252 = vector.broadcast %convert_element_type3A_251 : f32 to vector<1x1024xf32>
    %min3A_253 = arith.minimumf %min3A_252, %max3A_250 : vector<1x1024xf32>
    %convert_element_type3A_254 = arith.fptosi %min3A_253 : vector<1x1024xf32> to vector<1x1024xi32>
    %sub3A_255 = arith.constant -1.000000e+00 : f32
    %sub3A_256 = vector.broadcast %sub3A_255 : f32 to vector<1x1024xf32>
    %sub3A_257 = arith.subf %get3A_43, %sub3A_256 : vector<1x1024xf32>
    %div3A_258 = arith.constant 2.000000e+00 : f32
    %div3A_259 = vector.broadcast %div3A_258 : f32 to vector<1x1024xf32>
    %div3A_260 = arith.divf %sub3A_257, %div3A_259 : vector<1x1024xf32>
    %mul3A_261 = arith.constant 1.280000e+02 : f32
    %mul3A_262 = vector.broadcast %mul3A_261 : f32 to vector<1x1024xf32>
    %mul3A_263 = arith.mulf %div3A_260, %mul3A_262 : vector<1x1024xf32>
    %sub3A_264 = arith.constant 5.000000e-01 : f32
    %sub3A_265 = vector.broadcast %sub3A_264 : f32 to vector<1x1024xf32>
    %sub3A_266 = arith.subf %mul3A_263, %sub3A_265 : vector<1x1024xf32>
    %round3A_267 = math.roundeven %sub3A_266 : vector<1x1024xf32>
    %jit3A_268 = arith.constant 0 : i32
    %jit3A_269 = arith.constant 127 : i32
    %convert_element_type3A_270 = arith.sitofp %jit3A_268 : i32 to f32
    %max3A_271 = vector.broadcast %convert_element_type3A_270 : f32 to vector<1x1024xf32>
    %max3A_272 = arith.maximumf %max3A_271, %round3A_267 : vector<1x1024xf32>
    %convert_element_type3A_273 = arith.sitofp %jit3A_269 : i32 to f32
    %min3A_274 = vector.broadcast %convert_element_type3A_273 : f32 to vector<1x1024xf32>
    %min3A_275 = arith.minimumf %min3A_274, %max3A_272 : vector<1x1024xf32>
    %convert_element_type3A_276 = arith.fptosi %min3A_275 : vector<1x1024xf32> to vector<1x1024xi32>
    %mul3A_277 = arith.mulf %div3A, %div3A_58 : vector<1x1024xf32>
    %mul3A_278 = arith.mulf %div3A_68, %div3A_70 : vector<1x1024xf32>
    %add3A_279 = arith.addf %mul3A_277, %mul3A_278 : vector<1x1024xf32>
    %mul3A_280 = arith.mulf %div3A_80, %div3A_82 : vector<1x1024xf32>
    %add3A_281 = arith.addf %add3A_279, %mul3A_280 : vector<1x1024xf32>
    %neg3A = arith.constant 0.000000e+00 : f32
    %neg3A_282 = vector.broadcast %neg3A : f32 to vector<1x1024xf32>
    %neg3A_283 = arith.subf %neg3A_282, %add3A_281 : vector<1x1024xf32>
    %jit3A_284 = arith.constant -0.999989986 : f32
    %jit3A_285 = arith.constant 0.999989986 : f32
    %max3A_286 = vector.broadcast %jit3A_284 : f32 to vector<1x1024xf32>
    %max3A_287 = arith.maximumf %max3A_286, %neg3A_283 : vector<1x1024xf32>
    %min3A_288 = vector.broadcast %jit3A_285 : f32 to vector<1x1024xf32>
    %min3A_289 = arith.minimumf %min3A_288, %max3A_287 : vector<1x1024xf32>
    %abs3A = math.absf %min3A_289 : vector<1x1024xf32>
    %mul3A_290 = arith.constant -0.0012624911 : f32
    %mul3A_291 = vector.broadcast %mul3A_290 : f32 to vector<1x1024xf32>
    %mul3A_292 = arith.mulf %mul3A_291, %abs3A : vector<1x1024xf32>
    %add3A_293 = arith.constant 6.670090e-03 : f32
    %add3A_294 = vector.broadcast %add3A_293 : f32 to vector<1x1024xf32>
    %add3A_295 = arith.addf %mul3A_292, %add3A_294 : vector<1x1024xf32>
    %mul3A_296 = arith.mulf %add3A_295, %abs3A : vector<1x1024xf32>
    %add3A_297 = arith.constant -0.0170881264 : f32
    %add3A_298 = vector.broadcast %add3A_297 : f32 to vector<1x1024xf32>
    %add3A_299 = arith.addf %mul3A_296, %add3A_298 : vector<1x1024xf32>
    %mul3A_300 = arith.mulf %add3A_299, %abs3A : vector<1x1024xf32>
    %add3A_301 = arith.constant 0.0308918804 : f32
    %add3A_302 = vector.broadcast %add3A_301 : f32 to vector<1x1024xf32>
    %add3A_303 = arith.addf %mul3A_300, %add3A_302 : vector<1x1024xf32>
    %mul3A_304 = arith.mulf %add3A_303, %abs3A : vector<1x1024xf32>
    %add3A_305 = arith.constant -0.0501743034 : f32
    %add3A_306 = vector.broadcast %add3A_305 : f32 to vector<1x1024xf32>
    %add3A_307 = arith.addf %mul3A_304, %add3A_306 : vector<1x1024xf32>
    %mul3A_308 = arith.mulf %add3A_307, %abs3A : vector<1x1024xf32>
    %add3A_309 = arith.constant 0.0889789909 : f32
    %add3A_310 = vector.broadcast %add3A_309 : f32 to vector<1x1024xf32>
    %add3A_311 = arith.addf %mul3A_308, %add3A_310 : vector<1x1024xf32>
    %mul3A_312 = arith.mulf %add3A_311, %abs3A : vector<1x1024xf32>
    %add3A_313 = arith.constant -0.214598805 : f32
    %add3A_314 = vector.broadcast %add3A_313 : f32 to vector<1x1024xf32>
    %add3A_315 = arith.addf %mul3A_312, %add3A_314 : vector<1x1024xf32>
    %mul3A_316 = arith.mulf %add3A_315, %abs3A : vector<1x1024xf32>
    %add3A_317 = arith.constant 1.57079625 : f32
    %add3A_318 = vector.broadcast %add3A_317 : f32 to vector<1x1024xf32>
    %add3A_319 = arith.addf %mul3A_316, %add3A_318 : vector<1x1024xf32>
    %sub3A_320 = arith.constant 1.000000e+00 : f32
    %sub3A_321 = vector.broadcast %sub3A_320 : f32 to vector<1x1024xf32>
    %sub3A_322 = arith.subf %sub3A_321, %abs3A : vector<1x1024xf32>
    %max3A_323 = arith.constant 0.000000e+00 : f32
    %max3A_324 = vector.broadcast %max3A_323 : f32 to vector<1x1024xf32>
    %max3A_325 = arith.maximumf %sub3A_322, %max3A_324 : vector<1x1024xf32>
    %sqrt3A_326 = math.sqrt %max3A_325 : vector<1x1024xf32>
    %mul3A_327 = arith.mulf %sqrt3A_326, %add3A_319 : vector<1x1024xf32>
    %lt3A = arith.constant 0.000000e+00 : f32
    %lt3A_328 = vector.broadcast %lt3A : f32 to vector<1x1024xf32>
    %lt3A_329 = arith.cmpf olt, %min3A_289, %lt3A_328 : vector<1x1024xf32>
    %sub3A_330 = arith.constant 3.14159274 : f32
    %sub3A_331 = vector.broadcast %sub3A_330 : f32 to vector<1x1024xf32>
    %sub3A_332 = arith.subf %sub3A_331, %mul3A_327 : vector<1x1024xf32>
    %select_n3A = arith.select %lt3A_329, %sub3A_332, %mul3A_327 : vector<1x1024xi1>, vector<1x1024xf32>
    %sub3A_333 = arith.constant 0.000000e+00 : f32
    %sub3A_334 = vector.broadcast %sub3A_333 : f32 to vector<1x1024xf32>
    %sub3A_335 = arith.subf %select_n3A, %sub3A_334 : vector<1x1024xf32>
    %div3A_336 = arith.constant 3.14159274 : f32
    %div3A_337 = vector.broadcast %div3A_336 : f32 to vector<1x1024xf32>
    %div3A_338 = arith.divf %sub3A_335, %div3A_337 : vector<1x1024xf32>
    %mul3A_339 = arith.constant 1.280000e+02 : f32
    %mul3A_340 = vector.broadcast %mul3A_339 : f32 to vector<1x1024xf32>
    %mul3A_341 = arith.mulf %div3A_338, %mul3A_340 : vector<1x1024xf32>
    %sub3A_342 = arith.constant 5.000000e-01 : f32
    %sub3A_343 = vector.broadcast %sub3A_342 : f32 to vector<1x1024xf32>
    %sub3A_344 = arith.subf %mul3A_341, %sub3A_343 : vector<1x1024xf32>
    %round3A_345 = math.roundeven %sub3A_344 : vector<1x1024xf32>
    %jit3A_346 = arith.constant 0 : i32
    %jit3A_347 = arith.constant 127 : i32
    %convert_element_type3A_348 = arith.sitofp %jit3A_346 : i32 to f32
    %max3A_349 = vector.broadcast %convert_element_type3A_348 : f32 to vector<1x1024xf32>
    %max3A_350 = arith.maximumf %max3A_349, %round3A_345 : vector<1x1024xf32>
    %convert_element_type3A_351 = arith.sitofp %jit3A_347 : i32 to f32
    %min3A_352 = vector.broadcast %convert_element_type3A_351 : f32 to vector<1x1024xf32>
    %min3A_353 = arith.minimumf %min3A_352, %max3A_350 : vector<1x1024xf32>
    %convert_element_type3A_354 = arith.fptosi %min3A_353 : vector<1x1024xf32> to vector<1x1024xi32>
    %mul3A_355 = arith.mulf %div3A_57, %div3A : vector<1x1024xf32>
    %mul3A_356 = arith.mulf %div3A_69, %div3A_68 : vector<1x1024xf32>
    %add3A_357 = arith.addf %mul3A_355, %mul3A_356 : vector<1x1024xf32>
    %mul3A_358 = arith.mulf %div3A_81, %div3A_80 : vector<1x1024xf32>
    %add3A_359 = arith.addf %add3A_357, %mul3A_358 : vector<1x1024xf32>
    %neg3A_360 = arith.constant 0.000000e+00 : f32
    %neg3A_361 = vector.broadcast %neg3A_360 : f32 to vector<1x1024xf32>
    %neg3A_362 = arith.subf %neg3A_361, %add3A_359 : vector<1x1024xf32>
    %jit3A_363 = arith.constant -0.999989986 : f32
    %jit3A_364 = arith.constant 0.999989986 : f32
    %max3A_365 = vector.broadcast %jit3A_363 : f32 to vector<1x1024xf32>
    %max3A_366 = arith.maximumf %max3A_365, %neg3A_362 : vector<1x1024xf32>
    %min3A_367 = vector.broadcast %jit3A_364 : f32 to vector<1x1024xf32>
    %min3A_368 = arith.minimumf %min3A_367, %max3A_366 : vector<1x1024xf32>
    %abs3A_369 = math.absf %min3A_368 : vector<1x1024xf32>
    %mul3A_370 = arith.constant -0.0012624911 : f32
    %mul3A_371 = vector.broadcast %mul3A_370 : f32 to vector<1x1024xf32>
    %mul3A_372 = arith.mulf %mul3A_371, %abs3A_369 : vector<1x1024xf32>
    %add3A_373 = arith.constant 6.670090e-03 : f32
    %add3A_374 = vector.broadcast %add3A_373 : f32 to vector<1x1024xf32>
    %add3A_375 = arith.addf %mul3A_372, %add3A_374 : vector<1x1024xf32>
    %mul3A_376 = arith.mulf %add3A_375, %abs3A_369 : vector<1x1024xf32>
    %add3A_377 = arith.constant -0.0170881264 : f32
    %add3A_378 = vector.broadcast %add3A_377 : f32 to vector<1x1024xf32>
    %add3A_379 = arith.addf %mul3A_376, %add3A_378 : vector<1x1024xf32>
    %mul3A_380 = arith.mulf %add3A_379, %abs3A_369 : vector<1x1024xf32>
    %add3A_381 = arith.constant 0.0308918804 : f32
    %add3A_382 = vector.broadcast %add3A_381 : f32 to vector<1x1024xf32>
    %add3A_383 = arith.addf %mul3A_380, %add3A_382 : vector<1x1024xf32>
    %mul3A_384 = arith.mulf %add3A_383, %abs3A_369 : vector<1x1024xf32>
    %add3A_385 = arith.constant -0.0501743034 : f32
    %add3A_386 = vector.broadcast %add3A_385 : f32 to vector<1x1024xf32>
    %add3A_387 = arith.addf %mul3A_384, %add3A_386 : vector<1x1024xf32>
    %mul3A_388 = arith.mulf %add3A_387, %abs3A_369 : vector<1x1024xf32>
    %add3A_389 = arith.constant 0.0889789909 : f32
    %add3A_390 = vector.broadcast %add3A_389 : f32 to vector<1x1024xf32>
    %add3A_391 = arith.addf %mul3A_388, %add3A_390 : vector<1x1024xf32>
    %mul3A_392 = arith.mulf %add3A_391, %abs3A_369 : vector<1x1024xf32>
    %add3A_393 = arith.constant -0.214598805 : f32
    %add3A_394 = vector.broadcast %add3A_393 : f32 to vector<1x1024xf32>
    %add3A_395 = arith.addf %mul3A_392, %add3A_394 : vector<1x1024xf32>
    %mul3A_396 = arith.mulf %add3A_395, %abs3A_369 : vector<1x1024xf32>
    %add3A_397 = arith.constant 1.57079625 : f32
    %add3A_398 = vector.broadcast %add3A_397 : f32 to vector<1x1024xf32>
    %add3A_399 = arith.addf %mul3A_396, %add3A_398 : vector<1x1024xf32>
    %sub3A_400 = arith.constant 1.000000e+00 : f32
    %sub3A_401 = vector.broadcast %sub3A_400 : f32 to vector<1x1024xf32>
    %sub3A_402 = arith.subf %sub3A_401, %abs3A_369 : vector<1x1024xf32>
    %max3A_403 = arith.constant 0.000000e+00 : f32
    %max3A_404 = vector.broadcast %max3A_403 : f32 to vector<1x1024xf32>
    %max3A_405 = arith.maximumf %sub3A_402, %max3A_404 : vector<1x1024xf32>
    %sqrt3A_406 = math.sqrt %max3A_405 : vector<1x1024xf32>
    %mul3A_407 = arith.mulf %sqrt3A_406, %add3A_399 : vector<1x1024xf32>
    %lt3A_408 = arith.constant 0.000000e+00 : f32
    %lt3A_409 = vector.broadcast %lt3A_408 : f32 to vector<1x1024xf32>
    %lt3A_410 = arith.cmpf olt, %min3A_368, %lt3A_409 : vector<1x1024xf32>
    %sub3A_411 = arith.constant 3.14159274 : f32
    %sub3A_412 = vector.broadcast %sub3A_411 : f32 to vector<1x1024xf32>
    %sub3A_413 = arith.subf %sub3A_412, %mul3A_407 : vector<1x1024xf32>
    %select_n3A_414 = arith.select %lt3A_410, %sub3A_413, %mul3A_407 : vector<1x1024xi1>, vector<1x1024xf32>
    %sub3A_415 = arith.constant 0.000000e+00 : f32
    %sub3A_416 = vector.broadcast %sub3A_415 : f32 to vector<1x1024xf32>
    %sub3A_417 = arith.subf %select_n3A_414, %sub3A_416 : vector<1x1024xf32>
    %div3A_418 = arith.constant 3.14159274 : f32
    %div3A_419 = vector.broadcast %div3A_418 : f32 to vector<1x1024xf32>
    %div3A_420 = arith.divf %sub3A_417, %div3A_419 : vector<1x1024xf32>
    %mul3A_421 = arith.constant 1.280000e+02 : f32
    %mul3A_422 = vector.broadcast %mul3A_421 : f32 to vector<1x1024xf32>
    %mul3A_423 = arith.mulf %div3A_420, %mul3A_422 : vector<1x1024xf32>
    %sub3A_424 = arith.constant 5.000000e-01 : f32
    %sub3A_425 = vector.broadcast %sub3A_424 : f32 to vector<1x1024xf32>
    %sub3A_426 = arith.subf %mul3A_423, %sub3A_425 : vector<1x1024xf32>
    %round3A_427 = math.roundeven %sub3A_426 : vector<1x1024xf32>
    %jit3A_428 = arith.constant 0 : i32
    %jit3A_429 = arith.constant 127 : i32
    %convert_element_type3A_430 = arith.sitofp %jit3A_428 : i32 to f32
    %max3A_431 = vector.broadcast %convert_element_type3A_430 : f32 to vector<1x1024xf32>
    %max3A_432 = arith.maximumf %max3A_431, %round3A_427 : vector<1x1024xf32>
    %convert_element_type3A_433 = arith.sitofp %jit3A_429 : i32 to f32
    %min3A_434 = vector.broadcast %convert_element_type3A_433 : f32 to vector<1x1024xf32>
    %min3A_435 = arith.minimumf %min3A_434, %max3A_432 : vector<1x1024xf32>
    %convert_element_type3A_436 = arith.fptosi %min3A_435 : vector<1x1024xf32> to vector<1x1024xi32>
    %mul3A_437 = arith.mulf %div3A_58, %div3A_57 : vector<1x1024xf32>
    %mul3A_438 = arith.mulf %div3A_70, %div3A_69 : vector<1x1024xf32>
    %add3A_439 = arith.addf %mul3A_437, %mul3A_438 : vector<1x1024xf32>
    %mul3A_440 = arith.mulf %div3A_82, %div3A_81 : vector<1x1024xf32>
    %add3A_441 = arith.addf %add3A_439, %mul3A_440 : vector<1x1024xf32>
    %neg3A_442 = arith.constant 0.000000e+00 : f32
    %neg3A_443 = vector.broadcast %neg3A_442 : f32 to vector<1x1024xf32>
    %neg3A_444 = arith.subf %neg3A_443, %add3A_441 : vector<1x1024xf32>
    %jit3A_445 = arith.constant -0.999989986 : f32
    %jit3A_446 = arith.constant 0.999989986 : f32
    %max3A_447 = vector.broadcast %jit3A_445 : f32 to vector<1x1024xf32>
    %max3A_448 = arith.maximumf %max3A_447, %neg3A_444 : vector<1x1024xf32>
    %min3A_449 = vector.broadcast %jit3A_446 : f32 to vector<1x1024xf32>
    %min3A_450 = arith.minimumf %min3A_449, %max3A_448 : vector<1x1024xf32>
    %abs3A_451 = math.absf %min3A_450 : vector<1x1024xf32>
    %mul3A_452 = arith.constant -0.0012624911 : f32
    %mul3A_453 = vector.broadcast %mul3A_452 : f32 to vector<1x1024xf32>
    %mul3A_454 = arith.mulf %mul3A_453, %abs3A_451 : vector<1x1024xf32>
    %add3A_455 = arith.constant 6.670090e-03 : f32
    %add3A_456 = vector.broadcast %add3A_455 : f32 to vector<1x1024xf32>
    %add3A_457 = arith.addf %mul3A_454, %add3A_456 : vector<1x1024xf32>
    %mul3A_458 = arith.mulf %add3A_457, %abs3A_451 : vector<1x1024xf32>
    %add3A_459 = arith.constant -0.0170881264 : f32
    %add3A_460 = vector.broadcast %add3A_459 : f32 to vector<1x1024xf32>
    %add3A_461 = arith.addf %mul3A_458, %add3A_460 : vector<1x1024xf32>
    %mul3A_462 = arith.mulf %add3A_461, %abs3A_451 : vector<1x1024xf32>
    %add3A_463 = arith.constant 0.0308918804 : f32
    %add3A_464 = vector.broadcast %add3A_463 : f32 to vector<1x1024xf32>
    %add3A_465 = arith.addf %mul3A_462, %add3A_464 : vector<1x1024xf32>
    %mul3A_466 = arith.mulf %add3A_465, %abs3A_451 : vector<1x1024xf32>
    %add3A_467 = arith.constant -0.0501743034 : f32
    %add3A_468 = vector.broadcast %add3A_467 : f32 to vector<1x1024xf32>
    %add3A_469 = arith.addf %mul3A_466, %add3A_468 : vector<1x1024xf32>
    %mul3A_470 = arith.mulf %add3A_469, %abs3A_451 : vector<1x1024xf32>
    %add3A_471 = arith.constant 0.0889789909 : f32
    %add3A_472 = vector.broadcast %add3A_471 : f32 to vector<1x1024xf32>
    %add3A_473 = arith.addf %mul3A_470, %add3A_472 : vector<1x1024xf32>
    %mul3A_474 = arith.mulf %add3A_473, %abs3A_451 : vector<1x1024xf32>
    %add3A_475 = arith.constant -0.214598805 : f32
    %add3A_476 = vector.broadcast %add3A_475 : f32 to vector<1x1024xf32>
    %add3A_477 = arith.addf %mul3A_474, %add3A_476 : vector<1x1024xf32>
    %mul3A_478 = arith.mulf %add3A_477, %abs3A_451 : vector<1x1024xf32>
    %add3A_479 = arith.constant 1.57079625 : f32
    %add3A_480 = vector.broadcast %add3A_479 : f32 to vector<1x1024xf32>
    %add3A_481 = arith.addf %mul3A_478, %add3A_480 : vector<1x1024xf32>
    %sub3A_482 = arith.constant 1.000000e+00 : f32
    %sub3A_483 = vector.broadcast %sub3A_482 : f32 to vector<1x1024xf32>
    %sub3A_484 = arith.subf %sub3A_483, %abs3A_451 : vector<1x1024xf32>
    %max3A_485 = arith.constant 0.000000e+00 : f32
    %max3A_486 = vector.broadcast %max3A_485 : f32 to vector<1x1024xf32>
    %max3A_487 = arith.maximumf %sub3A_484, %max3A_486 : vector<1x1024xf32>
    %sqrt3A_488 = math.sqrt %max3A_487 : vector<1x1024xf32>
    %mul3A_489 = arith.mulf %sqrt3A_488, %add3A_481 : vector<1x1024xf32>
    %lt3A_490 = arith.constant 0.000000e+00 : f32
    %lt3A_491 = vector.broadcast %lt3A_490 : f32 to vector<1x1024xf32>
    %lt3A_492 = arith.cmpf olt, %min3A_450, %lt3A_491 : vector<1x1024xf32>
    %sub3A_493 = arith.constant 3.14159274 : f32
    %sub3A_494 = vector.broadcast %sub3A_493 : f32 to vector<1x1024xf32>
    %sub3A_495 = arith.subf %sub3A_494, %mul3A_489 : vector<1x1024xf32>
    %select_n3A_496 = arith.select %lt3A_492, %sub3A_495, %mul3A_489 : vector<1x1024xi1>, vector<1x1024xf32>
    %sub3A_497 = arith.constant 0.000000e+00 : f32
    %sub3A_498 = vector.broadcast %sub3A_497 : f32 to vector<1x1024xf32>
    %sub3A_499 = arith.subf %select_n3A_496, %sub3A_498 : vector<1x1024xf32>
    %div3A_500 = arith.constant 3.14159274 : f32
    %div3A_501 = vector.broadcast %div3A_500 : f32 to vector<1x1024xf32>
    %div3A_502 = arith.divf %sub3A_499, %div3A_501 : vector<1x1024xf32>
    %mul3A_503 = arith.constant 1.280000e+02 : f32
    %mul3A_504 = vector.broadcast %mul3A_503 : f32 to vector<1x1024xf32>
    %mul3A_505 = arith.mulf %div3A_502, %mul3A_504 : vector<1x1024xf32>
    %sub3A_506 = arith.constant 5.000000e-01 : f32
    %sub3A_507 = vector.broadcast %sub3A_506 : f32 to vector<1x1024xf32>
    %sub3A_508 = arith.subf %mul3A_505, %sub3A_507 : vector<1x1024xf32>
    %round3A_509 = math.roundeven %sub3A_508 : vector<1x1024xf32>
    %jit3A_510 = arith.constant 0 : i32
    %jit3A_511 = arith.constant 127 : i32
    %convert_element_type3A_512 = arith.sitofp %jit3A_510 : i32 to f32
    %max3A_513 = vector.broadcast %convert_element_type3A_512 : f32 to vector<1x1024xf32>
    %max3A_514 = arith.maximumf %max3A_513, %round3A_509 : vector<1x1024xf32>
    %convert_element_type3A_515 = arith.sitofp %jit3A_511 : i32 to f32
    %min3A_516 = vector.broadcast %convert_element_type3A_515 : f32 to vector<1x1024xf32>
    %min3A_517 = arith.minimumf %min3A_516, %max3A_514 : vector<1x1024xf32>
    %convert_element_type3A_518 = arith.fptosi %min3A_517 : vector<1x1024xf32> to vector<1x1024xi32>
    %mul3A_519 = arith.mulf %sub3A_44, %sub3A_48 : vector<1x1024xf32>
    %mul3A_520 = arith.mulf %sub3A_45, %sub3A_47 : vector<1x1024xf32>
    %sub3A_521 = arith.subf %mul3A_519, %mul3A_520 : vector<1x1024xf32>
    %mul3A_522 = arith.mulf %sub3A_45, %sub3A_46 : vector<1x1024xf32>
    %mul3A_523 = arith.mulf %sub3A, %sub3A_48 : vector<1x1024xf32>
    %sub3A_524 = arith.subf %mul3A_522, %mul3A_523 : vector<1x1024xf32>
    %mul3A_525 = arith.mulf %sub3A, %sub3A_47 : vector<1x1024xf32>
    %mul3A_526 = arith.mulf %sub3A_44, %sub3A_46 : vector<1x1024xf32>
    %sub3A_527 = arith.subf %mul3A_525, %mul3A_526 : vector<1x1024xf32>
    %mul3A_528 = arith.mulf %sub3A_521, %sub3A_521 : vector<1x1024xf32>
    %mul3A_529 = arith.mulf %sub3A_524, %sub3A_524 : vector<1x1024xf32>
    %add3A_530 = arith.addf %mul3A_528, %mul3A_529 : vector<1x1024xf32>
    %mul3A_531 = arith.mulf %sub3A_527, %sub3A_527 : vector<1x1024xf32>
    %add3A_532 = arith.addf %add3A_530, %mul3A_531 : vector<1x1024xf32>
    %sqrt3A_533 = math.sqrt %add3A_532 : vector<1x1024xf32>
    %max3A_534 = arith.constant 9.99999996E-13 : f32
    %max3A_535 = vector.broadcast %max3A_534 : f32 to vector<1x1024xf32>
    %max3A_536 = arith.maximumf %sqrt3A_533, %max3A_535 : vector<1x1024xf32>
    %div3A_537 = arith.divf %sub3A_521, %max3A_536 : vector<1x1024xf32>
    %div3A_538 = arith.divf %sub3A_524, %max3A_536 : vector<1x1024xf32>
    %div3A_539 = arith.divf %sub3A_527, %max3A_536 : vector<1x1024xf32>
    %mul3A_540 = arith.constant 5.000000e-01 : f32
    %mul3A_541 = vector.broadcast %mul3A_540 : f32 to vector<1x1024xf32>
    %mul3A_542 = arith.mulf %sqrt3A_533, %mul3A_541 : vector<1x1024xf32>
    %sub3A_543 = arith.constant 0.000000e+00 : f32
    %sub3A_544 = vector.broadcast %sub3A_543 : f32 to vector<1x1024xf32>
    %sub3A_545 = arith.subf %mul3A_542, %sub3A_544 : vector<1x1024xf32>
    %div3A_546 = arith.constant 4.000000e+00 : f32
    %div3A_547 = vector.broadcast %div3A_546 : f32 to vector<1x1024xf32>
    %div3A_548 = arith.divf %sub3A_545, %div3A_547 : vector<1x1024xf32>
    %mul3A_549 = arith.constant 1.280000e+02 : f32
    %mul3A_550 = vector.broadcast %mul3A_549 : f32 to vector<1x1024xf32>
    %mul3A_551 = arith.mulf %div3A_548, %mul3A_550 : vector<1x1024xf32>
    %sub3A_552 = arith.constant 5.000000e-01 : f32
    %sub3A_553 = vector.broadcast %sub3A_552 : f32 to vector<1x1024xf32>
    %sub3A_554 = arith.subf %mul3A_551, %sub3A_553 : vector<1x1024xf32>
    %round3A_555 = math.roundeven %sub3A_554 : vector<1x1024xf32>
    %jit3A_556 = arith.constant 0 : i32
    %jit3A_557 = arith.constant 127 : i32
    %convert_element_type3A_558 = arith.sitofp %jit3A_556 : i32 to f32
    %max3A_559 = vector.broadcast %convert_element_type3A_558 : f32 to vector<1x1024xf32>
    %max3A_560 = arith.maximumf %max3A_559, %round3A_555 : vector<1x1024xf32>
    %convert_element_type3A_561 = arith.sitofp %jit3A_557 : i32 to f32
    %min3A_562 = vector.broadcast %convert_element_type3A_561 : f32 to vector<1x1024xf32>
    %min3A_563 = arith.minimumf %min3A_562, %max3A_560 : vector<1x1024xf32>
    %convert_element_type3A_564 = arith.fptosi %min3A_563 : vector<1x1024xf32> to vector<1x1024xi32>
    %sub3A_565 = arith.constant -1.000000e+00 : f32
    %sub3A_566 = vector.broadcast %sub3A_565 : f32 to vector<1x1024xf32>
    %sub3A_567 = arith.subf %div3A_537, %sub3A_566 : vector<1x1024xf32>
    %div3A_568 = arith.constant 2.000000e+00 : f32
    %div3A_569 = vector.broadcast %div3A_568 : f32 to vector<1x1024xf32>
    %div3A_570 = arith.divf %sub3A_567, %div3A_569 : vector<1x1024xf32>
    %mul3A_571 = arith.constant 1.280000e+02 : f32
    %mul3A_572 = vector.broadcast %mul3A_571 : f32 to vector<1x1024xf32>
    %mul3A_573 = arith.mulf %div3A_570, %mul3A_572 : vector<1x1024xf32>
    %sub3A_574 = arith.constant 5.000000e-01 : f32
    %sub3A_575 = vector.broadcast %sub3A_574 : f32 to vector<1x1024xf32>
    %sub3A_576 = arith.subf %mul3A_573, %sub3A_575 : vector<1x1024xf32>
    %round3A_577 = math.roundeven %sub3A_576 : vector<1x1024xf32>
    %jit3A_578 = arith.constant 0 : i32
    %jit3A_579 = arith.constant 127 : i32
    %convert_element_type3A_580 = arith.sitofp %jit3A_578 : i32 to f32
    %max3A_581 = vector.broadcast %convert_element_type3A_580 : f32 to vector<1x1024xf32>
    %max3A_582 = arith.maximumf %max3A_581, %round3A_577 : vector<1x1024xf32>
    %convert_element_type3A_583 = arith.sitofp %jit3A_579 : i32 to f32
    %min3A_584 = vector.broadcast %convert_element_type3A_583 : f32 to vector<1x1024xf32>
    %min3A_585 = arith.minimumf %min3A_584, %max3A_582 : vector<1x1024xf32>
    %convert_element_type3A_586 = arith.fptosi %min3A_585 : vector<1x1024xf32> to vector<1x1024xi32>
    %sub3A_587 = arith.constant -1.000000e+00 : f32
    %sub3A_588 = vector.broadcast %sub3A_587 : f32 to vector<1x1024xf32>
    %sub3A_589 = arith.subf %div3A_538, %sub3A_588 : vector<1x1024xf32>
    %div3A_590 = arith.constant 2.000000e+00 : f32
    %div3A_591 = vector.broadcast %div3A_590 : f32 to vector<1x1024xf32>
    %div3A_592 = arith.divf %sub3A_589, %div3A_591 : vector<1x1024xf32>
    %mul3A_593 = arith.constant 1.280000e+02 : f32
    %mul3A_594 = vector.broadcast %mul3A_593 : f32 to vector<1x1024xf32>
    %mul3A_595 = arith.mulf %div3A_592, %mul3A_594 : vector<1x1024xf32>
    %sub3A_596 = arith.constant 5.000000e-01 : f32
    %sub3A_597 = vector.broadcast %sub3A_596 : f32 to vector<1x1024xf32>
    %sub3A_598 = arith.subf %mul3A_595, %sub3A_597 : vector<1x1024xf32>
    %round3A_599 = math.roundeven %sub3A_598 : vector<1x1024xf32>
    %jit3A_600 = arith.constant 0 : i32
    %jit3A_601 = arith.constant 127 : i32
    %convert_element_type3A_602 = arith.sitofp %jit3A_600 : i32 to f32
    %max3A_603 = vector.broadcast %convert_element_type3A_602 : f32 to vector<1x1024xf32>
    %max3A_604 = arith.maximumf %max3A_603, %round3A_599 : vector<1x1024xf32>
    %convert_element_type3A_605 = arith.sitofp %jit3A_601 : i32 to f32
    %min3A_606 = vector.broadcast %convert_element_type3A_605 : f32 to vector<1x1024xf32>
    %min3A_607 = arith.minimumf %min3A_606, %max3A_604 : vector<1x1024xf32>
    %convert_element_type3A_608 = arith.fptosi %min3A_607 : vector<1x1024xf32> to vector<1x1024xi32>
    %sub3A_609 = arith.constant -1.000000e+00 : f32
    %sub3A_610 = vector.broadcast %sub3A_609 : f32 to vector<1x1024xf32>
    %sub3A_611 = arith.subf %div3A_539, %sub3A_610 : vector<1x1024xf32>
    %div3A_612 = arith.constant 2.000000e+00 : f32
    %div3A_613 = vector.broadcast %div3A_612 : f32 to vector<1x1024xf32>
    %div3A_614 = arith.divf %sub3A_611, %div3A_613 : vector<1x1024xf32>
    %mul3A_615 = arith.constant 1.280000e+02 : f32
    %mul3A_616 = vector.broadcast %mul3A_615 : f32 to vector<1x1024xf32>
    %mul3A_617 = arith.mulf %div3A_614, %mul3A_616 : vector<1x1024xf32>
    %sub3A_618 = arith.constant 5.000000e-01 : f32
    %sub3A_619 = vector.broadcast %sub3A_618 : f32 to vector<1x1024xf32>
    %sub3A_620 = arith.subf %mul3A_617, %sub3A_619 : vector<1x1024xf32>
    %round3A_621 = math.roundeven %sub3A_620 : vector<1x1024xf32>
    %jit3A_622 = arith.constant 0 : i32
    %jit3A_623 = arith.constant 127 : i32
    %convert_element_type3A_624 = arith.sitofp %jit3A_622 : i32 to f32
    %max3A_625 = vector.broadcast %convert_element_type3A_624 : f32 to vector<1x1024xf32>
    %max3A_626 = arith.maximumf %max3A_625, %round3A_621 : vector<1x1024xf32>
    %convert_element_type3A_627 = arith.sitofp %jit3A_623 : i32 to f32
    %min3A_628 = vector.broadcast %convert_element_type3A_627 : f32 to vector<1x1024xf32>
    %min3A_629 = arith.minimumf %min3A_628, %max3A_626 : vector<1x1024xf32>
    %convert_element_type3A_630 = arith.fptosi %min3A_629 : vector<1x1024xf32> to vector<1x1024xi32>
    %mul3A_631 = arith.mulf %div3A_537, %div3A_537 : vector<1x1024xf32>
    %mul3A_632 = arith.mulf %div3A_538, %div3A_538 : vector<1x1024xf32>
    %add3A_633 = arith.addf %mul3A_631, %mul3A_632 : vector<1x1024xf32>
    %mul3A_634 = arith.mulf %div3A_539, %div3A_539 : vector<1x1024xf32>
    %add3A_635 = arith.addf %add3A_633, %mul3A_634 : vector<1x1024xf32>
    %sqrt3A_636 = math.sqrt %add3A_635 : vector<1x1024xf32>
    %max3A_637 = arith.constant 9.99999996E-13 : f32
    %max3A_638 = vector.broadcast %max3A_637 : f32 to vector<1x1024xf32>
    %max3A_639 = arith.maximumf %sqrt3A_636, %max3A_638 : vector<1x1024xf32>
    %get3A_640 = arith.index_cast %arg0 : i32 to index
    %get3A_641 = arith.constant 0 : index
    %get3A_642 = memref.load %arg2[%get3A_640, %get3A_641] : memref<2x4xf32, #tpu.memory_space<smem>>
    %get3A_643 = arith.index_cast %arg0 : i32 to index
    %get3A_644 = arith.constant 1 : index
    %get3A_645 = memref.load %arg2[%get3A_643, %get3A_644] : memref<2x4xf32, #tpu.memory_space<smem>>
    %get3A_646 = arith.index_cast %arg0 : i32 to index
    %get3A_647 = arith.constant 2 : index
    %get3A_648 = memref.load %arg2[%get3A_646, %get3A_647] : memref<2x4xf32, #tpu.memory_space<smem>>
    %div3A_649 = arith.divf %div3A_537, %max3A_639 : vector<1x1024xf32>
    %mul3A_650 = vector.broadcast %get3A_642 : f32 to vector<1x1024xf32>
    %mul3A_651 = arith.mulf %div3A_649, %mul3A_650 : vector<1x1024xf32>
    %div3A_652 = arith.divf %div3A_538, %max3A_639 : vector<1x1024xf32>
    %mul3A_653 = vector.broadcast %get3A_645 : f32 to vector<1x1024xf32>
    %mul3A_654 = arith.mulf %div3A_652, %mul3A_653 : vector<1x1024xf32>
    %add3A_655 = arith.addf %mul3A_651, %mul3A_654 : vector<1x1024xf32>
    %div3A_656 = arith.divf %div3A_539, %max3A_639 : vector<1x1024xf32>
    %mul3A_657 = vector.broadcast %get3A_648 : f32 to vector<1x1024xf32>
    %mul3A_658 = arith.mulf %div3A_656, %mul3A_657 : vector<1x1024xf32>
    %add3A_659 = arith.addf %add3A_655, %mul3A_658 : vector<1x1024xf32>
    %neg3A_660 = arith.constant 0.000000e+00 : f32
    %neg3A_661 = vector.broadcast %neg3A_660 : f32 to vector<1x1024xf32>
    %neg3A_662 = arith.subf %neg3A_661, %add3A_659 : vector<1x1024xf32>
    %jit3A_663 = arith.constant -0.999989986 : f32
    %jit3A_664 = arith.constant 0.999989986 : f32
    %max3A_665 = vector.broadcast %jit3A_663 : f32 to vector<1x1024xf32>
    %max3A_666 = arith.maximumf %max3A_665, %neg3A_662 : vector<1x1024xf32>
    %min3A_667 = vector.broadcast %jit3A_664 : f32 to vector<1x1024xf32>
    %min3A_668 = arith.minimumf %min3A_667, %max3A_666 : vector<1x1024xf32>
    %abs3A_669 = math.absf %min3A_668 : vector<1x1024xf32>
    %mul3A_670 = arith.constant -0.0012624911 : f32
    %mul3A_671 = vector.broadcast %mul3A_670 : f32 to vector<1x1024xf32>
    %mul3A_672 = arith.mulf %mul3A_671, %abs3A_669 : vector<1x1024xf32>
    %add3A_673 = arith.constant 6.670090e-03 : f32
    %add3A_674 = vector.broadcast %add3A_673 : f32 to vector<1x1024xf32>
    %add3A_675 = arith.addf %mul3A_672, %add3A_674 : vector<1x1024xf32>
    %mul3A_676 = arith.mulf %add3A_675, %abs3A_669 : vector<1x1024xf32>
    %add3A_677 = arith.constant -0.0170881264 : f32
    %add3A_678 = vector.broadcast %add3A_677 : f32 to vector<1x1024xf32>
    %add3A_679 = arith.addf %mul3A_676, %add3A_678 : vector<1x1024xf32>
    %mul3A_680 = arith.mulf %add3A_679, %abs3A_669 : vector<1x1024xf32>
    %add3A_681 = arith.constant 0.0308918804 : f32
    %add3A_682 = vector.broadcast %add3A_681 : f32 to vector<1x1024xf32>
    %add3A_683 = arith.addf %mul3A_680, %add3A_682 : vector<1x1024xf32>
    %mul3A_684 = arith.mulf %add3A_683, %abs3A_669 : vector<1x1024xf32>
    %add3A_685 = arith.constant -0.0501743034 : f32
    %add3A_686 = vector.broadcast %add3A_685 : f32 to vector<1x1024xf32>
    %add3A_687 = arith.addf %mul3A_684, %add3A_686 : vector<1x1024xf32>
    %mul3A_688 = arith.mulf %add3A_687, %abs3A_669 : vector<1x1024xf32>
    %add3A_689 = arith.constant 0.0889789909 : f32
    %add3A_690 = vector.broadcast %add3A_689 : f32 to vector<1x1024xf32>
    %add3A_691 = arith.addf %mul3A_688, %add3A_690 : vector<1x1024xf32>
    %mul3A_692 = arith.mulf %add3A_691, %abs3A_669 : vector<1x1024xf32>
    %add3A_693 = arith.constant -0.214598805 : f32
    %add3A_694 = vector.broadcast %add3A_693 : f32 to vector<1x1024xf32>
    %add3A_695 = arith.addf %mul3A_692, %add3A_694 : vector<1x1024xf32>
    %mul3A_696 = arith.mulf %add3A_695, %abs3A_669 : vector<1x1024xf32>
    %add3A_697 = arith.constant 1.57079625 : f32
    %add3A_698 = vector.broadcast %add3A_697 : f32 to vector<1x1024xf32>
    %add3A_699 = arith.addf %mul3A_696, %add3A_698 : vector<1x1024xf32>
    %sub3A_700 = arith.constant 1.000000e+00 : f32
    %sub3A_701 = vector.broadcast %sub3A_700 : f32 to vector<1x1024xf32>
    %sub3A_702 = arith.subf %sub3A_701, %abs3A_669 : vector<1x1024xf32>
    %max3A_703 = arith.constant 0.000000e+00 : f32
    %max3A_704 = vector.broadcast %max3A_703 : f32 to vector<1x1024xf32>
    %max3A_705 = arith.maximumf %sub3A_702, %max3A_704 : vector<1x1024xf32>
    %sqrt3A_706 = math.sqrt %max3A_705 : vector<1x1024xf32>
    %mul3A_707 = arith.mulf %sqrt3A_706, %add3A_699 : vector<1x1024xf32>
    %lt3A_708 = arith.constant 0.000000e+00 : f32
    %lt3A_709 = vector.broadcast %lt3A_708 : f32 to vector<1x1024xf32>
    %lt3A_710 = arith.cmpf olt, %min3A_668, %lt3A_709 : vector<1x1024xf32>
    %sub3A_711 = arith.constant 3.14159274 : f32
    %sub3A_712 = vector.broadcast %sub3A_711 : f32 to vector<1x1024xf32>
    %sub3A_713 = arith.subf %sub3A_712, %mul3A_707 : vector<1x1024xf32>
    %select_n3A_714 = arith.select %lt3A_710, %sub3A_713, %mul3A_707 : vector<1x1024xi1>, vector<1x1024xf32>
    %sub3A_715 = arith.constant 0.000000e+00 : f32
    %sub3A_716 = vector.broadcast %sub3A_715 : f32 to vector<1x1024xf32>
    %sub3A_717 = arith.subf %select_n3A_714, %sub3A_716 : vector<1x1024xf32>
    %div3A_718 = arith.constant 3.14159274 : f32
    %div3A_719 = vector.broadcast %div3A_718 : f32 to vector<1x1024xf32>
    %div3A_720 = arith.divf %sub3A_717, %div3A_719 : vector<1x1024xf32>
    %mul3A_721 = arith.constant 1.280000e+02 : f32
    %mul3A_722 = vector.broadcast %mul3A_721 : f32 to vector<1x1024xf32>
    %mul3A_723 = arith.mulf %div3A_720, %mul3A_722 : vector<1x1024xf32>
    %sub3A_724 = arith.constant 5.000000e-01 : f32
    %sub3A_725 = vector.broadcast %sub3A_724 : f32 to vector<1x1024xf32>
    %sub3A_726 = arith.subf %mul3A_723, %sub3A_725 : vector<1x1024xf32>
    %round3A_727 = math.roundeven %sub3A_726 : vector<1x1024xf32>
    %jit3A_728 = arith.constant 0 : i32
    %jit3A_729 = arith.constant 127 : i32
    %convert_element_type3A_730 = arith.sitofp %jit3A_728 : i32 to f32
    %max3A_731 = vector.broadcast %convert_element_type3A_730 : f32 to vector<1x1024xf32>
    %max3A_732 = arith.maximumf %max3A_731, %round3A_727 : vector<1x1024xf32>
    %convert_element_type3A_733 = arith.sitofp %jit3A_729 : i32 to f32
    %min3A_734 = vector.broadcast %convert_element_type3A_733 : f32 to vector<1x1024xf32>
    %min3A_735 = arith.minimumf %min3A_734, %max3A_732 : vector<1x1024xf32>
    %convert_element_type3A_736 = arith.fptosi %min3A_735 : vector<1x1024xf32> to vector<1x1024xi32>
    %iota3A = tpu.iota {dimensions = array<i32: 0>} : vector<128x1024xi32>
    %eq3A = vector.broadcast %convert_element_type3A_100 : vector<1x1024xi32> to vector<128x1024xi32>
    %eq3A_737 = arith.cmpi eq, %iota3A, %eq3A : vector<128x1024xi32>
    %convert_element_type3A_738 = arith.extui %eq3A_737 : vector<128x1024xi1> to vector<128x1024xi32>
    %convert_element_type3A_739 = arith.sitofp %convert_element_type3A_738 : vector<128x1024xi32> to vector<128x1024xf32>
    %convert_element_type3A_740 = arith.truncf %convert_element_type3A_739 : vector<128x1024xf32> to vector<128x1024xbf16>
    %swap3A = arith.constant 0 : index
    %swap3A_741 = arith.constant 0 : index
    %swap3A_742 = vector.load %arg7[%swap3A, %swap3A_741] : memref<2176x1024xbf16, #tpu.memory_space<vmem>>, vector<128x1024xbf16>
    tpu.vector_store %arg7[%swap3A, %swap3A_741], %convert_element_type3A_740 {strides = array<i32>} : memref<2176x1024xbf16, #tpu.memory_space<vmem>>, vector<128x1024xbf16>,
    %eq3A_743 = vector.broadcast %convert_element_type3A_122 : vector<1x1024xi32> to vector<128x1024xi32>
    %eq3A_744 = arith.cmpi eq, %iota3A, %eq3A_743 : vector<128x1024xi32>
    %convert_element_type3A_745 = arith.extui %eq3A_744 : vector<128x1024xi1> to vector<128x1024xi32>
    %convert_element_type3A_746 = arith.sitofp %convert_element_type3A_745 : vector<128x1024xi32> to vector<128x1024xf32>
    %convert_element_type3A_747 = arith.truncf %convert_element_type3A_746 : vector<128x1024xf32> to vector<128x1024xbf16>
    %swap3A_748 = arith.constant 128 : index
    %swap3A_749 = arith.constant 0 : index
    %swap3A_750 = vector.load %arg7[%swap3A_748, %swap3A_749] : memref<2176x1024xbf16, #tpu.memory_space<vmem>>, vector<128x1024xbf16>
    tpu.vector_store %arg7[%swap3A_748, %swap3A_749], %convert_element_type3A_747 {strides = array<i32>} : memref<2176x1024xbf16, #tpu.memory_space<vmem>>, vector<128x1024xbf16>,
    %eq3A_751 = vector.broadcast %convert_element_type3A_144 : vector<1x1024xi32> to vector<128x1024xi32>
    %eq3A_752 = arith.cmpi eq, %iota3A, %eq3A_751 : vector<128x1024xi32>
    %convert_element_type3A_753 = arith.extui %eq3A_752 : vector<128x1024xi1> to vector<128x1024xi32>
    %convert_element_type3A_754 = arith.sitofp %convert_element_type3A_753 : vector<128x1024xi32> to vector<128x1024xf32>
    %convert_element_type3A_755 = arith.truncf %convert_element_type3A_754 : vector<128x1024xf32> to vector<128x1024xbf16>
    %swap3A_756 = arith.constant 256 : index
    %swap3A_757 = arith.constant 0 : index
    %swap3A_758 = vector.load %arg7[%swap3A_756, %swap3A_757] : memref<2176x1024xbf16, #tpu.memory_space<vmem>>, vector<128x1024xbf16>
    tpu.vector_store %arg7[%swap3A_756, %swap3A_757], %convert_element_type3A_755 {strides = array<i32>} : memref<2176x1024xbf16, #tpu.memory_space<vmem>>, vector<128x1024xbf16>,
    %eq3A_759 = vector.broadcast %convert_element_type3A_166 : vector<1x1024xi32> to vector<128x1024xi32>
    %eq3A_760 = arith.cmpi eq, %iota3A, %eq3A_759 : vector<128x1024xi32>
    %convert_element_type3A_761 = arith.extui %eq3A_760 : vector<128x1024xi1> to vector<128x1024xi32>
    %convert_element_type3A_762 = arith.sitofp %convert_element_type3A_761 : vector<128x1024xi32> to vector<128x1024xf32>
    %convert_element_type3A_763 = arith.truncf %convert_element_type3A_762 : vector<128x1024xf32> to vector<128x1024xbf16>
    %swap3A_764 = arith.constant 384 : index
    %swap3A_765 = arith.constant 0 : index
    %swap3A_766 = vector.load %arg7[%swap3A_764, %swap3A_765] : memref<2176x1024xbf16, #tpu.memory_space<vmem>>, vector<128x1024xbf16>
    tpu.vector_store %arg7[%swap3A_764, %swap3A_765], %convert_element_type3A_763 {strides = array<i32>} : memref<2176x1024xbf16, #tpu.memory_space<vmem>>, vector<128x1024xbf16>,
    %eq3A_767 = vector.broadcast %convert_element_type3A_188 : vector<1x1024xi32> to vector<128x1024xi32>
    %eq3A_768 = arith.cmpi eq, %iota3A, %eq3A_767 : vector<128x1024xi32>
    %convert_element_type3A_769 = arith.extui %eq3A_768 : vector<128x1024xi1> to vector<128x1024xi32>
    %convert_element_type3A_770 = arith.sitofp %convert_element_type3A_769 : vector<128x1024xi32> to vector<128x1024xf32>
    %convert_element_type3A_771 = arith.truncf %convert_element_type3A_770 : vector<128x1024xf32> to vector<128x1024xbf16>
    %swap3A_772 = arith.constant 512 : index
    %swap3A_773 = arith.constant 0 : index
    %swap3A_774 = vector.load %arg7[%swap3A_772, %swap3A_773] : memref<2176x1024xbf16, #tpu.memory_space<vmem>>, vector<128x1024xbf16>
    tpu.vector_store %arg7[%swap3A_772, %swap3A_773], %convert_element_type3A_771 {strides = array<i32>} : memref<2176x1024xbf16, #tpu.memory_space<vmem>>, vector<128x1024xbf16>,
    %eq3A_775 = vector.broadcast %convert_element_type3A_210 : vector<1x1024xi32> to vector<128x1024xi32>
    %eq3A_776 = arith.cmpi eq, %iota3A, %eq3A_775 : vector<128x1024xi32>
    %convert_element_type3A_777 = arith.extui %eq3A_776 : vector<128x1024xi1> to vector<128x1024xi32>
    %convert_element_type3A_778 = arith.sitofp %convert_element_type3A_777 : vector<128x1024xi32> to vector<128x1024xf32>
    %convert_element_type3A_779 = arith.truncf %convert_element_type3A_778 : vector<128x1024xf32> to vector<128x1024xbf16>
    %swap3A_780 = arith.constant 640 : index
    %swap3A_781 = arith.constant 0 : index
    %swap3A_782 = vector.load %arg7[%swap3A_780, %swap3A_781] : memref<2176x1024xbf16, #tpu.memory_space<vmem>>, vector<128x1024xbf16>
    tpu.vector_store %arg7[%swap3A_780, %swap3A_781], %convert_element_type3A_779 {strides = array<i32>} : memref<2176x1024xbf16, #tpu.memory_space<vmem>>, vector<128x1024xbf16>,
    %eq3A_783 = vector.broadcast %convert_element_type3A_232 : vector<1x1024xi32> to vector<128x1024xi32>
    %eq3A_784 = arith.cmpi eq, %iota3A, %eq3A_783 : vector<128x1024xi32>
    %convert_element_type3A_785 = arith.extui %eq3A_784 : vector<128x1024xi1> to vector<128x1024xi32>
    %convert_element_type3A_786 = arith.sitofp %convert_element_type3A_785 : vector<128x1024xi32> to vector<128x1024xf32>
    %convert_element_type3A_787 = arith.truncf %convert_element_type3A_786 : vector<128x1024xf32> to vector<128x1024xbf16>
    %swap3A_788 = arith.constant 768 : index
    %swap3A_789 = arith.constant 0 : index
    %swap3A_790 = vector.load %arg7[%swap3A_788, %swap3A_789] : memref<2176x1024xbf16, #tpu.memory_space<vmem>>, vector<128x1024xbf16>
    tpu.vector_store %arg7[%swap3A_788, %swap3A_789], %convert_element_type3A_787 {strides = array<i32>} : memref<2176x1024xbf16, #tpu.memory_space<vmem>>, vector<128x1024xbf16>,
    %eq3A_791 = vector.broadcast %convert_element_type3A_254 : vector<1x1024xi32> to vector<128x1024xi32>
    %eq3A_792 = arith.cmpi eq, %iota3A, %eq3A_791 : vector<128x1024xi32>
    %convert_element_type3A_793 = arith.extui %eq3A_792 : vector<128x1024xi1> to vector<128x1024xi32>
    %convert_element_type3A_794 = arith.sitofp %convert_element_type3A_793 : vector<128x1024xi32> to vector<128x1024xf32>
    %convert_element_type3A_795 = arith.truncf %convert_element_type3A_794 : vector<128x1024xf32> to vector<128x1024xbf16>
    %swap3A_796 = arith.constant 896 : index
    %swap3A_797 = arith.constant 0 : index
    %swap3A_798 = vector.load %arg7[%swap3A_796, %swap3A_797] : memref<2176x1024xbf16, #tpu.memory_space<vmem>>, vector<128x1024xbf16>
    tpu.vector_store %arg7[%swap3A_796, %swap3A_797], %convert_element_type3A_795 {strides = array<i32>} : memref<2176x1024xbf16, #tpu.memory_space<vmem>>, vector<128x1024xbf16>,
    %eq3A_799 = vector.broadcast %convert_element_type3A_276 : vector<1x1024xi32> to vector<128x1024xi32>
    %eq3A_800 = arith.cmpi eq, %iota3A, %eq3A_799 : vector<128x1024xi32>
    %convert_element_type3A_801 = arith.extui %eq3A_800 : vector<128x1024xi1> to vector<128x1024xi32>
    %convert_element_type3A_802 = arith.sitofp %convert_element_type3A_801 : vector<128x1024xi32> to vector<128x1024xf32>
    %convert_element_type3A_803 = arith.truncf %convert_element_type3A_802 : vector<128x1024xf32> to vector<128x1024xbf16>
    %swap3A_804 = arith.constant 1024 : index
    %swap3A_805 = arith.constant 0 : index
    %swap3A_806 = vector.load %arg7[%swap3A_804, %swap3A_805] : memref<2176x1024xbf16, #tpu.memory_space<vmem>>, vector<128x1024xbf16>
    tpu.vector_store %arg7[%swap3A_804, %swap3A_805], %convert_element_type3A_803 {strides = array<i32>} : memref<2176x1024xbf16, #tpu.memory_space<vmem>>, vector<128x1024xbf16>,
    %eq3A_807 = vector.broadcast %convert_element_type3A_354 : vector<1x1024xi32> to vector<128x1024xi32>
    %eq3A_808 = arith.cmpi eq, %iota3A, %eq3A_807 : vector<128x1024xi32>
    %convert_element_type3A_809 = arith.extui %eq3A_808 : vector<128x1024xi1> to vector<128x1024xi32>
    %convert_element_type3A_810 = arith.sitofp %convert_element_type3A_809 : vector<128x1024xi32> to vector<128x1024xf32>
    %convert_element_type3A_811 = arith.truncf %convert_element_type3A_810 : vector<128x1024xf32> to vector<128x1024xbf16>
    %swap3A_812 = arith.constant 1152 : index
    %swap3A_813 = arith.constant 0 : index
    %swap3A_814 = vector.load %arg7[%swap3A_812, %swap3A_813] : memref<2176x1024xbf16, #tpu.memory_space<vmem>>, vector<128x1024xbf16>
    tpu.vector_store %arg7[%swap3A_812, %swap3A_813], %convert_element_type3A_811 {strides = array<i32>} : memref<2176x1024xbf16, #tpu.memory_space<vmem>>, vector<128x1024xbf16>,
    %eq3A_815 = vector.broadcast %convert_element_type3A_436 : vector<1x1024xi32> to vector<128x1024xi32>
    %eq3A_816 = arith.cmpi eq, %iota3A, %eq3A_815 : vector<128x1024xi32>
    %convert_element_type3A_817 = arith.extui %eq3A_816 : vector<128x1024xi1> to vector<128x1024xi32>
    %convert_element_type3A_818 = arith.sitofp %convert_element_type3A_817 : vector<128x1024xi32> to vector<128x1024xf32>
    %convert_element_type3A_819 = arith.truncf %convert_element_type3A_818 : vector<128x1024xf32> to vector<128x1024xbf16>
    %swap3A_820 = arith.constant 1280 : index
    %swap3A_821 = arith.constant 0 : index
    %swap3A_822 = vector.load %arg7[%swap3A_820, %swap3A_821] : memref<2176x1024xbf16, #tpu.memory_space<vmem>>, vector<128x1024xbf16>
    tpu.vector_store %arg7[%swap3A_820, %swap3A_821], %convert_element_type3A_819 {strides = array<i32>} : memref<2176x1024xbf16, #tpu.memory_space<vmem>>, vector<128x1024xbf16>,
    %eq3A_823 = vector.broadcast %convert_element_type3A_518 : vector<1x1024xi32> to vector<128x1024xi32>
    %eq3A_824 = arith.cmpi eq, %iota3A, %eq3A_823 : vector<128x1024xi32>
    %convert_element_type3A_825 = arith.extui %eq3A_824 : vector<128x1024xi1> to vector<128x1024xi32>
    %convert_element_type3A_826 = arith.sitofp %convert_element_type3A_825 : vector<128x1024xi32> to vector<128x1024xf32>
    %convert_element_type3A_827 = arith.truncf %convert_element_type3A_826 : vector<128x1024xf32> to vector<128x1024xbf16>
    %swap3A_828 = arith.constant 1408 : index
    %swap3A_829 = arith.constant 0 : index
    %swap3A_830 = vector.load %arg7[%swap3A_828, %swap3A_829] : memref<2176x1024xbf16, #tpu.memory_space<vmem>>, vector<128x1024xbf16>
    tpu.vector_store %arg7[%swap3A_828, %swap3A_829], %convert_element_type3A_827 {strides = array<i32>} : memref<2176x1024xbf16, #tpu.memory_space<vmem>>, vector<128x1024xbf16>,
    %eq3A_831 = vector.broadcast %convert_element_type3A_564 : vector<1x1024xi32> to vector<128x1024xi32>
    %eq3A_832 = arith.cmpi eq, %iota3A, %eq3A_831 : vector<128x1024xi32>
    %convert_element_type3A_833 = arith.extui %eq3A_832 : vector<128x1024xi1> to vector<128x1024xi32>
    %convert_element_type3A_834 = arith.sitofp %convert_element_type3A_833 : vector<128x1024xi32> to vector<128x1024xf32>
    %convert_element_type3A_835 = arith.truncf %convert_element_type3A_834 : vector<128x1024xf32> to vector<128x1024xbf16>
    %swap3A_836 = arith.constant 1536 : index
    %swap3A_837 = arith.constant 0 : index
    %swap3A_838 = vector.load %arg7[%swap3A_836, %swap3A_837] : memref<2176x1024xbf16, #tpu.memory_space<vmem>>, vector<128x1024xbf16>
    tpu.vector_store %arg7[%swap3A_836, %swap3A_837], %convert_element_type3A_835 {strides = array<i32>} : memref<2176x1024xbf16, #tpu.memory_space<vmem>>, vector<128x1024xbf16>,
    %eq3A_839 = vector.broadcast %convert_element_type3A_586 : vector<1x1024xi32> to vector<128x1024xi32>
    %eq3A_840 = arith.cmpi eq, %iota3A, %eq3A_839 : vector<128x1024xi32>
    %convert_element_type3A_841 = arith.extui %eq3A_840 : vector<128x1024xi1> to vector<128x1024xi32>
    %convert_element_type3A_842 = arith.sitofp %convert_element_type3A_841 : vector<128x1024xi32> to vector<128x1024xf32>
    %convert_element_type3A_843 = arith.truncf %convert_element_type3A_842 : vector<128x1024xf32> to vector<128x1024xbf16>
    %swap3A_844 = arith.constant 1664 : index
    %swap3A_845 = arith.constant 0 : index
    %swap3A_846 = vector.load %arg7[%swap3A_844, %swap3A_845] : memref<2176x1024xbf16, #tpu.memory_space<vmem>>, vector<128x1024xbf16>
    tpu.vector_store %arg7[%swap3A_844, %swap3A_845], %convert_element_type3A_843 {strides = array<i32>} : memref<2176x1024xbf16, #tpu.memory_space<vmem>>, vector<128x1024xbf16>,
    %eq3A_847 = vector.broadcast %convert_element_type3A_608 : vector<1x1024xi32> to vector<128x1024xi32>
    %eq3A_848 = arith.cmpi eq, %iota3A, %eq3A_847 : vector<128x1024xi32>
    %convert_element_type3A_849 = arith.extui %eq3A_848 : vector<128x1024xi1> to vector<128x1024xi32>
    %convert_element_type3A_850 = arith.sitofp %convert_element_type3A_849 : vector<128x1024xi32> to vector<128x1024xf32>
    %convert_element_type3A_851 = arith.truncf %convert_element_type3A_850 : vector<128x1024xf32> to vector<128x1024xbf16>
    %swap3A_852 = arith.constant 1792 : index
    %swap3A_853 = arith.constant 0 : index
    %swap3A_854 = vector.load %arg7[%swap3A_852, %swap3A_853] : memref<2176x1024xbf16, #tpu.memory_space<vmem>>, vector<128x1024xbf16>
    tpu.vector_store %arg7[%swap3A_852, %swap3A_853], %convert_element_type3A_851 {strides = array<i32>} : memref<2176x1024xbf16, #tpu.memory_space<vmem>>, vector<128x1024xbf16>,
    %eq3A_855 = vector.broadcast %convert_element_type3A_630 : vector<1x1024xi32> to vector<128x1024xi32>
    %eq3A_856 = arith.cmpi eq, %iota3A, %eq3A_855 : vector<128x1024xi32>
    %convert_element_type3A_857 = arith.extui %eq3A_856 : vector<128x1024xi1> to vector<128x1024xi32>
    %convert_element_type3A_858 = arith.sitofp %convert_element_type3A_857 : vector<128x1024xi32> to vector<128x1024xf32>
    %convert_element_type3A_859 = arith.truncf %convert_element_type3A_858 : vector<128x1024xf32> to vector<128x1024xbf16>
    %swap3A_860 = arith.constant 1920 : index
    %swap3A_861 = arith.constant 0 : index
    %swap3A_862 = vector.load %arg7[%swap3A_860, %swap3A_861] : memref<2176x1024xbf16, #tpu.memory_space<vmem>>, vector<128x1024xbf16>
    tpu.vector_store %arg7[%swap3A_860, %swap3A_861], %convert_element_type3A_859 {strides = array<i32>} : memref<2176x1024xbf16, #tpu.memory_space<vmem>>, vector<128x1024xbf16>,
    %eq3A_863 = vector.broadcast %convert_element_type3A_736 : vector<1x1024xi32> to vector<128x1024xi32>
    %eq3A_864 = arith.cmpi eq, %iota3A, %eq3A_863 : vector<128x1024xi32>
    %convert_element_type3A_865 = arith.extui %eq3A_864 : vector<128x1024xi1> to vector<128x1024xi32>
    %convert_element_type3A_866 = arith.sitofp %convert_element_type3A_865 : vector<128x1024xi32> to vector<128x1024xf32>
    %convert_element_type3A_867 = arith.truncf %convert_element_type3A_866 : vector<128x1024xf32> to vector<128x1024xbf16>
    %swap3A_868 = arith.constant 2048 : index
    %swap3A_869 = arith.constant 0 : index
    %swap3A_870 = vector.load %arg7[%swap3A_868, %swap3A_869] : memref<2176x1024xbf16, #tpu.memory_space<vmem>>, vector<128x1024xbf16>
    tpu.vector_store %arg7[%swap3A_868, %swap3A_869], %convert_element_type3A_867 {strides = array<i32>} : memref<2176x1024xbf16, #tpu.memory_space<vmem>>, vector<128x1024xbf16>,
    %get3A_871 = arith.constant 0 : index
    %get3A_872 = arith.constant 0 : index
    %get3A_873 = vector.load %arg7[%get3A_871, %get3A_872] : memref<2176x1024xbf16, #tpu.memory_space<vmem>>, vector<2176x1024xbf16>
    %get3A_874 = arith.constant 0 : index
    %get3A_875 = arith.constant 0 : index
    %get3A_876 = vector.load %arg4[%get3A_874, %get3A_875] : memref<128x2176xbf16, #tpu.memory_space<vmem>>, vector<128x2176xbf16>
    %dot_general3A = arith.constant dense<0.000000e+00> : vector<1024x128xf32>
    %dot_general3A_877 = tpu.matmul %get3A_873, %get3A_876, %dot_general3A {dimension_numbers = #tpu.dot_dimension_numbers<[0], [1], [1], [0], [0, 1, 1, 0], [], []>, transpose_lhs_hint = false} : vector<2176x1024xbf16>, vector<128x2176xbf16>, vector<1024x128xf32> -> vector<1024x128xf32>
    %get3A_878 = arith.constant 0 : index
    %get3A_879 = arith.constant 0 : index
    %get3A_880 = arith.constant 0 : index
    %get3A_881 = vector.load %arg5[%get3A_878, %get3A_879, %get3A_880] : memref<1x1x128xf32, #tpu.memory_space<vmem>>, vector<1x1x128xf32>
    %get3A_882 = vector.shape_cast %get3A_881 : vector<1x1x128xf32> to vector<1x128xf32>
    %add3A_883 = vector.broadcast %get3A_882 : vector<1x128xf32> to vector<1024x128xf32>
    %add3A_884 = arith.addf %dot_general3A_877, %add3A_883 : vector<1024x128xf32>
    %swap3A_885 = arith.constant 0 : index
    %swap3A_886 = arith.constant 0 : index
    %swap3A_887 = arith.constant 0 : index
    %swap3A_888 = vector.load %arg6[%swap3A_885, %swap3A_886, %swap3A_887] : memref<1x1024x128xf32, #tpu.memory_space<vmem>>, vector<1x1024x128xf32>
    %swap3A_889 = vector.shape_cast %swap3A_888 : vector<1x1024x128xf32> to vector<1024x128xf32>
    %swap3A_890 = vector.shape_cast %add3A_884 : vector<1024x128xf32> to vector<1x1024x128xf32>
    tpu.vector_store %arg6[%swap3A_885, %swap3A_886, %swap3A_887], %swap3A_890 {strides = array<i32>} : memref<1x1024x128xf32, #tpu.memory_space<vmem>>, vector<1x1024x128xf32>,
    return
  }
  func.func @transform_0(%arg0: i32, %arg1: i32) -> (i32, i32) {
    %c0_i32 = arith.constant 0 : i32
    %c0_i32_0 = arith.constant 0 : i32
    %c0_i32_1 = arith.constant 0 : i32
    return %c0_i32, %c0_i32_0 : i32, i32
  }
  func.func @transform_1(%arg0: i32, %arg1: i32) -> (i32, i32, i32) {
    %c0_i32 = arith.constant 0 : i32
    %c0_i32_0 = arith.constant 0 : i32
    return %arg0, %c0_i32, %arg1 : i32, i32, i32
  }
  func.func @transform_2(%arg0: i32, %arg1: i32) -> (i32, i32) {
    %c0_i32 = arith.constant 0 : i32
    %c0_i32_0 = arith.constant 0 : i32
    %c0_i32_1 = arith.constant 0 : i32
    return %c0_i32, %c0_i32_0 : i32, i32
  }
  func.func @transform_3(%arg0: i32, %arg1: i32) -> (i32, i32, i32) {
    %c0_i32 = arith.constant 0 : i32
    %c0_i32_0 = arith.constant 0 : i32
    %c0_i32_1 = arith.constant 0 : i32
    return %arg0, %c0_i32, %c0_i32_0 : i32, i32, i32
  }
  func.func @transform_4(%arg0: i32, %arg1: i32) -> (i32, i32, i32) {
    %c0_i32 = arith.constant 0 : i32
    %c0_i32_0 = arith.constant 0 : i32
    return %arg0, %arg1, %c0_i32 : i32, i32, i32
  }
}

</mosaic_0001>

<sc_bundles>
// kernel: kernel.5.cloned.1.call-start
scs
__scs_entry_jumppad:
0x0: {  	(pc) =	sbr.rel $0x88, $3  }
0x1: {  	(tag) =	ssettag $0x0;
	lr =	simm.s32 $0x1  }
0x2: {  	[smem:$0x3F95] =	sst lr;
	_ =	strace $0xD0000000  }
0x3: {  	_ = 	snop  }
0x4: {  	_ = 	snop  }
0x5: {  	_ = 	snop  }
0x6: {  	_ = 	snop  }
0x7: {  	_ = 	snop  }
__scs_overlays_trampoline_lowered:
0x8: {  	[smem:$0x3FA4] =	sst s0  }
0x9: {  	[smem:$0x3FA5] =	sst s1  }
0xa: {  	[smem:$0x3FA6] =	sst s2  }
0xb: {  	[smem:$0x3FA7] =	sst s3  }
0xc: {  	[smem:$0x3FA8] =	sst s4  }
0xd: {  	[smem:$0x3FA9] =	sst s5  }
0xe: {  	[smem:$0x3FAA] =	sst s6  }
0xf: {  	[smem:$0x3FAB] =	sst s7  }
0x10: {  	[smem:$0x3FAC] =	sst s8  }
0x11: {  	[smem:$0x3FAD] =	sst s9;
	s0 =	simm.s32 @!p0 $0x0  }
0x12: {  	s1 =	sld [smem:$0x3F93];
	s0 =	simm.s32 @p0 $0x1  }
0x13: {  	[smem:$0x3FAE] =	sst s0;
	s0 =	simm.s32 @!p1 $0x0  }
0x14: {  	s2 =	sld [smem:$0x3F92];
	s0 =	simm.s32 @p1 $0x1  }
0x15: {  	[smem:$0x3FAF] =	sst s0;
	s0 =	simm.s32 @!p2 $0x0  }
0x16: {  	s3 =	sld [smem:$0x3FDB];
	s0 =	simm.s32 @p2 $0x1  }
0x17: {  	s4 =	simm.s32 $0x1BF5;
	[smem:$0x3FB1] =	sst s0  }
0x18: {  	s0 =	sld [smem:$0x3F94];
	_ =	swait.ge [sflag:s4], $0x0  }
0x19: {  	s7 =	sld [smem:$0x3F95]  }
0x1a: {  	s8 =	sadd.s32 $0xFFFFE003, lr  }
0x1b: {  	s9 =	sadd.s32 $0xFFFFFEF7, lr;
	s5 =	simm.s32 $0xFFFFFFFF;
	p2 =	slt.u32 s8, $0xFFFFF086  }
0x1c: {  	p1 =	slt.u32 s9, $0xF7A;
	s5 =	simm.s32 @!p2 $0x0  }
0x1d: {  	s5 =	simm.s32 @p1 $0x1;
	p0 =	seq.s32 s7, s2  }
0x1e: {  	s7 =	smul.u32 @!p0 $0xF7A, s2;
	p2 =	seq.s32 @!p0 s5, $0x0  }
0x1f: {  	s9 =	smul.u32 $0xF7A, s1;
	s8 =	simm.s32 @!p0 $0x1BF5;
	p2 =	por !p2, p0  }
0x20: {  	[sflag:s8] =	ssyncset.s32 @!p0 $0xFFFFF086;
	s6 =	sadd.s32 @!p0 s3, s7;
	s7 =	simm.s32 @!p0 $0x108  }
0x21: {  	s3 =	sadd.s32 s3, s9;
	s6 =	sadd.s32 @!p0 $0x88, s6;
	s7 =	simm.s32 @p2 $0x1082  }
0x22: {  	[simem:s7], [sflag:s8] =	dma.local @!p0 [hbm:s6], $0xF7A  }
0x23: {  	s9 =	sor.u32 $0xD0000000, s2;
	s6 =	simm.s32 $0x108;
	_ =	swait.ge @!p0 [sflag:s8], $0x0  }
0x24: {  	s3 =	sadd.s32 $0x88, s3;
	s6 =	simm.s32 @!p1 $0x1082;
	[sflag:s4] =	ssyncset.s32 $0xFFFFF086  }
0x25: {  	[simem:s6], [sflag:s4] =	dma.local [hbm:s3], $0xF7A  }
0x26: {  	[smem:$0x3F95] =	sst s1;
	(tag) =	ssettag s2;
	_ =	strace s9  }
0x27: {  	s1 =	sld [smem:$0x3FA5]  }
0x28: {  	s2 =	sld [smem:$0x3FA6]  }
0x29: {  	s4 =	sld [smem:$0x3FA8]  }
0x2a: {  	p0 =	seq.s32 s5, $0x0;
	s5 =	sld [smem:$0x3FA9]  }
0x2b: {  	s6 =	sld [smem:$0x3FAA]  }
0x2c: {  	s7 =	sld [smem:$0x3FAB]  }
0x2d: {  	s3 =	simm.s32 $0x108;
	s8 =	sld [smem:$0x3FAC]  }
0x2e: {  	s3 =	simm.s32 @!p0 $0x1082;
	s9 =	sld [smem:$0x3FAD]  }
0x2f: {  	lr =	sadd.s32 s0, s3;
	s0 =	sld [smem:$0x3FA4]  }
0x30: {  	s3 =	sld [smem:$0x3FA7]  }
0x31: {  	[smem:$0x3FB0] =	sst s10  }
0x32: {  	s10 =	sld [smem:$0x3FAE];
	_ =	sdelay $0x3  }
0x33: {  	p0 =	seq.s32 s10, $0x1;
	s10 =	sld [smem:$0x3FB0];
	_ =	sdelay $0x3  }
0x34: {  	[smem:$0x3FB0] =	sst s10  }
0x35: {  	s10 =	sld [smem:$0x3FAF];
	_ =	sdelay $0x3  }
0x36: {  	p1 =	seq.s32 s10, $0x1;
	s10 =	sld [smem:$0x3FB0];
	_ =	sdelay $0x3  }
0x37: {  	[smem:$0x3FB0] =	sst s10  }
0x38: {  	s10 =	sld [smem:$0x3FB1]  }
0x39: {  	_ = 	snop;
	(pc) =	sbr.ind lr, $3  }
0x3a: {  	_ = 	snop  }
0x3b: {  	_ = 	snop  }
0x3c: {  	p2 =	seq.s32 s10, $0x1;
	s10 =	sld [smem:$0x3FB0]  }
0x3d: {  	_ =	shalt  }
0x3e: {  	_ =	shalt  }
0x3f: {  	_ =	shalt  }
0x40: {  	_ =	shalt  }
0x41: {  	_ =	shalt  }
0x42: {  	_ =	shalt  }
0x43: {  	_ =	shalt  }
0x44: {  	_ =	shalt  }
0x45: {  	_ =	shalt  }
0x46: {  	_ =	shalt  }
0x47: {  	_ =	shalt  }
0x48: {  	_ =	shalt  }
0x49: {  	_ =	shalt  }
0x4a: {  	_ =	shalt  }
0x4b: {  	_ =	shalt  }
0x4c: {  	_ =	shalt  }
0x4d: {  	_ =	shalt  }
0x4e: {  	_ =	shalt  }
0x4f: {  	_ =	shalt  }
0x50: {  	_ =	shalt  }
0x51: {  	_ =	shalt  }
0x52: {  	_ =	shalt  }
0x53: {  	_ =	shalt  }
0x54: {  	_ =	shalt  }
0x55: {  	_ =	shalt  }
0x56: {  	_ =	shalt  }
0x57: {  	_ =	shalt  }
0x58: {  	_ =	shalt  }
0x59: {  	_ =	shalt  }
0x5a: {  	_ =	shalt  }
0x5b: {  	_ =	shalt  }
0x5c: {  	_ =	shalt  }
0x5d: {  	_ =	shalt  }
0x5e: {  	_ =	shalt  }
0x5f: {  	_ =	shalt  }
0x60: {  	_ =	shalt  }
0x61: {  	_ =	shalt  }
0x62: {  	_ =	shalt  }
0x63: {  	_ =	shalt  }
0x64: {  	_ =	shalt  }
0x65: {  	_ =	shalt  }
0x66: {  	_ =	shalt  }
0x67: {  	_ =	shalt  }
0x68: {  	_ =	shalt  }
0x69: {  	_ =	shalt  }
0x6a: {  	_ =	shalt  }
0x6b: {  	_ =	shalt  }
0x6c: {  	_ =	shalt  }
0x6d: {  	_ =	shalt  }
0x6e: {  	_ =	shalt  }
0x6f: {  	_ =	shalt  }
0x70: {  	_ =	shalt  }
0x71: {  	_ =	shalt  }
0x72: {  	_ =	shalt  }
0x73: {  	_ =	shalt  }
0x74: {  	_ =	shalt  }
0x75: {  	_ =	shalt  }
0x76: {  	_ =	shalt  }
0x77: {  	_ =	shalt  }
0x78: {  	_ =	shalt  }
0x79: {  	_ =	shalt  }
0x7a: {  	_ =	shalt  }
0x7b: {  	_ =	shalt  }
0x7c: {  	_ =	shalt  }
0x7d: {  	_ =	shalt  }
0x7e: {  	_ =	shalt  }
0x7f: {  	_ =	shalt  }
0x80: {  	_ =	shalt  }
0x81: {  	_ =	shalt  }
0x82: {  	_ =	shalt  }
0x83: {  	_ =	shalt  }
0x84: {  	_ =	shalt  }
0x85: {  	_ =	shalt  }
0x86: {  	_ =	shalt  }
0x87: {  	_ =	shalt  }
.Lfunc_end0:
.L_simem_size_0:
called_computation_lowered:
.L_overlay_start_0:
0x88: {  	s2 =	sld [smem:$0x3FD9]  }
0x89: {  	s3 =	sld [smem:$0x3FFE];
	_ =	sdelay $0x1  }
0x8a: {  	s1 =	srdreg.scid  }
0x8b: {  	s0 =	sand.u32 $0x1, s1  }
0x8c: {  	s17 =	sshll.u32 s0, $0xA;
	s2 =	sadd.s32 s3, s2  }
0x8d: {  	s2 =	sadd.s32 s2, s17  }
0x8e: {  	[smem:$0x3FBC] =	sst s2  }
0x8f: {  	_ = 	snop  }
0x90: {  	s2 =	sld [smem:$0x3FD0];
	(tm) =	ssettm $0x1  }
0x91: {  	s18 =	sld [smem:$0x3FFB];
	_ =	sdelay $0x3  }
0x92: {  	_ =	strace s18  }
0x93: {  	s3 =	sld [smem:$0x3FFC];
	_ =	sdelay $0x3  }
0x94: {  	_ =	strace s3  }
0x95: {  	s3 =	sld [smem:$0x3FFD];
	_ =	sdelay $0x3  }
0x96: {  	_ =	strace s3  }
0x97: {  	_ =	strace $0x8FFFFFFF  }
0x98: {  	s19 =	sld [smem:$0x3FDB];
	_ =	sdelay $0x1  }
0x99: {  	s4 =	simm.s32 $_scs_section_size  }
0x9a: {  	s5 =	simm.s32 $_size__tile_overlayer_lowered;
	s6 =	simm.s32 $_tile_overlayer_lowered  }
0x9b: {  	s22 =	simm.s32 $0x1BFF;
	s21 =	sshll.u32 s6, $0x1;
	s3 =	sadd.s32 s4, s19  }
0x9c: {  	s7 =	simm.s32 $0x0;
	s20 =	sshll.u32 s5, $0x1;
	s5 =	sadd.s32 s21, s3  }
0x9d: {  	[timem:s7], [sflag:s22] =	dma.local [hbm:s5], s20  }
0x9e: {  	_ =	swait.ge [sflag:s22], s20  }
0x9f: {  	s4 =	ssub.s32 $0x0, s20;
	[sflag:s22] =	ssyncset.done $0x0  }
0xa0: {  	[sflag:s22] =	ssyncadd.s32 s4;
	_ =	sdelay $0x1  }
0xa1: {  	s23 =	simm.s32 $0x1B8B  }
0xa2: {  	_ =	swait.ge [sflag:s23], $0x1  }
0xa3: {  	[sflag:s23] =	ssyncset.done $0x0  }
0xa4: {  	s25 =	simm.s32 $0x1B8E;
	s24 =	sld [smem:$0x3FFE];
	[sflag:s23] =	ssyncadd.s32 $0xFFFFFFFF  }
0xa5: {  	s26 =	simm.s32 $execute0_lowered;
	[smem:$0x3FD2] =	sst s25  }
0xa6: {  	s5 =	sshll.u32 s26, $0x1;
	_ =	strace $0x80000046;
	[dreg:$0x1] =	wrdreg $0xFFFFFFFF  }
0xa7: {  	s28 =	simm.s32 $_size_execute0_lowered;
	s3 =	sadd.s32 s3, s5;
	[dreg:$0x0] =	wrdreg $0x0  }
0xa8: {  	s5 =	sshll.u32 s28, $0x1;
	[dreg:$0x2] =	wrdreg s3  }
0xa9: {  	[dreg:$0x3] =	wrdreg s5  }
0xaa: {  	[dreg:$0x4] =	wrdreg $0xC0  }
0xab: {  	_ =	task [dreg:s7], $0x5FFFF  }
0xac: {  	[dreg:$0x1] =	wrdreg $0xFFFFFFFF  }
0xad: {  	[dreg:$0x0] =	wrdreg $0x60  }
0xae: {  	[dreg:$0x2] =	wrdreg s24  }
0xaf: {  	[dreg:$0x3] =	wrdreg s2  }
0xb0: {  	[dreg:$0x4] =	wrdreg $0x9  }
0xb1: {  	_ =	task.clear_ibuf [dreg:s7], $0x5FFFF;
	_ =	strace $0x90000046  }
0xb2: {  	s29 =	simm.s32 $0x9;
	_ =	strace $0x80000048  }
0xb3: {  	_ =	swait.ge [sflag:s29], $0x1  }
0xb4: {  	[sflag:s29] =	ssyncadd.s32 $0xFFFFFFFF  }
0xb5: {  	_ =	strace $0x90000048  }
0xb6: {  	_ =	sfence  }
0xb7: {  	s30 =	sld [smem:$0x0];
	_ =	sdelay $0x2  }
0xb8: {  	s31 =	sshll.u32 s1, $0xD;
	s1 =	sshrl.u32 s1, $0x2  }
0xb9: {  	s3 =	sand.u32 $0x4000, s31;
	s1 =	sadd.s32 s1, s30  }
0xba: {  	s0 =	sor.u32 s3, s0;
	s1 =	sshll.u32 s1, $0x11  }
0xbb: {  	s0 =	sor.u32 s1, s0  }
0xbc: {  	s0 =	sadd.s32 $0x8F2B, s0  }
0xbd: {  	[sflag:s0] =	ssyncadd.remote.s32 $0x1  }
0xbe: {  	_ =	sfence.sel $0xFFFF  }
0xbf: {  	[dreg:$0x0] =	wrdreg $0xFFFFFFFF;
	(pc) =	sbr.abs _section_cstart, $3  }
0xc0: {  	[dreg:$0x1] =	wrdreg $0xFFFFFFFF  }
0xc1: {  	_ =	task.clear_ibuf [dreg:s7], $0x2FFFF;
	_ =	strace $0x9FFFFFFF  }
0xc2: {  	(tm) =	ssettm $0x7FFFFFFF  }
0xc3: {  	_ =	shalt  }
tec
execute0_lowered:
.L_overlay_start_1:
0x0: {  	(tag) =	ssettag $0x1  }
0x1: {  	s0 =	rddreg [dreg:$0x0];
	s1 =	srdreg.scid  }
0x2: {  	s2 =	stileid.u32;
	s3 =	rddreg [dreg:$0x1]  }
0x3: {  	s31 =	simm.s32 $0x1;
	s10 =	simm.s32 $0x109E0;
	s11 =	simm.s32 $0x10D00  }
0x4: {  	s1 =	sand.u32 $0x1, s1;
	s4 =	sshll.u32 s2, $0x1;
	s2 =	simm.s32 $0x0  }
0x5: {  	s5 =	sadd.s32 $0x5600, s0;
	s16 =	sadd.s32 $0xA00, s0;
	s0 =	sadd.s32 $0x734C, s0  }
0x6: {  	s4 =	sor.u32 s1, s4;
	[smem:$0x7FF] =	sst s2;
	s1 =	ssub.s32 $0x2, s1  }
0x7: {  	s4 =	smul.u32 $0x320, s4;
	_ =	strace $0x80000047;
	[dreg:$0x3] =	wrdreg s5  }
0x8: {  	s12 =	simm.s32 $0x0;
	s6 =	sshrl.u32 s1, $0x1;
	[dreg:$0xf] =	wrdreg s0  }
0x9: {  	s0 =	simm.s32 $0xF0C0;
	s5 =	simm.s32 $0xFA40;
	s4 =	sshrl.u32 s4, $0x3  }
0xa: {  	s1 =	ssub.s32 s1, s6;
	s17 =	sadd.s32 $0xC80, s4;
	s7 =	sadd.s32 s16, s4  }
0xb: {  	s8 =	sadd.s32 $0x1900, s4;
	[dreg:$0x4] =	wrdreg s7;
	s18 =	sadd.s32 s16, s17  }
0xc: {  	s21 =	sadd.s32 $0x2580, s4;
	s19 =	sadd.s32 s16, s8;
	[dreg:$0x5] =	wrdreg s18  }
0xd: {  	s22 =	sadd.s32 $0x3200, s4;
	s6 =	sadd.s32 s3, s17;
	[dreg:$0x6] =	wrdreg s19  }
0xe: {  	s7 =	sadd.s32 s3, s4;
	s20 =	sadd.s32 s3, s8;
	[dreg:$0x7] =	wrdreg s6  }
0xf: {  	s4 =	sadd.s32 $0x3E80, s4;
	s9 =	sadd.s32 s3, s21;
	[dreg:$0x8] =	wrdreg s20  }
0x10: {  	s23 =	sadd.s32 s3, s22;
	s17 =	sadd.s32 s16, s21;
	[dreg:$0x9] =	wrdreg s9  }
0x11: {  	s8 =	simm.s32 $0x10080;
	[dreg:$0xa] =	wrdreg s23;
	s3 =	sadd.s32 s3, s4  }
0x12: {  	s24 =	sadd.s32 $0x4B00, s7;
	s25 =	sadd.s32 $0x5780, s7;
	s26 =	sadd.s32 $0x6400, s7  }
0x13: {  	s18 =	sadd.s32 s16, s22;
	s19 =	sadd.s32 s16, s4;
	s20 =	sadd.s32 $0x7080, s7  }
0x14: {  	s21 =	sadd.s32 $0x7D00, s7;
	s22 =	sadd.s32 $0x8980, s7;
	s23 =	sadd.s32 $0x9600, s7  }
0x15: {  	s28 =	sadd.s32 $0xBB80, s7;
	s29 =	sadd.s32 $0xC800, s7;
	[dreg:$0xb] =	wrdreg s3  }
0x16: {  	s30 =	sadd.s32 $0xD480, s7;
	s4 =	simm.s32 $0xF720;
	[dreg:$0xc] =	wrdreg s24  }
0x17: {  	s6 =	simm.s32 $0xFD60;
	s9 =	simm.s32 $0x106C0;
	[dreg:$0xd] =	wrdreg s25  }
0x18: {  	[dreg:$0xe] =	wrdreg s26;
	s24 =	sadd.s32 $0xA280, s7;
	s25 =	smax.u32 s1, $0x1  }
0x19: {  	s26 =	sadd.s32 $0xAF00, s7;
	s1 =	simm.s32 $0xEA80;
	s3 =	simm.s32 $0xF400  }
.LBB2_1:
0x1a: {  	s13 =	rddreg [dreg:$0x3]  }
0x1b: {  	[tilespmem:s2], [sflag:$0x1] =	stream.linear.gather [hbm4b:s13+s2], $0xEA60, $0x38;
	[tilespmem:$0x11080] =	vst v63  }
0x1c: {  	_ =	swait.ge [sflag:s31], $0xEA60  }
0x1d: {  	[sflag:s31] =	ssyncset.done $0x0  }
0x1e: {  	s15 =	rddreg [dreg:$0x4];
	[sflag:s31] =	ssyncadd.s32 $0xFFFF15A0  }
0x1f: {  	[tilespmem:s1], [sflag:$0x1] =	stream.linear.gather [hbm4b:s15+s2], $0x320, $0x38;
	[tilespmem:$0x11080] =	vst v63  }
0x20: {  	_ =	swait.ge [sflag:s31], $0x320  }
0x21: {  	[sflag:s31] =	ssyncset.done $0x0  }
0x22: {  	s13 =	simm.s32 $0xEDA0;
	s14 =	rddreg [dreg:$0x5];
	[sflag:s31] =	ssyncadd.s32 $0xFFFFFCE0  }
0x23: {  	[tilespmem:s13], [sflag:$0x1] =	stream.linear.gather [hbm4b:s14+s2], $0x320, $0x38;
	[tilespmem:$0x11080] =	vst v63  }
0x24: {  	_ =	swait.ge [sflag:s31], $0x320  }
0x25: {  	[sflag:s31] =	ssyncset.done $0x0  }
0x26: {  	s16 =	rddreg [dreg:$0x6];
	[sflag:s31] =	ssyncadd.s32 $0xFFFFFCE0  }
0x27: {  	[tilespmem:s0], [sflag:$0x1] =	stream.linear.gather [hbm4b:s16+s2], $0x320, $0x38;
	[tilespmem:$0x11080] =	vst v63  }
0x28: {  	_ =	swait.ge [sflag:s31], $0x320  }
0x29: {  	[sflag:s31] =	ssyncset.done $0x0  }
0x2a: {  	s15 =	simm.s32 $0x0;
	s14 =	simm.s32 $0x103A0;
	[sflag:s31] =	ssyncadd.s32 $0xFFFFFCE0  }
.LBB2_2:
0x2b: {  	v0 =	vld [tilespmem:s13+$0xFFFFFCE0];
	_ =	sdelay $0x7  }
0x2c: {  	v1 =	vld.idx.msk [tilespmem:v0+s2+$0x0], $0xffff  }
0x2d: {  	v2 =	vadd.s32 $0x4E20, v0;
	_ =	sdelay $0x3  }
0x2e: {  	[tilespmem:s14+$0xFFFFF060] =	vst v1  }
0x2f: {  	v1 =	vld.idx.msk [tilespmem:v2+s2+$0x0], $0xffff  }
0x30: {  	v0 =	vadd.s32 $0x9C40, v0;
	_ =	sdelay $0x3  }
0x31: {  	[tilespmem:s14+$0xFFFFF380] =	vst v1  }
0x32: {  	v0 =	vld.idx.msk [tilespmem:v0+s2+$0x0], $0xffff;
	_ =	sdelay $0x4  }
0x33: {  	[tilespmem:s14+$0xFFFFF6A0] =	vst v0  }
0x34: {  	v0 =	vld [tilespmem:s13+$0x0];
	_ =	sdelay $0x7  }
0x35: {  	v1 =	vld.idx.msk [tilespmem:v0+s2+$0x0], $0xffff  }
0x36: {  	v62 =	vadd.s32 $0x4E20, v0;
	_ =	sdelay $0x3  }
0x37: {  	[tilespmem:s14+$0xFFFFF9C0] =	vst v1  }
0x38: {  	v1 =	vld.idx.msk [tilespmem:v62+s2+$0x0], $0xffff  }
0x39: {  	v0 =	vadd.s32 $0x9C40, v0;
	_ =	sdelay $0x2  }
0x3a: {  	s16 =	sand.u32 $0x3F0, s15  }
0x3b: {  	[tilespmem:s16+$0x10080] =	vst v1  }
0x3c: {  	v0 =	vld.idx.msk [tilespmem:v0+s2+$0x0], $0xffff;
	_ =	sdelay $0x4  }
0x3d: {  	[tilespmem:s14+$0x0] =	vst v0  }
0x3e: {  	v0 =	vld [tilespmem:s13+$0x320];
	_ =	sdelay $0x7  }
0x3f: {  	v1 =	vld.idx.msk [tilespmem:v0+s2+$0x0], $0xffff  }
0x40: {  	v63 =	vadd.s32 $0x4E20, v0;
	_ =	sdelay $0x3  }
0x41: {  	[tilespmem:s14+$0x320] =	vst v1  }
0x42: {  	v1 =	vld.idx.msk [tilespmem:v63+s2+$0x0], $0xffff  }
0x43: {  	v0 =	vadd.s32 $0x9C40, v0;
	_ =	sdelay $0x3  }
0x44: {  	[tilespmem:s14+$0x640] =	vst v1  }
0x45: {  	p0 =	sne.s32 s15, $0x310;
	v0 =	vld.idx.msk [tilespmem:v0+s2+$0x0], $0xffff  }
.Ltmp0:
0x46: {  	_ = 	snop;
	(pc) =	sbr.rel @p0 .LBB2_2-.Ltmp0, $2  }
0x47: {  	_ =	sdelay $0x2  }
0x48: {  	s15 =	sadd.s32 $0x10, s15;
	s13 =	sadd.s32 $0x10, s13;
	s14 =	sadd.s32 $0x10, s14;
	[tilespmem:s16+$0x10D00] =	vst v0  }
0x49: {  	s13 =	simm.s32 $0x0  }
0x4a: {  	[hbm4b:s7+s13] =	stream.linear.scatter [tilespmem:s3], [sflag:$0x1], $0x320, $0x38;
	[tilespmem:$0x11080] =	vst v63  }
0x4b: {  	_ =	swait.ge [sflag:s31], $0x320  }
0x4c: {  	[sflag:s31] =	ssyncset.done $0x0  }
0x4d: {  	s14 =	rddreg [dreg:$0x7];
	[sflag:s31] =	ssyncadd.s32 $0xFFFFFCE0  }
0x4e: {  	[hbm4b:s14+s13] =	stream.linear.scatter [tilespmem:s4], [sflag:$0x1], $0x320, $0x38;
	[tilespmem:$0x11080] =	vst v63  }
0x4f: {  	_ =	swait.ge [sflag:s31], $0x320  }
0x50: {  	[sflag:s31] =	ssyncset.done $0x0  }
0x51: {  	s15 =	rddreg [dreg:$0x8];
	[sflag:s31] =	ssyncadd.s32 $0xFFFFFCE0  }
0x52: {  	[hbm4b:s15+s13] =	stream.linear.scatter [tilespmem:s5], [sflag:$0x1], $0x320, $0x38;
	[tilespmem:$0x11080] =	vst v63  }
0x53: {  	_ =	swait.ge [sflag:s31], $0x320  }
0x54: {  	[sflag:s31] =	ssyncset.done $0x0  }
0x55: {  	s16 =	rddreg [dreg:$0x9];
	[sflag:s31] =	ssyncadd.s32 $0xFFFFFCE0  }
0x56: {  	[hbm4b:s16+s13] =	stream.linear.scatter [tilespmem:s6], [sflag:$0x1], $0x320, $0x38;
	[tilespmem:$0x11080] =	vst v63  }
0x57: {  	_ =	swait.ge [sflag:s31], $0x320  }
0x58: {  	[sflag:s31] =	ssyncset.done $0x0  }
0x59: {  	s15 =	rddreg [dreg:$0xa];
	[sflag:s31] =	ssyncadd.s32 $0xFFFFFCE0  }
0x5a: {  	[hbm4b:s15+s13] =	stream.linear.scatter [tilespmem:s8], [sflag:$0x1], $0x320, $0x38;
	[tilespmem:$0x11080] =	vst v63  }
0x5b: {  	_ =	swait.ge [sflag:s31], $0x320  }
0x5c: {  	[sflag:s31] =	ssyncset.done $0x0  }
0x5d: {  	s14 =	simm.s32 $0x103A0;
	s15 =	rddreg [dreg:$0xb];
	[sflag:s31] =	ssyncadd.s32 $0xFFFFFCE0  }
0x5e: {  	[hbm4b:s15+s13] =	stream.linear.scatter [tilespmem:s14], [sflag:$0x1], $0x320, $0x38;
	[tilespmem:$0x11080] =	vst v63  }
0x5f: {  	_ =	swait.ge [sflag:s31], $0x320  }
0x60: {  	[sflag:s31] =	ssyncset.done $0x0  }
0x61: {  	s16 =	rddreg [dreg:$0xc];
	[sflag:s31] =	ssyncadd.s32 $0xFFFFFCE0  }
0x62: {  	[hbm4b:s16+s13] =	stream.linear.scatter [tilespmem:s9], [sflag:$0x1], $0x320, $0x38;
	[tilespmem:$0x11080] =	vst v63  }
0x63: {  	_ =	swait.ge [sflag:s31], $0x320  }
0x64: {  	[sflag:s31] =	ssyncset.done $0x0  }
0x65: {  	s16 =	rddreg [dreg:$0xd];
	[sflag:s31] =	ssyncadd.s32 $0xFFFFFCE0  }
0x66: {  	[hbm4b:s16+s13] =	stream.linear.scatter [tilespmem:s10], [sflag:$0x1], $0x320, $0x38;
	[tilespmem:$0x11080] =	vst v63  }
0x67: {  	_ =	swait.ge [sflag:s31], $0x320  }
0x68: {  	[sflag:s31] =	ssyncset.done $0x0  }
0x69: {  	s16 =	rddreg [dreg:$0xe];
	[sflag:s31] =	ssyncadd.s32 $0xFFFFFCE0  }
0x6a: {  	[hbm4b:s16+s13] =	stream.linear.scatter [tilespmem:s11], [sflag:$0x1], $0x320, $0x38;
	[tilespmem:$0x11080] =	vst v63  }
0x6b: {  	_ =	swait.ge [sflag:s31], $0x320  }
0x6c: {  	[sflag:s31] =	ssyncset.done $0x0  }
0x6d: {  	s16 =	rddreg [dreg:$0xf];
	[sflag:s31] =	ssyncadd.s32 $0xFFFFFCE0  }
0x6e: {  	[tilespmem:s13], [sflag:$0x1] =	stream.linear.gather [hbm4b:s16+s13], $0xEA60, $0x38;
	[tilespmem:$0x11080] =	vst v63  }
0x6f: {  	_ =	swait.ge [sflag:s31], $0xEA60  }
0x70: {  	[sflag:s31] =	ssyncset.done $0x0  }
0x71: {  	[sflag:s31] =	ssyncadd.s32 $0xFFFF15A0  }
0x72: {  	[tilespmem:s1], [sflag:$0x1] =	stream.linear.gather [hbm4b:s17+s13], $0x320, $0x38;
	[tilespmem:$0x11080] =	vst v63  }
0x73: {  	_ =	swait.ge [sflag:s31], $0x320  }
0x74: {  	[sflag:s31] =	ssyncset.done $0x0  }
0x75: {  	s15 =	simm.s32 $0xEDA0;
	[sflag:s31] =	ssyncadd.s32 $0xFFFFFCE0  }
0x76: {  	[tilespmem:s15], [sflag:$0x1] =	stream.linear.gather [hbm4b:s18+s13], $0x320, $0x38;
	[tilespmem:$0x11080] =	vst v63  }
0x77: {  	_ =	swait.ge [sflag:s31], $0x320  }
0x78: {  	[sflag:s31] =	ssyncset.done $0x0  }
0x79: {  	[sflag:s31] =	ssyncadd.s32 $0xFFFFFCE0  }
0x7a: {  	[tilespmem:s0], [sflag:$0x1] =	stream.linear.gather [hbm4b:s19+s13], $0x320, $0x38;
	[tilespmem:$0x11080] =	vst v63  }
0x7b: {  	_ =	swait.ge [sflag:s31], $0x320  }
0x7c: {  	[sflag:s31] =	ssyncset.done $0x0  }
0x7d: {  	[sflag:s31] =	ssyncadd.s32 $0xFFFFFCE0  }
.LBB2_4:
0x7e: {  	v0 =	vld [tilespmem:s15+$0xFFFFFCE0];
	_ =	sdelay $0x7  }
0x7f: {  	v1 =	vld.idx.msk [tilespmem:v0+s2+$0x0], $0xffff  }
0x80: {  	v2 =	vadd.s32 $0x4E20, v0;
	_ =	sdelay $0x3  }
0x81: {  	[tilespmem:s14+$0xFFFFF060] =	vst v1  }
0x82: {  	v1 =	vld.idx.msk [tilespmem:v2+s2+$0x0], $0xffff  }
0x83: {  	v0 =	vadd.s32 $0x9C40, v0;
	_ =	sdelay $0x3  }
0x84: {  	[tilespmem:s14+$0xFFFFF380] =	vst v1  }
0x85: {  	v0 =	vld.idx.msk [tilespmem:v0+s2+$0x0], $0xffff;
	_ =	sdelay $0x4  }
0x86: {  	[tilespmem:s14+$0xFFFFF6A0] =	vst v0  }
0x87: {  	v0 =	vld [tilespmem:s15+$0x0];
	_ =	sdelay $0x7  }
0x88: {  	v1 =	vld.idx.msk [tilespmem:v0+s2+$0x0], $0xffff  }
0x89: {  	v62 =	vadd.s32 $0x4E20, v0;
	_ =	sdelay $0x3  }
0x8a: {  	[tilespmem:s14+$0xFFFFF9C0] =	vst v1  }
0x8b: {  	v1 =	vld.idx.msk [tilespmem:v62+s2+$0x0], $0xffff  }
0x8c: {  	v0 =	vadd.s32 $0x9C40, v0;
	_ =	sdelay $0x2  }
0x8d: {  	s16 =	sand.u32 $0x3F0, s13  }
0x8e: {  	[tilespmem:s16+$0x10080] =	vst v1  }
0x8f: {  	v0 =	vld.idx.msk [tilespmem:v0+s2+$0x0], $0xffff;
	_ =	sdelay $0x4  }
0x90: {  	[tilespmem:s14+$0x0] =	vst v0  }
0x91: {  	v0 =	vld [tilespmem:s15+$0x320];
	_ =	sdelay $0x7  }
0x92: {  	v1 =	vld.idx.msk [tilespmem:v0+s2+$0x0], $0xffff  }
0x93: {  	v63 =	vadd.s32 $0x4E20, v0;
	_ =	sdelay $0x3  }
0x94: {  	[tilespmem:s14+$0x320] =	vst v1  }
0x95: {  	v1 =	vld.idx.msk [tilespmem:v63+s2+$0x0], $0xffff  }
0x96: {  	v0 =	vadd.s32 $0x9C40, v0;
	_ =	sdelay $0x3  }
0x97: {  	[tilespmem:s14+$0x640] =	vst v1  }
0x98: {  	p0 =	sne.s32 s13, $0x310;
	v0 =	vld.idx.msk [tilespmem:v0+s2+$0x0], $0xffff  }
.Ltmp1:
0x99: {  	_ = 	snop;
	(pc) =	sbr.rel @p0 .LBB2_4-.Ltmp1, $2  }
0x9a: {  	_ =	sdelay $0x2  }
0x9b: {  	s13 =	sadd.s32 $0x10, s13;
	s15 =	sadd.s32 $0x10, s15;
	s14 =	sadd.s32 $0x10, s14;
	[tilespmem:s16+$0x10D00] =	vst v0  }
0x9c: {  	[hbm4b:s20+s2] =	stream.linear.scatter [tilespmem:s3], [sflag:$0x1], $0x320, $0x38;
	[tilespmem:$0x11080] =	vst v63  }
0x9d: {  	_ =	swait.ge [sflag:s31], $0x320  }
0x9e: {  	[sflag:s31] =	ssyncset.done $0x0  }
0x9f: {  	[sflag:s31] =	ssyncadd.s32 $0xFFFFFCE0  }
0xa0: {  	[hbm4b:s21+s2] =	stream.linear.scatter [tilespmem:s4], [sflag:$0x1], $0x320, $0x38;
	[tilespmem:$0x11080] =	vst v63  }
0xa1: {  	_ =	swait.ge [sflag:s31], $0x320  }
0xa2: {  	[sflag:s31] =	ssyncset.done $0x0  }
0xa3: {  	[sflag:s31] =	ssyncadd.s32 $0xFFFFFCE0  }
0xa4: {  	[hbm4b:s22+s2] =	stream.linear.scatter [tilespmem:s5], [sflag:$0x1], $0x320, $0x38;
	[tilespmem:$0x11080] =	vst v63  }
0xa5: {  	_ =	swait.ge [sflag:s31], $0x320  }
0xa6: {  	[sflag:s31] =	ssyncset.done $0x0  }
0xa7: {  	[sflag:s31] =	ssyncadd.s32 $0xFFFFFCE0  }
0xa8: {  	[hbm4b:s23+s2] =	stream.linear.scatter [tilespmem:s6], [sflag:$0x1], $0x320, $0x38;
	[tilespmem:$0x11080] =	vst v63  }
0xa9: {  	_ =	swait.ge [sflag:s31], $0x320  }
0xaa: {  	[sflag:s31] =	ssyncset.done $0x0  }
0xab: {  	[sflag:s31] =	ssyncadd.s32 $0xFFFFFCE0  }
0xac: {  	[hbm4b:s24+s2] =	stream.linear.scatter [tilespmem:s8], [sflag:$0x1], $0x320, $0x38;
	[tilespmem:$0x11080] =	vst v63  }
0xad: {  	_ =	swait.ge [sflag:s31], $0x320  }
0xae: {  	[sflag:s31] =	ssyncset.done $0x0  }
0xaf: {  	s13 =	simm.s32 $0x103A0;
	[sflag:s31] =	ssyncadd.s32 $0xFFFFFCE0  }
0xb0: {  	[hbm4b:s26+s2] =	stream.linear.scatter [tilespmem:s13], [sflag:$0x1], $0x320, $0x38;
	[tilespmem:$0x11080] =	vst v63  }
0xb1: {  	_ =	swait.ge [sflag:s31], $0x320  }
0xb2: {  	[sflag:s31] =	ssyncset.done $0x0  }
0xb3: {  	[sflag:s31] =	ssyncadd.s32 $0xFFFFFCE0  }
0xb4: {  	[hbm4b:s28+s2] =	stream.linear.scatter [tilespmem:s9], [sflag:$0x1], $0x320, $0x38;
	[tilespmem:$0x11080] =	vst v63  }
0xb5: {  	_ =	swait.ge [sflag:s31], $0x320  }
0xb6: {  	[sflag:s31] =	ssyncset.done $0x0  }
0xb7: {  	[sflag:s31] =	ssyncadd.s32 $0xFFFFFCE0  }
0xb8: {  	[hbm4b:s29+s2] =	stream.linear.scatter [tilespmem:s10], [sflag:$0x1], $0x320, $0x38;
	[tilespmem:$0x11080] =	vst v63  }
0xb9: {  	s12 =	sadd.s32 $0x1, s12;
	_ =	swait.ge [sflag:s31], $0x320  }
0xba: {  	p0 =	sne.s32 s12, s25;
	[sflag:s31] =	ssyncset.done $0x0  }
.Ltmp2:
0xbb: {  	[sflag:s31] =	ssyncadd.s32 $0xFFFFFCE0;
	(pc) =	sbr.rel @p0 .LBB2_1-.Ltmp2, $4  }
0xbc: {  	[hbm4b:s30+s2] =	stream.linear.scatter [tilespmem:s11], [sflag:$0x1], $0x320, $0x38;
	[tilespmem:$0x11080] =	vst v63  }
0xbd: {  	_ =	swait.ge [sflag:s31], $0x320  }
0xbe: {  	[sflag:s31] =	ssyncset.done $0x0  }
0xbf: {  	[sflag:s31] =	ssyncadd.s32 $0xFFFFFCE0  }
0xc0: {  	_ =	sfence.sel $0x180000  }
0xc1: {  	[bflag:$0x0] =	sbarrier.arrive $0xFFFF  }
0xc2: {  	_ =	strace $0x90000047  }
0xc3: {  	s0 =	stileid.u32;
	[bflag:$0x2] =	sbarrier.arrive $0xFFFF  }
0xc4: {  	p0 =	sne.s32 s0, $0x0;
	s0 =	rddreg [dreg:$0x2]  }
0xc5: {  	s0 =	sadd.s32 @!p0 $0x100000, s0  }
0xc6: {  	[sflag:s0] =	ssyncadd.tile.s32 @!p0 $0x1;
	_ =	shalt  }
.Lfunc_end2:
_tile_overlayer_lowered:
.L_overlay_start_2:
0xc7: {  	(tag) =	ssettag $0x2  }
0xc8: {  	s0 =	rddreg [dreg:$0x0];
	s2 =	stileid.u32  }
0xc9: {  	s1 =	rddreg [dreg:$0x1];
	p0 =	sne.s32 s2, $0x0  }
0xca: {  	s3 =	rddreg [dreg:$0x2];
	[bflag:$0x3] =	sbarrier.arrive $0xFFFF;
	s2 =	simm.s32 @!p0 $0x1C01  }
0xcb: {  	[timem:s3], [sflag:s2] =	dma.local @!p0 [hbm:s0], s1  }
0xcc: {  	s0 =	simm.s32 @!p0 $0x1  }
0xcd: {  	_ =	swait.ge @!p0 [sflag:s0], s1  }
0xce: {  	s1 =	ssub.s32 @!p0 $0x0, s1;
	[sflag:s0] =	ssyncset.done @!p0 $0x0  }
0xcf: {  	[sflag:s0] =	ssyncadd.s32 @!p0 s1  }
0xd0: {  	[bflag:$0x3] =	sbarrier.arrive $0xFFFF  }
0xd1: {  	_ =	shalt  }

</sc_bundles>
